<compile_context>
chip_gen: v7x
topology: tpu7x:2x2x1
jax: 0.10.2.dev20260603
libtpu: 0.0.44.dev20260713+nightly
codegen_flags: <defaults>
</compile_context>

<pallas_src>
import jax
import jax.numpy as jnp
from jax.experimental import pallas as pl
from jax.experimental.pallas import tpu as pltpu
from jax.experimental.pallas import tpu_sc as plsc


_NT = 16
_NSC = 2
_CH = 128
_G = 8
_NBUF = 2


def _sc_scatter_sum(x2d, srcs, dsts, zrows, B, N, D, ngroups, rows_pt, n_pad):
    mesh = plsc.VectorSubcoreMesh(core_axis_name="c", subcore_axis_name="s")
    b_per_sc = B // _NSC
    wr_last = N - (_NT - 1) * rows_pt
    zr_last = n_pad - (_NT - 1) * rows_pt
    assert wr_last > 0 and wr_last % 8 == 0 and rows_pt % 8 == 0
    assert 0 < zr_last <= rows_pt and zr_last % 8 == 0

    assert ngroups % 2 == 0

    def body(x_hbm, src_hbm, dst_hbm, z_hbm, out_hbm,
             src_va, dst_va, src_vb, dst_vb,
             rows0, rows1, gsem0, gsem1, isema, isemb, acc_sh):
        cid = jax.lax.axis_index("c")
        sid = jax.lax.axis_index("s")
        rows = (rows0, rows1)
        gsems = (gsem0, gsem1)
        idx = ((src_va, dst_va, isema), (src_vb, dst_vb, isemb))

        def idx_copies(b, g, p):
            sv, dv, sem = idx[p]
            return (pltpu.make_async_copy(
                        src_hbm.at[(b * _NT + sid) * ngroups + g], sv, sem),
                    pltpu.make_async_copy(
                        dst_hbm.at[sid * ngroups + g], dv, sem))
        for b_loc in range(b_per_sc):
            b = b_loc * _NSC + cid

            for c in idx_copies(b, 0, 0):
                c.start()
            for c in idx_copies(b, 0, 0):
                c.wait()

            def gather0(jj):
                return pltpu.make_async_copy(
                    x_hbm.at[idx[0][0].at[jj]], rows[jj % _NBUF],
                    gsems[jj % _NBUF])

            gather0(0).start()
            gather0(1).start()

            @pl.when(sid < _NT - 1)
            def _():
                pltpu.sync_copy(z_hbm, acc_sh.at[pl.ds(sid * rows_pt, rows_pt)])

            @pl.when(sid == _NT - 1)
            def _():
                pltpu.sync_copy(
                    z_hbm.at[pl.ds(0, zr_last)],
                    acc_sh.at[pl.ds((_NT - 1) * rows_pt, zr_last)])

            plsc.subcore_barrier()

            @pl.loop(0, ngroups, step=2)
            def _(g):
                for c in idx_copies(b, g + 1, 1):
                    c.start()

                def gather(jj):
                    sv = idx[(jj // _G) % 2][0]
                    return pltpu.make_async_copy(
                        x_hbm.at[sv.at[jj % _G]], rows[jj % _NBUF],
                        gsems[jj % _NBUF])

                for jj in range(2 * _G):
                    if jj == _G - 2:
                        for c in idx_copies(b, g + 1, 1):
                            c.wait()
                    if jj == _G:
                        @pl.when(g + 2 < ngroups)
                        def _():
                            for c in idx_copies(b, g + 2, 0):
                                c.start()
                    gather(jj).wait()
                    dv = idx[(jj // _G) % 2][1]
                    pltpu.sync_copy(rows[jj % _NBUF],
                                    acc_sh.at[dv.at[jj % _G]], add=True)
                    if jj + 2 < 2 * _G:
                        gather(jj + 2).start()
                    elif jj == 2 * _G - 2:
                        @pl.when(g + 2 < ngroups)
                        def _():
                            for c in idx_copies(b, g + 2, 0):
                                c.wait()
                            gather(2 * _G).start()
                    else:
                        @pl.when(g + 2 < ngroups)
                        def _():
                            gather(2 * _G + 1).start()

            plsc.subcore_barrier()

            @pl.when(sid < _NT - 1)
            def _():
                pltpu.sync_copy(
                    acc_sh.at[pl.ds(sid * rows_pt, rows_pt)],
                    out_hbm.at[pl.ds(b * N + sid * rows_pt, rows_pt)],
                )

            @pl.when(sid == _NT - 1)
            def _():
                pltpu.sync_copy(
                    acc_sh.at[pl.ds((_NT - 1) * rows_pt, wr_last)],
                    out_hbm.at[pl.ds(b * N + (_NT - 1) * rows_pt, wr_last)],
                )

            plsc.subcore_barrier()

    kern = pl.kernel(
        body,
        out_type=jax.ShapeDtypeStruct((B * N, D), jnp.float32),
        mesh=mesh,
        scratch_types=[
            pltpu.VMEM((_G, _CH), jnp.int32),
            pltpu.VMEM((_G, _CH), jnp.int32),
            pltpu.VMEM((_G, _CH), jnp.int32),
            pltpu.VMEM((_G, _CH), jnp.int32),
            pltpu.VMEM((_CH, D), jnp.float32),
            pltpu.VMEM((_CH, D), jnp.float32),
            pltpu.SemaphoreType.DMA,
            pltpu.SemaphoreType.DMA,
            pltpu.SemaphoreType.DMA,
            pltpu.SemaphoreType.DMA,
            pltpu.VMEM_SHARED((n_pad, D), jnp.float32),
        ],
    )
    return kern(x2d, srcs, dsts, zrows)


def _combine_body(x_ref, agg_ref, ws_ref, wn_ref, b_ref, o_ref):
    h = jnp.dot(x_ref[...], ws_ref[...], preferred_element_type=jnp.float32)
    h = h + jnp.dot(agg_ref[...], wn_ref[...], preferred_element_type=jnp.float32)
    o_ref[...] = jnp.maximum(h + b_ref[...], 0.0)


def _combine(x2d, agg2d, wsT, wnT, bias):
    M, D = x2d.shape
    BM = 2000
    grid = (M // BM,)
    return pl.pallas_call(
        _combine_body,
        grid=grid,
        in_specs=[
            pl.BlockSpec((BM, D), lambda i: (i, 0)),
            pl.BlockSpec((BM, D), lambda i: (i, 0)),
            pl.BlockSpec((D, D), lambda i: (0, 0)),
            pl.BlockSpec((D, D), lambda i: (0, 0)),
            pl.BlockSpec((1, D), lambda i: (0, 0)),
        ],
        out_specs=pl.BlockSpec((BM, D), lambda i: (i, 0)),
        out_shape=jax.ShapeDtypeStruct((M, D), jnp.float32),
    )(x2d, agg2d, wsT, wnT, bias)


def kernel(x, edge_index, W_self, b_self, W_neigh, b_neigh):
    B, N, D = x.shape
    E = edge_index.shape[0]

    chunk_all = _NT * _G * _CH
    e_pad = ((E + chunk_all - 1) // chunk_all) * chunk_all
    ngroups = e_pad // chunk_all
    src = edge_index[:, 0].astype(jnp.int32)
    dst = edge_index[:, 1].astype(jnp.int32)
    pad = e_pad - E
    if pad:
        src = jnp.concatenate([src, jnp.zeros((pad,), jnp.int32)])
        dst = jnp.concatenate([dst, jnp.full((pad,), N, jnp.int32)])

    n_pad = ((N + 1 + 7) // 8) * 8
    rows_pt = (((n_pad + _NT - 1) // _NT + 7) // 8) * 8

    boffs = (jnp.arange(B, dtype=jnp.int32) * N)[:, None]
    srcs = (src[None, :] + boffs).reshape(B * _NT * ngroups, _G, _CH)
    dsts = dst.reshape(_NT * ngroups, _G, _CH)
    zrows = jnp.zeros((rows_pt, D), jnp.float32)

    x2d = x.reshape(B * N, D)
    agg2d = _sc_scatter_sum(x2d, srcs, dsts, zrows, B, N, D, ngroups, rows_pt, n_pad)

    bias = (b_self + b_neigh).reshape(1, D)
    out2d = _combine(x2d, agg2d, W_self.T, W_neigh.T, bias)
    return out2d.reshape(B, N, D)

# --- scband reference (transcript-rebuilt; emitter-appended) ---
"""Pipeline reference for scband-batched-gnnlayer-2851858284626 (READ-ONLY COPY).

The authoritative reference and input builder live on the scoring server;
editing this copy changes nothing except your own understanding.
"""

import jax, jax.numpy as jnp
import numpy as np

B, N, E, IN_DIM, OUT_DIM = 4, 10000, 320000, 128, 128

def setup_inputs(seed: int = 0) -> dict:
    key = jax.random.key(seed)
    k1, k2, k3, k4, k5, k6 = jax.random.split(key, 6)
    x = jax.random.normal(k1, (B, N, IN_DIM), dtype=jnp.float32)
    edge_index = jax.random.randint(k2, (E, 2), 0, N, dtype=jnp.int64)
    bound_s = 1.0 / np.sqrt(IN_DIM)
    W_self = jax.random.uniform(k3, (OUT_DIM, IN_DIM), minval=-bound_s, maxval=bound_s, dtype=jnp.float32)
    b_self = jax.random.uniform(k4, (OUT_DIM,), minval=-bound_s, maxval=bound_s, dtype=jnp.float32)
    W_neigh = jax.random.uniform(k5, (OUT_DIM, IN_DIM), minval=-bound_s, maxval=bound_s, dtype=jnp.float32)
    b_neigh = jax.random.uniform(k6, (OUT_DIM,), minval=-bound_s, maxval=bound_s, dtype=jnp.float32)
    return {"x": x, "edge_index": edge_index, "W_self": W_self, "b_self": b_self, "W_neigh": W_neigh, "b_neigh": b_neigh}

def reference(x, edge_index, W_self, b_self, W_neigh, b_neigh):
    Bx, Nx, in_dim = x.shape
    src = edge_index[:, 0]
    dst = edge_index[:, 1]
    x_flat = x.reshape(Bx * Nx, in_dim)
    batch_offsets = jnp.arange(Bx, dtype=edge_index.dtype)[:, None] * Nx
    src_flat = (src[None, :] + batch_offsets).reshape(-1)
    dst_flat = (dst[None, :] + batch_offsets).reshape(-1)
    messages = jnp.take(x_flat, src_flat, axis=0)
    agg_flat = jnp.zeros_like(x_flat).at[dst_flat].add(messages)
    agg = agg_flat.reshape(Bx, Nx, in_dim)
    h_self = x @ W_self.T + b_self
    h_neigh = agg @ W_neigh.T + b_neigh
    return jax.nn.relu(h_self + h_neigh)

if __name__ == "__main__":
    import jax
    _d = setup_inputs()
    print(jax.jit(kernel)(*tuple(_d.values())))

</pallas_src>

<mosaic_0001>
#map = affine_map<(d0, d1) -> (0, 0)>
#map1 = affine_map<(d0, d1) -> (0, 0, 0)>
module attributes {stable_mosaic.version = 14 : i64} {
  func.func @body(%arg0: i32, %arg1: i32, %arg2: memref<40000x128xf32, #tpu.memory_space<hbm>>, %arg3: memref<1280x8x128xi32, #tpu.memory_space<hbm>>, %arg4: memref<320x8x128xi32, #tpu.memory_space<hbm>>, %arg5: memref<632x128xf32, #tpu.memory_space<hbm>>, %arg6: memref<40000x128xf32, #tpu.memory_space<hbm>>, %arg7: memref<8x128xi32, #tpu.memory_space<vmem>>, %arg8: memref<8x128xi32, #tpu.memory_space<vmem>>, %arg9: memref<8x128xi32, #tpu.memory_space<vmem>>, %arg10: memref<8x128xi32, #tpu.memory_space<vmem>>, %arg11: memref<128x128xf32, #tpu.memory_space<vmem>>, %arg12: memref<128x128xf32, #tpu.memory_space<vmem>>, %arg13: memref<!tpu.dma_semaphore, #tpu.memory_space<semaphore_mem>>, %arg14: memref<!tpu.dma_semaphore, #tpu.memory_space<semaphore_mem>>, %arg15: memref<!tpu.dma_semaphore, #tpu.memory_space<semaphore_mem>>, %arg16: memref<!tpu.dma_semaphore, #tpu.memory_space<semaphore_mem>>, %arg17: memref<10008x128xf32, #tpu.memory_space<vmem_shared>>) attributes {dimension_semantics = [#tpu.dimension_semantics<core_parallel>, #tpu.dimension_semantics<subcore_parallel>], iteration_bounds = array<i64: 2, 16>, scalar_prefetch = 0 : i64, scratch_operands = 11 : i64, tpu.core_type = #tpu.core_type<sc_vector_subcore>, window_params = [{transform_indices = #map}, {transform_indices = #map1}, {transform_indices = #map1}, {transform_indices = #map}, {transform_indices = #map}]} {
    %add3A = arith.constant 0 : i32
    %add3A_0 = arith.addi %add3A, %arg0 : i32
    %mul3A = arith.constant 16 : i32
    %mul3A_1 = arith.muli %add3A_0, %mul3A : i32
    %add3A_2 = arith.addi %mul3A_1, %arg1 : i32
    %mul3A_3 = arith.constant 20 : i32
    %mul3A_4 = arith.muli %add3A_2, %mul3A_3 : i32
    %add3A_5 = arith.constant 0 : i32
    %add3A_6 = arith.addi %mul3A_4, %add3A_5 : i32
    %mul3A_7 = arith.constant 20 : i32
    %mul3A_8 = arith.muli %arg1, %mul3A_7 : i32
    %add3A_9 = arith.constant 0 : i32
    %add3A_10 = arith.addi %mul3A_8, %add3A_9 : i32
    %dma_start3A = arith.constant 0 : i32
    %dma_start3A_11 = arith.constant 0 : i32
    %dma_start3A_12 = tpu.memref_slice %arg3[%add3A_6, %dma_start3A, %dma_start3A_11] : memref<1280x8x128xi32, #tpu.memory_space<hbm>> -> memref<1x8x128xi32, #tpu.memory_space<hbm>>
    %dma_start3A_13 = tpu.memref_squeeze %dma_start3A_12 : memref<1x8x128xi32, #tpu.memory_space<hbm>> -> memref<8x128xi32, #tpu.memory_space<hbm>>
    %dma_start3A_14 = arith.constant 0 : i32
    %dma_start3A_15 = arith.constant 0 : i32
    %dma_start3A_16 = tpu.memref_slice %arg3[%add3A_6, %dma_start3A_14, %dma_start3A_15] : memref<1280x8x128xi32, #tpu.memory_space<hbm>> -> memref<1x8x128xi32, #tpu.memory_space<hbm>>
    %dma_start3A_17 = tpu.memref_squeeze %dma_start3A_16 : memref<1x8x128xi32, #tpu.memory_space<hbm>> -> memref<8x128xi32, #tpu.memory_space<hbm>>
    tpu.enqueue_dma source(%dma_start3A_17 : memref<8x128xi32, #tpu.memory_space<hbm>>) target(%arg7 : memref<8x128xi32, #tpu.memory_space<vmem>>) target_semaphore(%arg15 : memref<!tpu.dma_semaphore, #tpu.memory_space<semaphore_mem>>)
    %dma_start3A_18 = arith.constant 0 : i32
    %dma_start3A_19 = arith.constant 0 : i32
    %dma_start3A_20 = tpu.memref_slice %arg4[%add3A_10, %dma_start3A_18, %dma_start3A_19] : memref<320x8x128xi32, #tpu.memory_space<hbm>> -> memref<1x8x128xi32, #tpu.memory_space<hbm>>
    %dma_start3A_21 = tpu.memref_squeeze %dma_start3A_20 : memref<1x8x128xi32, #tpu.memory_space<hbm>> -> memref<8x128xi32, #tpu.memory_space<hbm>>
    %dma_start3A_22 = arith.constant 0 : i32
    %dma_start3A_23 = arith.constant 0 : i32
    %dma_start3A_24 = tpu.memref_slice %arg4[%add3A_10, %dma_start3A_22, %dma_start3A_23] : memref<320x8x128xi32, #tpu.memory_space<hbm>> -> memref<1x8x128xi32, #tpu.memory_space<hbm>>
    %dma_start3A_25 = tpu.memref_squeeze %dma_start3A_24 : memref<1x8x128xi32, #tpu.memory_space<hbm>> -> memref<8x128xi32, #tpu.memory_space<hbm>>
    tpu.enqueue_dma source(%dma_start3A_25 : memref<8x128xi32, #tpu.memory_space<hbm>>) target(%arg8 : memref<8x128xi32, #tpu.memory_space<vmem>>) target_semaphore(%arg15 : memref<!tpu.dma_semaphore, #tpu.memory_space<semaphore_mem>>)
    %mul3A_26 = arith.constant 16 : i32
    %mul3A_27 = arith.muli %add3A_0, %mul3A_26 : i32
    %add3A_28 = arith.addi %mul3A_27, %arg1 : i32
    %mul3A_29 = arith.constant 20 : i32
    %mul3A_30 = arith.muli %add3A_28, %mul3A_29 : i32
    %add3A_31 = arith.constant 0 : i32
    %add3A_32 = arith.addi %mul3A_30, %add3A_31 : i32
    %mul3A_33 = arith.constant 20 : i32
    %mul3A_34 = arith.muli %arg1, %mul3A_33 : i32
    %add3A_35 = arith.constant 0 : i32
    %add3A_36 = arith.addi %mul3A_34, %add3A_35 : i32
    %dma_wait3A = arith.constant 0 : i32
    %dma_wait3A_37 = arith.constant 0 : i32
    %dma_wait3A_38 = tpu.memref_slice %arg3[%add3A_32, %dma_wait3A, %dma_wait3A_37] : memref<1280x8x128xi32, #tpu.memory_space<hbm>> -> memref<1x8x128xi32, #tpu.memory_space<hbm>>
    %dma_wait3A_39 = tpu.memref_squeeze %dma_wait3A_38 : memref<1x8x128xi32, #tpu.memory_space<hbm>> -> memref<8x128xi32, #tpu.memory_space<hbm>>
    %dma_wait3A_40 = arith.constant 0 : i32
    %dma_wait3A_41 = arith.constant 0 : i32
    %dma_wait3A_42 = tpu.memref_slice %arg3[%add3A_32, %dma_wait3A_40, %dma_wait3A_41] : memref<1280x8x128xi32, #tpu.memory_space<hbm>> -> memref<1x8x128xi32, #tpu.memory_space<hbm>>
    %dma_wait3A_43 = tpu.memref_squeeze %dma_wait3A_42 : memref<1x8x128xi32, #tpu.memory_space<hbm>> -> memref<8x128xi32, #tpu.memory_space<hbm>>
    tpu.wait_dma2 semaphore(%arg15 : memref<!tpu.dma_semaphore, #tpu.memory_space<semaphore_mem>>) src(%dma_wait3A_43 : memref<8x128xi32, #tpu.memory_space<hbm>>) dst(%arg7 : memref<8x128xi32, #tpu.memory_space<vmem>>)
    %dma_wait3A_44 = arith.constant 0 : i32
    %dma_wait3A_45 = arith.constant 0 : i32
    %dma_wait3A_46 = tpu.memref_slice %arg4[%add3A_36, %dma_wait3A_44, %dma_wait3A_45] : memref<320x8x128xi32, #tpu.memory_space<hbm>> -> memref<1x8x128xi32, #tpu.memory_space<hbm>>
    %dma_wait3A_47 = tpu.memref_squeeze %dma_wait3A_46 : memref<1x8x128xi32, #tpu.memory_space<hbm>> -> memref<8x128xi32, #tpu.memory_space<hbm>>
    %dma_wait3A_48 = arith.constant 0 : i32
    %dma_wait3A_49 = arith.constant 0 : i32
    %dma_wait3A_50 = tpu.memref_slice %arg4[%add3A_36, %dma_wait3A_48, %dma_wait3A_49] : memref<320x8x128xi32, #tpu.memory_space<hbm>> -> memref<1x8x128xi32, #tpu.memory_space<hbm>>
    %dma_wait3A_51 = tpu.memref_squeeze %dma_wait3A_50 : memref<1x8x128xi32, #tpu.memory_space<hbm>> -> memref<8x128xi32, #tpu.memory_space<hbm>>
    tpu.wait_dma2 semaphore(%arg15 : memref<!tpu.dma_semaphore, #tpu.memory_space<semaphore_mem>>) src(%dma_wait3A_51 : memref<8x128xi32, #tpu.memory_space<hbm>>) dst(%arg8 : memref<8x128xi32, #tpu.memory_space<vmem>>)
    %dma_start3A_52 = arith.constant 0 : i32
    %dma_start3A_53 = arith.constant 0 : i32
    %dma_start3A_54 = tpu.memref_slice %arg7[%dma_start3A_52, %dma_start3A_53] : memref<8x128xi32, #tpu.memory_space<vmem>> -> memref<1x128xi32, #tpu.memory_space<vmem>>
    %dma_start3A_55 = tpu.memref_squeeze %dma_start3A_54 : memref<1x128xi32, #tpu.memory_space<vmem>> -> memref<128xi32, #tpu.memory_space<vmem>>
    %dma_start3A_56 = arith.constant 0 : i32
    %dma_start3A_57 = arith.constant 0 : i32
    %dma_start3A_58 = tpu.memref_slice %arg2[%dma_start3A_56, %dma_start3A_57] : memref<40000x128xf32, #tpu.memory_space<hbm>> -> memref<40000x128xf32, #tpu.memory_space<hbm>>
    tpu.enqueue_indirect_dma source(%dma_start3A_58 : memref<40000x128xf32, #tpu.memory_space<hbm>>) target(%arg11 : memref<128x128xf32, #tpu.memory_space<vmem>>) offsets(%dma_start3A_55 : memref<128xi32, #tpu.memory_space<vmem>>) semaphore(%arg13 : memref<!tpu.dma_semaphore, #tpu.memory_space<semaphore_mem>>)
    %dma_start3A_59 = arith.constant 1 : i32
    %dma_start3A_60 = arith.constant 0 : i32
    %dma_start3A_61 = tpu.memref_slice %arg7[%dma_start3A_59, %dma_start3A_60] : memref<8x128xi32, #tpu.memory_space<vmem>> -> memref<1x128xi32, #tpu.memory_space<vmem>>
    %dma_start3A_62 = tpu.memref_squeeze %dma_start3A_61 : memref<1x128xi32, #tpu.memory_space<vmem>> -> memref<128xi32, #tpu.memory_space<vmem>>
    %dma_start3A_63 = arith.constant 0 : i32
    %dma_start3A_64 = arith.constant 0 : i32
    %dma_start3A_65 = tpu.memref_slice %arg2[%dma_start3A_63, %dma_start3A_64] : memref<40000x128xf32, #tpu.memory_space<hbm>> -> memref<40000x128xf32, #tpu.memory_space<hbm>>
    tpu.enqueue_indirect_dma source(%dma_start3A_65 : memref<40000x128xf32, #tpu.memory_space<hbm>>) target(%arg12 : memref<128x128xf32, #tpu.memory_space<vmem>>) offsets(%dma_start3A_62 : memref<128xi32, #tpu.memory_space<vmem>>) semaphore(%arg14 : memref<!tpu.dma_semaphore, #tpu.memory_space<semaphore_mem>>)
    %lt3A = arith.constant 15 : i32
    %lt3A_66 = arith.cmpi slt, %arg1, %lt3A : i32
    %convert_element_type3A = arith.extui %lt3A_66 : i1 to i32
    %cond3A = arith.constant 0 : i32
    %cond3A_67 = arith.cmpi ne, %convert_element_type3A, %cond3A : i32
    scf.if %cond3A_67 {
      %mul3A_186 = arith.constant 632 : i32
      %mul3A_187 = arith.muli %arg1, %mul3A_186 : i32
      "tpu.region"() ({
        %run_scoped3A = tpu.sem_alloc : memref<!tpu.dma_semaphore, #tpu.memory_space<semaphore_mem>>
        %dma_start3A_188 = arith.constant 0 : i32
        %dma_start3A_189 = tpu.memref_slice %arg17[%mul3A_187, %dma_start3A_188] : memref<10008x128xf32, #tpu.memory_space<vmem_shared>> -> memref<632x128xf32, #tpu.memory_space<vmem_shared>>
        tpu.enqueue_dma source(%arg5 : memref<632x128xf32, #tpu.memory_space<hbm>>) target(%dma_start3A_189 : memref<632x128xf32, #tpu.memory_space<vmem_shared>>) target_semaphore(%run_scoped3A : memref<!tpu.dma_semaphore, #tpu.memory_space<semaphore_mem>>)
        %dma_wait3A_190 = arith.constant 0 : i32
        %dma_wait3A_191 = tpu.memref_slice %arg17[%mul3A_187, %dma_wait3A_190] : memref<10008x128xf32, #tpu.memory_space<vmem_shared>> -> memref<632x128xf32, #tpu.memory_space<vmem_shared>>
        tpu.wait_dma2 semaphore(%run_scoped3A : memref<!tpu.dma_semaphore, #tpu.memory_space<semaphore_mem>>) src(%arg5 : memref<632x128xf32, #tpu.memory_space<hbm>>) dst(%dma_wait3A_191 : memref<632x128xf32, #tpu.memory_space<vmem_shared>>)
        tpu.yield
      }) : () -> ()
    } else {
    }
    %eq3A = arith.constant 15 : i32
    %eq3A_68 = arith.cmpi eq, %arg1, %eq3A : i32
    %convert_element_type3A_69 = arith.extui %eq3A_68 : i1 to i32
    %cond3A_70 = arith.constant 0 : i32
    %cond3A_71 = arith.cmpi ne, %convert_element_type3A_69, %cond3A_70 : i32
    scf.if %cond3A_71 {
      "tpu.region"() ({
        %run_scoped3A = tpu.sem_alloc : memref<!tpu.dma_semaphore, #tpu.memory_space<semaphore_mem>>
        %dma_start3A_186 = arith.constant 9480 : i32
        %dma_start3A_187 = arith.constant 0 : i32
        %dma_start3A_188 = tpu.memref_slice %arg17[%dma_start3A_186, %dma_start3A_187] : memref<10008x128xf32, #tpu.memory_space<vmem_shared>> -> memref<528x128xf32, #tpu.memory_space<vmem_shared>>
        %dma_start3A_189 = arith.constant 0 : i32
        %dma_start3A_190 = arith.constant 0 : i32
        %dma_start3A_191 = tpu.memref_slice %arg5[%dma_start3A_189, %dma_start3A_190] : memref<632x128xf32, #tpu.memory_space<hbm>> -> memref<528x128xf32, #tpu.memory_space<hbm>>
        tpu.enqueue_dma source(%dma_start3A_191 : memref<528x128xf32, #tpu.memory_space<hbm>>) target(%dma_start3A_188 : memref<528x128xf32, #tpu.memory_space<vmem_shared>>) target_semaphore(%run_scoped3A : memref<!tpu.dma_semaphore, #tpu.memory_space<semaphore_mem>>)
        %dma_wait3A_192 = arith.constant 9480 : i32
        %dma_wait3A_193 = arith.constant 0 : i32
        %dma_wait3A_194 = tpu.memref_slice %arg17[%dma_wait3A_192, %dma_wait3A_193] : memref<10008x128xf32, #tpu.memory_space<vmem_shared>> -> memref<528x128xf32, #tpu.memory_space<vmem_shared>>
        %dma_wait3A_195 = arith.constant 0 : i32
        %dma_wait3A_196 = arith.constant 0 : i32
        %dma_wait3A_197 = tpu.memref_slice %arg5[%dma_wait3A_195, %dma_wait3A_196] : memref<632x128xf32, #tpu.memory_space<hbm>> -> memref<528x128xf32, #tpu.memory_space<hbm>>
        tpu.wait_dma2 semaphore(%run_scoped3A : memref<!tpu.dma_semaphore, #tpu.memory_space<semaphore_mem>>) src(%dma_wait3A_197 : memref<528x128xf32, #tpu.memory_space<hbm>>) dst(%dma_wait3A_194 : memref<528x128xf32, #tpu.memory_space<vmem_shared>>)
        tpu.yield
      }) : () -> ()
    } else {
    }
    %barrier3A = arith.constant 0 : index
    tpu.barrier barrier_id(%barrier3A)
    %scan3A = arith.constant 0 : i32
    %scan3A_72 = arith.constant 10 : i32
    %scan3A_73 = arith.addi %scan3A, %scan3A_72 : i32
    %scan3A_74 = arith.constant 1 : i32
    scf.for %scan3A_186 = %scan3A to %scan3A_73 step %scan3A_74  : i32 {
      %mul3A_187 = arith.constant 2 : i32
      %mul3A_188 = arith.muli %scan3A_186, %mul3A_187 : i32
      %add3A_189 = arith.constant 0 : i32
      %add3A_190 = arith.addi %add3A_189, %mul3A_188 : i32
      %add3A_191 = arith.constant 1 : i32
      %add3A_192 = arith.addi %add3A_190, %add3A_191 : i32
      %mul3A_193 = arith.constant 16 : i32
      %mul3A_194 = arith.muli %add3A_0, %mul3A_193 : i32
      %add3A_195 = arith.addi %mul3A_194, %arg1 : i32
      %mul3A_196 = arith.constant 20 : i32
      %mul3A_197 = arith.muli %add3A_195, %mul3A_196 : i32
      %add3A_198 = arith.addi %mul3A_197, %add3A_192 : i32
      %mul3A_199 = arith.constant 20 : i32
      %mul3A_200 = arith.muli %arg1, %mul3A_199 : i32
      %add3A_201 = arith.addi %mul3A_200, %add3A_192 : i32
      %dma_start3A_202 = arith.constant 0 : i32
      %dma_start3A_203 = arith.constant 0 : i32
      %dma_start3A_204 = tpu.memref_slice %arg3[%add3A_198, %dma_start3A_202, %dma_start3A_203] : memref<1280x8x128xi32, #tpu.memory_space<hbm>> -> memref<1x8x128xi32, #tpu.memory_space<hbm>>
      %dma_start3A_205 = tpu.memref_squeeze %dma_start3A_204 : memref<1x8x128xi32, #tpu.memory_space<hbm>> -> memref<8x128xi32, #tpu.memory_space<hbm>>
      %dma_start3A_206 = arith.constant 0 : i32
      %dma_start3A_207 = arith.constant 0 : i32
      %dma_start3A_208 = tpu.memref_slice %arg3[%add3A_198, %dma_start3A_206, %dma_start3A_207] : memref<1280x8x128xi32, #tpu.memory_space<hbm>> -> memref<1x8x128xi32, #tpu.memory_space<hbm>>
      %dma_start3A_209 = tpu.memref_squeeze %dma_start3A_208 : memref<1x8x128xi32, #tpu.memory_space<hbm>> -> memref<8x128xi32, #tpu.memory_space<hbm>>
      tpu.enqueue_dma source(%dma_start3A_209 : memref<8x128xi32, #tpu.memory_space<hbm>>) target(%arg9 : memref<8x128xi32, #tpu.memory_space<vmem>>) target_semaphore(%arg16 : memref<!tpu.dma_semaphore, #tpu.memory_space<semaphore_mem>>)
      %dma_start3A_210 = arith.constant 0 : i32
      %dma_start3A_211 = arith.constant 0 : i32
      %dma_start3A_212 = tpu.memref_slice %arg4[%add3A_201, %dma_start3A_210, %dma_start3A_211] : memref<320x8x128xi32, #tpu.memory_space<hbm>> -> memref<1x8x128xi32, #tpu.memory_space<hbm>>
      %dma_start3A_213 = tpu.memref_squeeze %dma_start3A_212 : memref<1x8x128xi32, #tpu.memory_space<hbm>> -> memref<8x128xi32, #tpu.memory_space<hbm>>
      %dma_start3A_214 = arith.constant 0 : i32
      %dma_start3A_215 = arith.constant 0 : i32
      %dma_start3A_216 = tpu.memref_slice %arg4[%add3A_201, %dma_start3A_214, %dma_start3A_215] : memref<320x8x128xi32, #tpu.memory_space<hbm>> -> memref<1x8x128xi32, #tpu.memory_space<hbm>>
      %dma_start3A_217 = tpu.memref_squeeze %dma_start3A_216 : memref<1x8x128xi32, #tpu.memory_space<hbm>> -> memref<8x128xi32, #tpu.memory_space<hbm>>
      tpu.enqueue_dma source(%dma_start3A_217 : memref<8x128xi32, #tpu.memory_space<hbm>>) target(%arg10 : memref<8x128xi32, #tpu.memory_space<vmem>>) target_semaphore(%arg16 : memref<!tpu.dma_semaphore, #tpu.memory_space<semaphore_mem>>)
      %dma_wait3A_218 = arith.constant 0 : i32
      %dma_wait3A_219 = arith.constant 0 : i32
      %dma_wait3A_220 = tpu.memref_slice %arg7[%dma_wait3A_218, %dma_wait3A_219] : memref<8x128xi32, #tpu.memory_space<vmem>> -> memref<1x128xi32, #tpu.memory_space<vmem>>
      %dma_wait3A_221 = tpu.memref_squeeze %dma_wait3A_220 : memref<1x128xi32, #tpu.memory_space<vmem>> -> memref<128xi32, #tpu.memory_space<vmem>>
      %dma_wait3A_222 = arith.constant 0 : i32
      %dma_wait3A_223 = arith.constant 0 : i32
      %dma_wait3A_224 = tpu.memref_slice %arg2[%dma_wait3A_222, %dma_wait3A_223] : memref<40000x128xf32, #tpu.memory_space<hbm>> -> memref<40000x128xf32, #tpu.memory_space<hbm>>
      tpu.wait_indirect_dma semaphore(%arg13 : memref<!tpu.dma_semaphore, #tpu.memory_space<semaphore_mem>>) src(%dma_wait3A_224 : memref<40000x128xf32, #tpu.memory_space<hbm>>) dst(%arg11 : memref<128x128xf32, #tpu.memory_space<vmem>>)
      %run_scoped3A = arith.constant 0 : i32
      "tpu.region"() ({
        %run_scoped3A_491 = tpu.sem_alloc : memref<!tpu.dma_semaphore, #tpu.memory_space<semaphore_mem>>
        %dma_start3A_492 = arith.constant 0 : i32
        %dma_start3A_493 = tpu.memref_slice %arg8[%run_scoped3A, %dma_start3A_492] : memref<8x128xi32, #tpu.memory_space<vmem>> -> memref<1x128xi32, #tpu.memory_space<vmem>>
        %dma_start3A_494 = tpu.memref_squeeze %dma_start3A_493 : memref<1x128xi32, #tpu.memory_space<vmem>> -> memref<128xi32, #tpu.memory_space<vmem>>
        %dma_start3A_495 = arith.constant 0 : i32
        %dma_start3A_496 = arith.constant 0 : i32
        %dma_start3A_497 = tpu.memref_slice %arg17[%dma_start3A_495, %dma_start3A_496] : memref<10008x128xf32, #tpu.memory_space<vmem_shared>> -> memref<10008x128xf32, #tpu.memory_space<vmem_shared>>
        tpu.enqueue_indirect_dma source(%arg11 : memref<128x128xf32, #tpu.memory_space<vmem>>) target(%dma_start3A_497 : memref<10008x128xf32, #tpu.memory_space<vmem_shared>>) offsets(%dma_start3A_494 : memref<128xi32, #tpu.memory_space<vmem>>) semaphore(%run_scoped3A_491 : memref<!tpu.dma_semaphore, #tpu.memory_space<semaphore_mem>>) {add = true}
        %dma_wait3A_498 = arith.constant 0 : i32
        %dma_wait3A_499 = tpu.memref_slice %arg8[%run_scoped3A, %dma_wait3A_498] : memref<8x128xi32, #tpu.memory_space<vmem>> -> memref<1x128xi32, #tpu.memory_space<vmem>>
        %dma_wait3A_500 = tpu.memref_squeeze %dma_wait3A_499 : memref<1x128xi32, #tpu.memory_space<vmem>> -> memref<128xi32, #tpu.memory_space<vmem>>
        %dma_wait3A_501 = arith.constant 0 : i32
        %dma_wait3A_502 = arith.constant 0 : i32
        %dma_wait3A_503 = tpu.memref_slice %arg17[%dma_wait3A_501, %dma_wait3A_502] : memref<10008x128xf32, #tpu.memory_space<vmem_shared>> -> memref<10008x128xf32, #tpu.memory_space<vmem_shared>>
        tpu.wait_indirect_dma semaphore(%run_scoped3A_491 : memref<!tpu.dma_semaphore, #tpu.memory_space<semaphore_mem>>) src(%arg11 : memref<128x128xf32, #tpu.memory_space<vmem>>) dst(%dma_wait3A_503 : memref<10008x128xf32, #tpu.memory_space<vmem_shared>>)
        tpu.yield
      }) : () -> ()
      %dma_start3A_225 = arith.constant 2 : i32
      %dma_start3A_226 = arith.constant 0 : i32
      %dma_start3A_227 = tpu.memref_slice %arg7[%dma_start3A_225, %dma_start3A_226] : memref<8x128xi32, #tpu.memory_space<vmem>> -> memref<1x128xi32, #tpu.memory_space<vmem>>
      %dma_start3A_228 = tpu.memref_squeeze %dma_start3A_227 : memref<1x128xi32, #tpu.memory_space<vmem>> -> memref<128xi32, #tpu.memory_space<vmem>>
      %dma_start3A_229 = arith.constant 0 : i32
      %dma_start3A_230 = arith.constant 0 : i32
      %dma_start3A_231 = tpu.memref_slice %arg2[%dma_start3A_229, %dma_start3A_230] : memref<40000x128xf32, #tpu.memory_space<hbm>> -> memref<40000x128xf32, #tpu.memory_space<hbm>>
      tpu.enqueue_indirect_dma source(%dma_start3A_231 : memref<40000x128xf32, #tpu.memory_space<hbm>>) target(%arg11 : memref<128x128xf32, #tpu.memory_space<vmem>>) offsets(%dma_start3A_228 : memref<128xi32, #tpu.memory_space<vmem>>) semaphore(%arg13 : memref<!tpu.dma_semaphore, #tpu.memory_space<semaphore_mem>>)
      %dma_wait3A_232 = arith.constant 1 : i32
      %dma_wait3A_233 = arith.constant 0 : i32
      %dma_wait3A_234 = tpu.memref_slice %arg7[%dma_wait3A_232, %dma_wait3A_233] : memref<8x128xi32, #tpu.memory_space<vmem>> -> memref<1x128xi32, #tpu.memory_space<vmem>>
      %dma_wait3A_235 = tpu.memref_squeeze %dma_wait3A_234 : memref<1x128xi32, #tpu.memory_space<vmem>> -> memref<128xi32, #tpu.memory_space<vmem>>
      %dma_wait3A_236 = arith.constant 0 : i32
      %dma_wait3A_237 = arith.constant 0 : i32
      %dma_wait3A_238 = tpu.memref_slice %arg2[%dma_wait3A_236, %dma_wait3A_237] : memref<40000x128xf32, #tpu.memory_space<hbm>> -> memref<40000x128xf32, #tpu.memory_space<hbm>>
      tpu.wait_indirect_dma semaphore(%arg14 : memref<!tpu.dma_semaphore, #tpu.memory_space<semaphore_mem>>) src(%dma_wait3A_238 : memref<40000x128xf32, #tpu.memory_space<hbm>>) dst(%arg12 : memref<128x128xf32, #tpu.memory_space<vmem>>)
      %run_scoped3A_239 = arith.constant 1 : i32
      "tpu.region"() ({
        %run_scoped3A_491 = tpu.sem_alloc : memref<!tpu.dma_semaphore, #tpu.memory_space<semaphore_mem>>
        %dma_start3A_492 = arith.constant 0 : i32
        %dma_start3A_493 = tpu.memref_slice %arg8[%run_scoped3A_239, %dma_start3A_492] : memref<8x128xi32, #tpu.memory_space<vmem>> -> memref<1x128xi32, #tpu.memory_space<vmem>>
        %dma_start3A_494 = tpu.memref_squeeze %dma_start3A_493 : memref<1x128xi32, #tpu.memory_space<vmem>> -> memref<128xi32, #tpu.memory_space<vmem>>
        %dma_start3A_495 = arith.constant 0 : i32
        %dma_start3A_496 = arith.constant 0 : i32
        %dma_start3A_497 = tpu.memref_slice %arg17[%dma_start3A_495, %dma_start3A_496] : memref<10008x128xf32, #tpu.memory_space<vmem_shared>> -> memref<10008x128xf32, #tpu.memory_space<vmem_shared>>
        tpu.enqueue_indirect_dma source(%arg12 : memref<128x128xf32, #tpu.memory_space<vmem>>) target(%dma_start3A_497 : memref<10008x128xf32, #tpu.memory_space<vmem_shared>>) offsets(%dma_start3A_494 : memref<128xi32, #tpu.memory_space<vmem>>) semaphore(%run_scoped3A_491 : memref<!tpu.dma_semaphore, #tpu.memory_space<semaphore_mem>>) {add = true}
        %dma_wait3A_498 = arith.constant 0 : i32
        %dma_wait3A_499 = tpu.memref_slice %arg8[%run_scoped3A_239, %dma_wait3A_498] : memref<8x128xi32, #tpu.memory_space<vmem>> -> memref<1x128xi32, #tpu.memory_space<vmem>>
        %dma_wait3A_500 = tpu.memref_squeeze %dma_wait3A_499 : memref<1x128xi32, #tpu.memory_space<vmem>> -> memref<128xi32, #tpu.memory_space<vmem>>
        %dma_wait3A_501 = arith.constant 0 : i32
        %dma_wait3A_502 = arith.constant 0 : i32
        %dma_wait3A_503 = tpu.memref_slice %arg17[%dma_wait3A_501, %dma_wait3A_502] : memref<10008x128xf32, #tpu.memory_space<vmem_shared>> -> memref<10008x128xf32, #tpu.memory_space<vmem_shared>>
        tpu.wait_indirect_dma semaphore(%run_scoped3A_491 : memref<!tpu.dma_semaphore, #tpu.memory_space<semaphore_mem>>) src(%arg12 : memref<128x128xf32, #tpu.memory_space<vmem>>) dst(%dma_wait3A_503 : memref<10008x128xf32, #tpu.memory_space<vmem_shared>>)
        tpu.yield
      }) : () -> ()
      %dma_start3A_240 = arith.constant 3 : i32
      %dma_start3A_241 = arith.constant 0 : i32
      %dma_start3A_242 = tpu.memref_slice %arg7[%dma_start3A_240, %dma_start3A_241] : memref<8x128xi32, #tpu.memory_space<vmem>> -> memref<1x128xi32, #tpu.memory_space<vmem>>
      %dma_start3A_243 = tpu.memref_squeeze %dma_start3A_242 : memref<1x128xi32, #tpu.memory_space<vmem>> -> memref<128xi32, #tpu.memory_space<vmem>>
      %dma_start3A_244 = arith.constant 0 : i32
      %dma_start3A_245 = arith.constant 0 : i32
      %dma_start3A_246 = tpu.memref_slice %arg2[%dma_start3A_244, %dma_start3A_245] : memref<40000x128xf32, #tpu.memory_space<hbm>> -> memref<40000x128xf32, #tpu.memory_space<hbm>>
      tpu.enqueue_indirect_dma source(%dma_start3A_246 : memref<40000x128xf32, #tpu.memory_space<hbm>>) target(%arg12 : memref<128x128xf32, #tpu.memory_space<vmem>>) offsets(%dma_start3A_243 : memref<128xi32, #tpu.memory_space<vmem>>) semaphore(%arg14 : memref<!tpu.dma_semaphore, #tpu.memory_space<semaphore_mem>>)
      %dma_wait3A_247 = arith.constant 2 : i32
      %dma_wait3A_248 = arith.constant 0 : i32
      %dma_wait3A_249 = tpu.memref_slice %arg7[%dma_wait3A_247, %dma_wait3A_248] : memref<8x128xi32, #tpu.memory_space<vmem>> -> memref<1x128xi32, #tpu.memory_space<vmem>>
      %dma_wait3A_250 = tpu.memref_squeeze %dma_wait3A_249 : memref<1x128xi32, #tpu.memory_space<vmem>> -> memref<128xi32, #tpu.memory_space<vmem>>
      %dma_wait3A_251 = arith.constant 0 : i32
      %dma_wait3A_252 = arith.constant 0 : i32
      %dma_wait3A_253 = tpu.memref_slice %arg2[%dma_wait3A_251, %dma_wait3A_252] : memref<40000x128xf32, #tpu.memory_space<hbm>> -> memref<40000x128xf32, #tpu.memory_space<hbm>>
      tpu.wait_indirect_dma semaphore(%arg13 : memref<!tpu.dma_semaphore, #tpu.memory_space<semaphore_mem>>) src(%dma_wait3A_253 : memref<40000x128xf32, #tpu.memory_space<hbm>>) dst(%arg11 : memref<128x128xf32, #tpu.memory_space<vmem>>)
      %run_scoped3A_254 = arith.constant 2 : i32
      "tpu.region"() ({
        %run_scoped3A_491 = tpu.sem_alloc : memref<!tpu.dma_semaphore, #tpu.memory_space<semaphore_mem>>
        %dma_start3A_492 = arith.constant 0 : i32
        %dma_start3A_493 = tpu.memref_slice %arg8[%run_scoped3A_254, %dma_start3A_492] : memref<8x128xi32, #tpu.memory_space<vmem>> -> memref<1x128xi32, #tpu.memory_space<vmem>>
        %dma_start3A_494 = tpu.memref_squeeze %dma_start3A_493 : memref<1x128xi32, #tpu.memory_space<vmem>> -> memref<128xi32, #tpu.memory_space<vmem>>
        %dma_start3A_495 = arith.constant 0 : i32
        %dma_start3A_496 = arith.constant 0 : i32
        %dma_start3A_497 = tpu.memref_slice %arg17[%dma_start3A_495, %dma_start3A_496] : memref<10008x128xf32, #tpu.memory_space<vmem_shared>> -> memref<10008x128xf32, #tpu.memory_space<vmem_shared>>
        tpu.enqueue_indirect_dma source(%arg11 : memref<128x128xf32, #tpu.memory_space<vmem>>) target(%dma_start3A_497 : memref<10008x128xf32, #tpu.memory_space<vmem_shared>>) offsets(%dma_start3A_494 : memref<128xi32, #tpu.memory_space<vmem>>) semaphore(%run_scoped3A_491 : memref<!tpu.dma_semaphore, #tpu.memory_space<semaphore_mem>>) {add = true}
        %dma_wait3A_498 = arith.constant 0 : i32
        %dma_wait3A_499 = tpu.memref_slice %arg8[%run_scoped3A_254, %dma_wait3A_498] : memref<8x128xi32, #tpu.memory_space<vmem>> -> memref<1x128xi32, #tpu.memory_space<vmem>>
        %dma_wait3A_500 = tpu.memref_squeeze %dma_wait3A_499 : memref<1x128xi32, #tpu.memory_space<vmem>> -> memref<128xi32, #tpu.memory_space<vmem>>
        %dma_wait3A_501 = arith.constant 0 : i32
        %dma_wait3A_502 = arith.constant 0 : i32
        %dma_wait3A_503 = tpu.memref_slice %arg17[%dma_wait3A_501, %dma_wait3A_502] : memref<10008x128xf32, #tpu.memory_space<vmem_shared>> -> memref<10008x128xf32, #tpu.memory_space<vmem_shared>>
        tpu.wait_indirect_dma semaphore(%run_scoped3A_491 : memref<!tpu.dma_semaphore, #tpu.memory_space<semaphore_mem>>) src(%arg11 : memref<128x128xf32, #tpu.memory_space<vmem>>) dst(%dma_wait3A_503 : memref<10008x128xf32, #tpu.memory_space<vmem_shared>>)
        tpu.yield
      }) : () -> ()
      %dma_start3A_255 = arith.constant 4 : i32
      %dma_start3A_256 = arith.constant 0 : i32
      %dma_start3A_257 = tpu.memref_slice %arg7[%dma_start3A_255, %dma_start3A_256] : memref<8x128xi32, #tpu.memory_space<vmem>> -> memref<1x128xi32, #tpu.memory_space<vmem>>
      %dma_start3A_258 = tpu.memref_squeeze %dma_start3A_257 : memref<1x128xi32, #tpu.memory_space<vmem>> -> memref<128xi32, #tpu.memory_space<vmem>>
      %dma_start3A_259 = arith.constant 0 : i32
      %dma_start3A_260 = arith.constant 0 : i32
      %dma_start3A_261 = tpu.memref_slice %arg2[%dma_start3A_259, %dma_start3A_260] : memref<40000x128xf32, #tpu.memory_space<hbm>> -> memref<40000x128xf32, #tpu.memory_space<hbm>>
      tpu.enqueue_indirect_dma source(%dma_start3A_261 : memref<40000x128xf32, #tpu.memory_space<hbm>>) target(%arg11 : memref<128x128xf32, #tpu.memory_space<vmem>>) offsets(%dma_start3A_258 : memref<128xi32, #tpu.memory_space<vmem>>) semaphore(%arg13 : memref<!tpu.dma_semaphore, #tpu.memory_space<semaphore_mem>>)
      %dma_wait3A_262 = arith.constant 3 : i32
      %dma_wait3A_263 = arith.constant 0 : i32
      %dma_wait3A_264 = tpu.memref_slice %arg7[%dma_wait3A_262, %dma_wait3A_263] : memref<8x128xi32, #tpu.memory_space<vmem>> -> memref<1x128xi32, #tpu.memory_space<vmem>>
      %dma_wait3A_265 = tpu.memref_squeeze %dma_wait3A_264 : memref<1x128xi32, #tpu.memory_space<vmem>> -> memref<128xi32, #tpu.memory_space<vmem>>
      %dma_wait3A_266 = arith.constant 0 : i32
      %dma_wait3A_267 = arith.constant 0 : i32
      %dma_wait3A_268 = tpu.memref_slice %arg2[%dma_wait3A_266, %dma_wait3A_267] : memref<40000x128xf32, #tpu.memory_space<hbm>> -> memref<40000x128xf32, #tpu.memory_space<hbm>>
      tpu.wait_indirect_dma semaphore(%arg14 : memref<!tpu.dma_semaphore, #tpu.memory_space<semaphore_mem>>) src(%dma_wait3A_268 : memref<40000x128xf32, #tpu.memory_space<hbm>>) dst(%arg12 : memref<128x128xf32, #tpu.memory_space<vmem>>)
      %run_scoped3A_269 = arith.constant 3 : i32
      "tpu.region"() ({
        %run_scoped3A_491 = tpu.sem_alloc : memref<!tpu.dma_semaphore, #tpu.memory_space<semaphore_mem>>
        %dma_start3A_492 = arith.constant 0 : i32
        %dma_start3A_493 = tpu.memref_slice %arg8[%run_scoped3A_269, %dma_start3A_492] : memref<8x128xi32, #tpu.memory_space<vmem>> -> memref<1x128xi32, #tpu.memory_space<vmem>>
        %dma_start3A_494 = tpu.memref_squeeze %dma_start3A_493 : memref<1x128xi32, #tpu.memory_space<vmem>> -> memref<128xi32, #tpu.memory_space<vmem>>
        %dma_start3A_495 = arith.constant 0 : i32
        %dma_start3A_496 = arith.constant 0 : i32
        %dma_start3A_497 = tpu.memref_slice %arg17[%dma_start3A_495, %dma_start3A_496] : memref<10008x128xf32, #tpu.memory_space<vmem_shared>> -> memref<10008x128xf32, #tpu.memory_space<vmem_shared>>
        tpu.enqueue_indirect_dma source(%arg12 : memref<128x128xf32, #tpu.memory_space<vmem>>) target(%dma_start3A_497 : memref<10008x128xf32, #tpu.memory_space<vmem_shared>>) offsets(%dma_start3A_494 : memref<128xi32, #tpu.memory_space<vmem>>) semaphore(%run_scoped3A_491 : memref<!tpu.dma_semaphore, #tpu.memory_space<semaphore_mem>>) {add = true}
        %dma_wait3A_498 = arith.constant 0 : i32
        %dma_wait3A_499 = tpu.memref_slice %arg8[%run_scoped3A_269, %dma_wait3A_498] : memref<8x128xi32, #tpu.memory_space<vmem>> -> memref<1x128xi32, #tpu.memory_space<vmem>>
        %dma_wait3A_500 = tpu.memref_squeeze %dma_wait3A_499 : memref<1x128xi32, #tpu.memory_space<vmem>> -> memref<128xi32, #tpu.memory_space<vmem>>
        %dma_wait3A_501 = arith.constant 0 : i32
        %dma_wait3A_502 = arith.constant 0 : i32
        %dma_wait3A_503 = tpu.memref_slice %arg17[%dma_wait3A_501, %dma_wait3A_502] : memref<10008x128xf32, #tpu.memory_space<vmem_shared>> -> memref<10008x128xf32, #tpu.memory_space<vmem_shared>>
        tpu.wait_indirect_dma semaphore(%run_scoped3A_491 : memref<!tpu.dma_semaphore, #tpu.memory_space<semaphore_mem>>) src(%arg12 : memref<128x128xf32, #tpu.memory_space<vmem>>) dst(%dma_wait3A_503 : memref<10008x128xf32, #tpu.memory_space<vmem_shared>>)
        tpu.yield
      }) : () -> ()
      %dma_start3A_270 = arith.constant 5 : i32
      %dma_start3A_271 = arith.constant 0 : i32
      %dma_start3A_272 = tpu.memref_slice %arg7[%dma_start3A_270, %dma_start3A_271] : memref<8x128xi32, #tpu.memory_space<vmem>> -> memref<1x128xi32, #tpu.memory_space<vmem>>
      %dma_start3A_273 = tpu.memref_squeeze %dma_start3A_272 : memref<1x128xi32, #tpu.memory_space<vmem>> -> memref<128xi32, #tpu.memory_space<vmem>>
      %dma_start3A_274 = arith.constant 0 : i32
      %dma_start3A_275 = arith.constant 0 : i32
      %dma_start3A_276 = tpu.memref_slice %arg2[%dma_start3A_274, %dma_start3A_275] : memref<40000x128xf32, #tpu.memory_space<hbm>> -> memref<40000x128xf32, #tpu.memory_space<hbm>>
      tpu.enqueue_indirect_dma source(%dma_start3A_276 : memref<40000x128xf32, #tpu.memory_space<hbm>>) target(%arg12 : memref<128x128xf32, #tpu.memory_space<vmem>>) offsets(%dma_start3A_273 : memref<128xi32, #tpu.memory_space<vmem>>) semaphore(%arg14 : memref<!tpu.dma_semaphore, #tpu.memory_space<semaphore_mem>>)
      %dma_wait3A_277 = arith.constant 4 : i32
      %dma_wait3A_278 = arith.constant 0 : i32
      %dma_wait3A_279 = tpu.memref_slice %arg7[%dma_wait3A_277, %dma_wait3A_278] : memref<8x128xi32, #tpu.memory_space<vmem>> -> memref<1x128xi32, #tpu.memory_space<vmem>>
      %dma_wait3A_280 = tpu.memref_squeeze %dma_wait3A_279 : memref<1x128xi32, #tpu.memory_space<vmem>> -> memref<128xi32, #tpu.memory_space<vmem>>
      %dma_wait3A_281 = arith.constant 0 : i32
      %dma_wait3A_282 = arith.constant 0 : i32
      %dma_wait3A_283 = tpu.memref_slice %arg2[%dma_wait3A_281, %dma_wait3A_282] : memref<40000x128xf32, #tpu.memory_space<hbm>> -> memref<40000x128xf32, #tpu.memory_space<hbm>>
      tpu.wait_indirect_dma semaphore(%arg13 : memref<!tpu.dma_semaphore, #tpu.memory_space<semaphore_mem>>) src(%dma_wait3A_283 : memref<40000x128xf32, #tpu.memory_space<hbm>>) dst(%arg11 : memref<128x128xf32, #tpu.memory_space<vmem>>)
      %run_scoped3A_284 = arith.constant 4 : i32
      "tpu.region"() ({
        %run_scoped3A_491 = tpu.sem_alloc : memref<!tpu.dma_semaphore, #tpu.memory_space<semaphore_mem>>
        %dma_start3A_492 = arith.constant 0 : i32
        %dma_start3A_493 = tpu.memref_slice %arg8[%run_scoped3A_284, %dma_start3A_492] : memref<8x128xi32, #tpu.memory_space<vmem>> -> memref<1x128xi32, #tpu.memory_space<vmem>>
        %dma_start3A_494 = tpu.memref_squeeze %dma_start3A_493 : memref<1x128xi32, #tpu.memory_space<vmem>> -> memref<128xi32, #tpu.memory_space<vmem>>
        %dma_start3A_495 = arith.constant 0 : i32
        %dma_start3A_496 = arith.constant 0 : i32
        %dma_start3A_497 = tpu.memref_slice %arg17[%dma_start3A_495, %dma_start3A_496] : memref<10008x128xf32, #tpu.memory_space<vmem_shared>> -> memref<10008x128xf32, #tpu.memory_space<vmem_shared>>
        tpu.enqueue_indirect_dma source(%arg11 : memref<128x128xf32, #tpu.memory_space<vmem>>) target(%dma_start3A_497 : memref<10008x128xf32, #tpu.memory_space<vmem_shared>>) offsets(%dma_start3A_494 : memref<128xi32, #tpu.memory_space<vmem>>) semaphore(%run_scoped3A_491 : memref<!tpu.dma_semaphore, #tpu.memory_space<semaphore_mem>>) {add = true}
        %dma_wait3A_498 = arith.constant 0 : i32
        %dma_wait3A_499 = tpu.memref_slice %arg8[%run_scoped3A_284, %dma_wait3A_498] : memref<8x128xi32, #tpu.memory_space<vmem>> -> memref<1x128xi32, #tpu.memory_space<vmem>>
        %dma_wait3A_500 = tpu.memref_squeeze %dma_wait3A_499 : memref<1x128xi32, #tpu.memory_space<vmem>> -> memref<128xi32, #tpu.memory_space<vmem>>
        %dma_wait3A_501 = arith.constant 0 : i32
        %dma_wait3A_502 = arith.constant 0 : i32
        %dma_wait3A_503 = tpu.memref_slice %arg17[%dma_wait3A_501, %dma_wait3A_502] : memref<10008x128xf32, #tpu.memory_space<vmem_shared>> -> memref<10008x128xf32, #tpu.memory_space<vmem_shared>>
        tpu.wait_indirect_dma semaphore(%run_scoped3A_491 : memref<!tpu.dma_semaphore, #tpu.memory_space<semaphore_mem>>) src(%arg11 : memref<128x128xf32, #tpu.memory_space<vmem>>) dst(%dma_wait3A_503 : memref<10008x128xf32, #tpu.memory_space<vmem_shared>>)
        tpu.yield
      }) : () -> ()
      %dma_start3A_285 = arith.constant 6 : i32
      %dma_start3A_286 = arith.constant 0 : i32
      %dma_start3A_287 = tpu.memref_slice %arg7[%dma_start3A_285, %dma_start3A_286] : memref<8x128xi32, #tpu.memory_space<vmem>> -> memref<1x128xi32, #tpu.memory_space<vmem>>
      %dma_start3A_288 = tpu.memref_squeeze %dma_start3A_287 : memref<1x128xi32, #tpu.memory_space<vmem>> -> memref<128xi32, #tpu.memory_space<vmem>>
      %dma_start3A_289 = arith.constant 0 : i32
      %dma_start3A_290 = arith.constant 0 : i32
      %dma_start3A_291 = tpu.memref_slice %arg2[%dma_start3A_289, %dma_start3A_290] : memref<40000x128xf32, #tpu.memory_space<hbm>> -> memref<40000x128xf32, #tpu.memory_space<hbm>>
      tpu.enqueue_indirect_dma source(%dma_start3A_291 : memref<40000x128xf32, #tpu.memory_space<hbm>>) target(%arg11 : memref<128x128xf32, #tpu.memory_space<vmem>>) offsets(%dma_start3A_288 : memref<128xi32, #tpu.memory_space<vmem>>) semaphore(%arg13 : memref<!tpu.dma_semaphore, #tpu.memory_space<semaphore_mem>>)
      %dma_wait3A_292 = arith.constant 5 : i32
      %dma_wait3A_293 = arith.constant 0 : i32
      %dma_wait3A_294 = tpu.memref_slice %arg7[%dma_wait3A_292, %dma_wait3A_293] : memref<8x128xi32, #tpu.memory_space<vmem>> -> memref<1x128xi32, #tpu.memory_space<vmem>>
      %dma_wait3A_295 = tpu.memref_squeeze %dma_wait3A_294 : memref<1x128xi32, #tpu.memory_space<vmem>> -> memref<128xi32, #tpu.memory_space<vmem>>
      %dma_wait3A_296 = arith.constant 0 : i32
      %dma_wait3A_297 = arith.constant 0 : i32
      %dma_wait3A_298 = tpu.memref_slice %arg2[%dma_wait3A_296, %dma_wait3A_297] : memref<40000x128xf32, #tpu.memory_space<hbm>> -> memref<40000x128xf32, #tpu.memory_space<hbm>>
      tpu.wait_indirect_dma semaphore(%arg14 : memref<!tpu.dma_semaphore, #tpu.memory_space<semaphore_mem>>) src(%dma_wait3A_298 : memref<40000x128xf32, #tpu.memory_space<hbm>>) dst(%arg12 : memref<128x128xf32, #tpu.memory_space<vmem>>)
      %run_scoped3A_299 = arith.constant 5 : i32
      "tpu.region"() ({
        %run_scoped3A_491 = tpu.sem_alloc : memref<!tpu.dma_semaphore, #tpu.memory_space<semaphore_mem>>
        %dma_start3A_492 = arith.constant 0 : i32
        %dma_start3A_493 = tpu.memref_slice %arg8[%run_scoped3A_299, %dma_start3A_492] : memref<8x128xi32, #tpu.memory_space<vmem>> -> memref<1x128xi32, #tpu.memory_space<vmem>>
        %dma_start3A_494 = tpu.memref_squeeze %dma_start3A_493 : memref<1x128xi32, #tpu.memory_space<vmem>> -> memref<128xi32, #tpu.memory_space<vmem>>
        %dma_start3A_495 = arith.constant 0 : i32
        %dma_start3A_496 = arith.constant 0 : i32
        %dma_start3A_497 = tpu.memref_slice %arg17[%dma_start3A_495, %dma_start3A_496] : memref<10008x128xf32, #tpu.memory_space<vmem_shared>> -> memref<10008x128xf32, #tpu.memory_space<vmem_shared>>
        tpu.enqueue_indirect_dma source(%arg12 : memref<128x128xf32, #tpu.memory_space<vmem>>) target(%dma_start3A_497 : memref<10008x128xf32, #tpu.memory_space<vmem_shared>>) offsets(%dma_start3A_494 : memref<128xi32, #tpu.memory_space<vmem>>) semaphore(%run_scoped3A_491 : memref<!tpu.dma_semaphore, #tpu.memory_space<semaphore_mem>>) {add = true}
        %dma_wait3A_498 = arith.constant 0 : i32
        %dma_wait3A_499 = tpu.memref_slice %arg8[%run_scoped3A_299, %dma_wait3A_498] : memref<8x128xi32, #tpu.memory_space<vmem>> -> memref<1x128xi32, #tpu.memory_space<vmem>>
        %dma_wait3A_500 = tpu.memref_squeeze %dma_wait3A_499 : memref<1x128xi32, #tpu.memory_space<vmem>> -> memref<128xi32, #tpu.memory_space<vmem>>
        %dma_wait3A_501 = arith.constant 0 : i32
        %dma_wait3A_502 = arith.constant 0 : i32
        %dma_wait3A_503 = tpu.memref_slice %arg17[%dma_wait3A_501, %dma_wait3A_502] : memref<10008x128xf32, #tpu.memory_space<vmem_shared>> -> memref<10008x128xf32, #tpu.memory_space<vmem_shared>>
        tpu.wait_indirect_dma semaphore(%run_scoped3A_491 : memref<!tpu.dma_semaphore, #tpu.memory_space<semaphore_mem>>) src(%arg12 : memref<128x128xf32, #tpu.memory_space<vmem>>) dst(%dma_wait3A_503 : memref<10008x128xf32, #tpu.memory_space<vmem_shared>>)
        tpu.yield
      }) : () -> ()
      %dma_start3A_300 = arith.constant 7 : i32
      %dma_start3A_301 = arith.constant 0 : i32
      %dma_start3A_302 = tpu.memref_slice %arg7[%dma_start3A_300, %dma_start3A_301] : memref<8x128xi32, #tpu.memory_space<vmem>> -> memref<1x128xi32, #tpu.memory_space<vmem>>
      %dma_start3A_303 = tpu.memref_squeeze %dma_start3A_302 : memref<1x128xi32, #tpu.memory_space<vmem>> -> memref<128xi32, #tpu.memory_space<vmem>>
      %dma_start3A_304 = arith.constant 0 : i32
      %dma_start3A_305 = arith.constant 0 : i32
      %dma_start3A_306 = tpu.memref_slice %arg2[%dma_start3A_304, %dma_start3A_305] : memref<40000x128xf32, #tpu.memory_space<hbm>> -> memref<40000x128xf32, #tpu.memory_space<hbm>>
      tpu.enqueue_indirect_dma source(%dma_start3A_306 : memref<40000x128xf32, #tpu.memory_space<hbm>>) target(%arg12 : memref<128x128xf32, #tpu.memory_space<vmem>>) offsets(%dma_start3A_303 : memref<128xi32, #tpu.memory_space<vmem>>) semaphore(%arg14 : memref<!tpu.dma_semaphore, #tpu.memory_space<semaphore_mem>>)
      %add3A_307 = arith.constant 1 : i32
      %add3A_308 = arith.addi %add3A_190, %add3A_307 : i32
      %mul3A_309 = arith.constant 16 : i32
      %mul3A_310 = arith.muli %add3A_0, %mul3A_309 : i32
      %add3A_311 = arith.addi %mul3A_310, %arg1 : i32
      %mul3A_312 = arith.constant 20 : i32
      %mul3A_313 = arith.muli %add3A_311, %mul3A_312 : i32
      %add3A_314 = arith.addi %mul3A_313, %add3A_308 : i32
      %mul3A_315 = arith.constant 20 : i32
      %mul3A_316 = arith.muli %arg1, %mul3A_315 : i32
      %add3A_317 = arith.addi %mul3A_316, %add3A_308 : i32
      %dma_wait3A_318 = arith.constant 0 : i32
      %dma_wait3A_319 = arith.constant 0 : i32
      %dma_wait3A_320 = tpu.memref_slice %arg3[%add3A_314, %dma_wait3A_318, %dma_wait3A_319] : memref<1280x8x128xi32, #tpu.memory_space<hbm>> -> memref<1x8x128xi32, #tpu.memory_space<hbm>>
      %dma_wait3A_321 = tpu.memref_squeeze %dma_wait3A_320 : memref<1x8x128xi32, #tpu.memory_space<hbm>> -> memref<8x128xi32, #tpu.memory_space<hbm>>
      %dma_wait3A_322 = arith.constant 0 : i32
      %dma_wait3A_323 = arith.constant 0 : i32
      %dma_wait3A_324 = tpu.memref_slice %arg3[%add3A_314, %dma_wait3A_322, %dma_wait3A_323] : memref<1280x8x128xi32, #tpu.memory_space<hbm>> -> memref<1x8x128xi32, #tpu.memory_space<hbm>>
      %dma_wait3A_325 = tpu.memref_squeeze %dma_wait3A_324 : memref<1x8x128xi32, #tpu.memory_space<hbm>> -> memref<8x128xi32, #tpu.memory_space<hbm>>
      tpu.wait_dma2 semaphore(%arg16 : memref<!tpu.dma_semaphore, #tpu.memory_space<semaphore_mem>>) src(%dma_wait3A_325 : memref<8x128xi32, #tpu.memory_space<hbm>>) dst(%arg9 : memref<8x128xi32, #tpu.memory_space<vmem>>)
      %dma_wait3A_326 = arith.constant 0 : i32
      %dma_wait3A_327 = arith.constant 0 : i32
      %dma_wait3A_328 = tpu.memref_slice %arg4[%add3A_317, %dma_wait3A_326, %dma_wait3A_327] : memref<320x8x128xi32, #tpu.memory_space<hbm>> -> memref<1x8x128xi32, #tpu.memory_space<hbm>>
      %dma_wait3A_329 = tpu.memref_squeeze %dma_wait3A_328 : memref<1x8x128xi32, #tpu.memory_space<hbm>> -> memref<8x128xi32, #tpu.memory_space<hbm>>
      %dma_wait3A_330 = arith.constant 0 : i32
      %dma_wait3A_331 = arith.constant 0 : i32
      %dma_wait3A_332 = tpu.memref_slice %arg4[%add3A_317, %dma_wait3A_330, %dma_wait3A_331] : memref<320x8x128xi32, #tpu.memory_space<hbm>> -> memref<1x8x128xi32, #tpu.memory_space<hbm>>
      %dma_wait3A_333 = tpu.memref_squeeze %dma_wait3A_332 : memref<1x8x128xi32, #tpu.memory_space<hbm>> -> memref<8x128xi32, #tpu.memory_space<hbm>>
      tpu.wait_dma2 semaphore(%arg16 : memref<!tpu.dma_semaphore, #tpu.memory_space<semaphore_mem>>) src(%dma_wait3A_333 : memref<8x128xi32, #tpu.memory_space<hbm>>) dst(%arg10 : memref<8x128xi32, #tpu.memory_space<vmem>>)
      %dma_wait3A_334 = arith.constant 6 : i32
      %dma_wait3A_335 = arith.constant 0 : i32
      %dma_wait3A_336 = tpu.memref_slice %arg7[%dma_wait3A_334, %dma_wait3A_335] : memref<8x128xi32, #tpu.memory_space<vmem>> -> memref<1x128xi32, #tpu.memory_space<vmem>>
      %dma_wait3A_337 = tpu.memref_squeeze %dma_wait3A_336 : memref<1x128xi32, #tpu.memory_space<vmem>> -> memref<128xi32, #tpu.memory_space<vmem>>
      %dma_wait3A_338 = arith.constant 0 : i32
      %dma_wait3A_339 = arith.constant 0 : i32
      %dma_wait3A_340 = tpu.memref_slice %arg2[%dma_wait3A_338, %dma_wait3A_339] : memref<40000x128xf32, #tpu.memory_space<hbm>> -> memref<40000x128xf32, #tpu.memory_space<hbm>>
      tpu.wait_indirect_dma semaphore(%arg13 : memref<!tpu.dma_semaphore, #tpu.memory_space<semaphore_mem>>) src(%dma_wait3A_340 : memref<40000x128xf32, #tpu.memory_space<hbm>>) dst(%arg11 : memref<128x128xf32, #tpu.memory_space<vmem>>)
      %run_scoped3A_341 = arith.constant 6 : i32
      "tpu.region"() ({
        %run_scoped3A_491 = tpu.sem_alloc : memref<!tpu.dma_semaphore, #tpu.memory_space<semaphore_mem>>
        %dma_start3A_492 = arith.constant 0 : i32
        %dma_start3A_493 = tpu.memref_slice %arg8[%run_scoped3A_341, %dma_start3A_492] : memref<8x128xi32, #tpu.memory_space<vmem>> -> memref<1x128xi32, #tpu.memory_space<vmem>>
        %dma_start3A_494 = tpu.memref_squeeze %dma_start3A_493 : memref<1x128xi32, #tpu.memory_space<vmem>> -> memref<128xi32, #tpu.memory_space<vmem>>
        %dma_start3A_495 = arith.constant 0 : i32
        %dma_start3A_496 = arith.constant 0 : i32
        %dma_start3A_497 = tpu.memref_slice %arg17[%dma_start3A_495, %dma_start3A_496] : memref<10008x128xf32, #tpu.memory_space<vmem_shared>> -> memref<10008x128xf32, #tpu.memory_space<vmem_shared>>
        tpu.enqueue_indirect_dma source(%arg11 : memref<128x128xf32, #tpu.memory_space<vmem>>) target(%dma_start3A_497 : memref<10008x128xf32, #tpu.memory_space<vmem_shared>>) offsets(%dma_start3A_494 : memref<128xi32, #tpu.memory_space<vmem>>) semaphore(%run_scoped3A_491 : memref<!tpu.dma_semaphore, #tpu.memory_space<semaphore_mem>>) {add = true}
        %dma_wait3A_498 = arith.constant 0 : i32
        %dma_wait3A_499 = tpu.memref_slice %arg8[%run_scoped3A_341, %dma_wait3A_498] : memref<8x128xi32, #tpu.memory_space<vmem>> -> memref<1x128xi32, #tpu.memory_space<vmem>>
        %dma_wait3A_500 = tpu.memref_squeeze %dma_wait3A_499 : memref<1x128xi32, #tpu.memory_space<vmem>> -> memref<128xi32, #tpu.memory_space<vmem>>
        %dma_wait3A_501 = arith.constant 0 : i32
        %dma_wait3A_502 = arith.constant 0 : i32
        %dma_wait3A_503 = tpu.memref_slice %arg17[%dma_wait3A_501, %dma_wait3A_502] : memref<10008x128xf32, #tpu.memory_space<vmem_shared>> -> memref<10008x128xf32, #tpu.memory_space<vmem_shared>>
        tpu.wait_indirect_dma semaphore(%run_scoped3A_491 : memref<!tpu.dma_semaphore, #tpu.memory_space<semaphore_mem>>) src(%arg11 : memref<128x128xf32, #tpu.memory_space<vmem>>) dst(%dma_wait3A_503 : memref<10008x128xf32, #tpu.memory_space<vmem_shared>>)
        tpu.yield
      }) : () -> ()
      %dma_start3A_342 = arith.constant 0 : i32
      %dma_start3A_343 = arith.constant 0 : i32
      %dma_start3A_344 = tpu.memref_slice %arg9[%dma_start3A_342, %dma_start3A_343] : memref<8x128xi32, #tpu.memory_space<vmem>> -> memref<1x128xi32, #tpu.memory_space<vmem>>
      %dma_start3A_345 = tpu.memref_squeeze %dma_start3A_344 : memref<1x128xi32, #tpu.memory_space<vmem>> -> memref<128xi32, #tpu.memory_space<vmem>>
      %dma_start3A_346 = arith.constant 0 : i32
      %dma_start3A_347 = arith.constant 0 : i32
      %dma_start3A_348 = tpu.memref_slice %arg2[%dma_start3A_346, %dma_start3A_347] : memref<40000x128xf32, #tpu.memory_space<hbm>> -> memref<40000x128xf32, #tpu.memory_space<hbm>>
      tpu.enqueue_indirect_dma source(%dma_start3A_348 : memref<40000x128xf32, #tpu.memory_space<hbm>>) target(%arg11 : memref<128x128xf32, #tpu.memory_space<vmem>>) offsets(%dma_start3A_345 : memref<128xi32, #tpu.memory_space<vmem>>) semaphore(%arg13 : memref<!tpu.dma_semaphore, #tpu.memory_space<semaphore_mem>>)
      %dma_wait3A_349 = arith.constant 7 : i32
      %dma_wait3A_350 = arith.constant 0 : i32
      %dma_wait3A_351 = tpu.memref_slice %arg7[%dma_wait3A_349, %dma_wait3A_350] : memref<8x128xi32, #tpu.memory_space<vmem>> -> memref<1x128xi32, #tpu.memory_space<vmem>>
      %dma_wait3A_352 = tpu.memref_squeeze %dma_wait3A_351 : memref<1x128xi32, #tpu.memory_space<vmem>> -> memref<128xi32, #tpu.memory_space<vmem>>
      %dma_wait3A_353 = arith.constant 0 : i32
      %dma_wait3A_354 = arith.constant 0 : i32
      %dma_wait3A_355 = tpu.memref_slice %arg2[%dma_wait3A_353, %dma_wait3A_354] : memref<40000x128xf32, #tpu.memory_space<hbm>> -> memref<40000x128xf32, #tpu.memory_space<hbm>>
      tpu.wait_indirect_dma semaphore(%arg14 : memref<!tpu.dma_semaphore, #tpu.memory_space<semaphore_mem>>) src(%dma_wait3A_355 : memref<40000x128xf32, #tpu.memory_space<hbm>>) dst(%arg12 : memref<128x128xf32, #tpu.memory_space<vmem>>)
      %run_scoped3A_356 = arith.constant 7 : i32
      "tpu.region"() ({
        %run_scoped3A_491 = tpu.sem_alloc : memref<!tpu.dma_semaphore, #tpu.memory_space<semaphore_mem>>
        %dma_start3A_492 = arith.constant 0 : i32
        %dma_start3A_493 = tpu.memref_slice %arg8[%run_scoped3A_356, %dma_start3A_492] : memref<8x128xi32, #tpu.memory_space<vmem>> -> memref<1x128xi32, #tpu.memory_space<vmem>>
        %dma_start3A_494 = tpu.memref_squeeze %dma_start3A_493 : memref<1x128xi32, #tpu.memory_space<vmem>> -> memref<128xi32, #tpu.memory_space<vmem>>
        %dma_start3A_495 = arith.constant 0 : i32
        %dma_start3A_496 = arith.constant 0 : i32
        %dma_start3A_497 = tpu.memref_slice %arg17[%dma_start3A_495, %dma_start3A_496] : memref<10008x128xf32, #tpu.memory_space<vmem_shared>> -> memref<10008x128xf32, #tpu.memory_space<vmem_shared>>
        tpu.enqueue_indirect_dma source(%arg12 : memref<128x128xf32, #tpu.memory_space<vmem>>) target(%dma_start3A_497 : memref<10008x128xf32, #tpu.memory_space<vmem_shared>>) offsets(%dma_start3A_494 : memref<128xi32, #tpu.memory_space<vmem>>) semaphore(%run_scoped3A_491 : memref<!tpu.dma_semaphore, #tpu.memory_space<semaphore_mem>>) {add = true}
        %dma_wait3A_498 = arith.constant 0 : i32
        %dma_wait3A_499 = tpu.memref_slice %arg8[%run_scoped3A_356, %dma_wait3A_498] : memref<8x128xi32, #tpu.memory_space<vmem>> -> memref<1x128xi32, #tpu.memory_space<vmem>>
        %dma_wait3A_500 = tpu.memref_squeeze %dma_wait3A_499 : memref<1x128xi32, #tpu.memory_space<vmem>> -> memref<128xi32, #tpu.memory_space<vmem>>
        %dma_wait3A_501 = arith.constant 0 : i32
        %dma_wait3A_502 = arith.constant 0 : i32
        %dma_wait3A_503 = tpu.memref_slice %arg17[%dma_wait3A_501, %dma_wait3A_502] : memref<10008x128xf32, #tpu.memory_space<vmem_shared>> -> memref<10008x128xf32, #tpu.memory_space<vmem_shared>>
        tpu.wait_indirect_dma semaphore(%run_scoped3A_491 : memref<!tpu.dma_semaphore, #tpu.memory_space<semaphore_mem>>) src(%arg12 : memref<128x128xf32, #tpu.memory_space<vmem>>) dst(%dma_wait3A_503 : memref<10008x128xf32, #tpu.memory_space<vmem_shared>>)
        tpu.yield
      }) : () -> ()
      %dma_start3A_357 = arith.constant 1 : i32
      %dma_start3A_358 = arith.constant 0 : i32
      %dma_start3A_359 = tpu.memref_slice %arg9[%dma_start3A_357, %dma_start3A_358] : memref<8x128xi32, #tpu.memory_space<vmem>> -> memref<1x128xi32, #tpu.memory_space<vmem>>
      %dma_start3A_360 = tpu.memref_squeeze %dma_start3A_359 : memref<1x128xi32, #tpu.memory_space<vmem>> -> memref<128xi32, #tpu.memory_space<vmem>>
      %dma_start3A_361 = arith.constant 0 : i32
      %dma_start3A_362 = arith.constant 0 : i32
      %dma_start3A_363 = tpu.memref_slice %arg2[%dma_start3A_361, %dma_start3A_362] : memref<40000x128xf32, #tpu.memory_space<hbm>> -> memref<40000x128xf32, #tpu.memory_space<hbm>>
      tpu.enqueue_indirect_dma source(%dma_start3A_363 : memref<40000x128xf32, #tpu.memory_space<hbm>>) target(%arg12 : memref<128x128xf32, #tpu.memory_space<vmem>>) offsets(%dma_start3A_360 : memref<128xi32, #tpu.memory_space<vmem>>) semaphore(%arg14 : memref<!tpu.dma_semaphore, #tpu.memory_space<semaphore_mem>>)
      %add3A_364 = arith.constant 2 : i32
      %add3A_365 = arith.addi %add3A_190, %add3A_364 : i32
      %lt3A_366 = arith.constant 20 : i32
      %lt3A_367 = arith.cmpi slt, %add3A_365, %lt3A_366 : i32
      %convert_element_type3A_368 = arith.extui %lt3A_367 : i1 to i32
      %cond3A_369 = arith.constant 0 : i32
      %cond3A_370 = arith.cmpi ne, %convert_element_type3A_368, %cond3A_369 : i32
      scf.if %cond3A_370 {
        %add3A_491 = arith.constant 2 : i32
        %add3A_492 = arith.addi %add3A_190, %add3A_491 : i32
        %mul3A_493 = arith.constant 16 : i32
        %mul3A_494 = arith.muli %add3A_0, %mul3A_493 : i32
        %add3A_495 = arith.addi %mul3A_494, %arg1 : i32
        %mul3A_496 = arith.constant 20 : i32
        %mul3A_497 = arith.muli %add3A_495, %mul3A_496 : i32
        %add3A_498 = arith.addi %mul3A_497, %add3A_492 : i32
        %mul3A_499 = arith.constant 20 : i32
        %mul3A_500 = arith.muli %arg1, %mul3A_499 : i32
        %add3A_501 = arith.addi %mul3A_500, %add3A_492 : i32
        %dma_start3A_502 = arith.constant 0 : i32
        %dma_start3A_503 = arith.constant 0 : i32
        %dma_start3A_504 = tpu.memref_slice %arg3[%add3A_498, %dma_start3A_502, %dma_start3A_503] : memref<1280x8x128xi32, #tpu.memory_space<hbm>> -> memref<1x8x128xi32, #tpu.memory_space<hbm>>
        %dma_start3A_505 = tpu.memref_squeeze %dma_start3A_504 : memref<1x8x128xi32, #tpu.memory_space<hbm>> -> memref<8x128xi32, #tpu.memory_space<hbm>>
        %dma_start3A_506 = arith.constant 0 : i32
        %dma_start3A_507 = arith.constant 0 : i32
        %dma_start3A_508 = tpu.memref_slice %arg3[%add3A_498, %dma_start3A_506, %dma_start3A_507] : memref<1280x8x128xi32, #tpu.memory_space<hbm>> -> memref<1x8x128xi32, #tpu.memory_space<hbm>>
        %dma_start3A_509 = tpu.memref_squeeze %dma_start3A_508 : memref<1x8x128xi32, #tpu.memory_space<hbm>> -> memref<8x128xi32, #tpu.memory_space<hbm>>
        tpu.enqueue_dma source(%dma_start3A_509 : memref<8x128xi32, #tpu.memory_space<hbm>>) target(%arg7 : memref<8x128xi32, #tpu.memory_space<vmem>>) target_semaphore(%arg15 : memref<!tpu.dma_semaphore, #tpu.memory_space<semaphore_mem>>)
        %dma_start3A_510 = arith.constant 0 : i32
        %dma_start3A_511 = arith.constant 0 : i32
        %dma_start3A_512 = tpu.memref_slice %arg4[%add3A_501, %dma_start3A_510, %dma_start3A_511] : memref<320x8x128xi32, #tpu.memory_space<hbm>> -> memref<1x8x128xi32, #tpu.memory_space<hbm>>
        %dma_start3A_513 = tpu.memref_squeeze %dma_start3A_512 : memref<1x8x128xi32, #tpu.memory_space<hbm>> -> memref<8x128xi32, #tpu.memory_space<hbm>>
        %dma_start3A_514 = arith.constant 0 : i32
        %dma_start3A_515 = arith.constant 0 : i32
        %dma_start3A_516 = tpu.memref_slice %arg4[%add3A_501, %dma_start3A_514, %dma_start3A_515] : memref<320x8x128xi32, #tpu.memory_space<hbm>> -> memref<1x8x128xi32, #tpu.memory_space<hbm>>
        %dma_start3A_517 = tpu.memref_squeeze %dma_start3A_516 : memref<1x8x128xi32, #tpu.memory_space<hbm>> -> memref<8x128xi32, #tpu.memory_space<hbm>>
        tpu.enqueue_dma source(%dma_start3A_517 : memref<8x128xi32, #tpu.memory_space<hbm>>) target(%arg8 : memref<8x128xi32, #tpu.memory_space<vmem>>) target_semaphore(%arg15 : memref<!tpu.dma_semaphore, #tpu.memory_space<semaphore_mem>>)
      } else {
      }
      %dma_wait3A_371 = arith.constant 0 : i32
      %dma_wait3A_372 = arith.constant 0 : i32
      %dma_wait3A_373 = tpu.memref_slice %arg9[%dma_wait3A_371, %dma_wait3A_372] : memref<8x128xi32, #tpu.memory_space<vmem>> -> memref<1x128xi32, #tpu.memory_space<vmem>>
      %dma_wait3A_374 = tpu.memref_squeeze %dma_wait3A_373 : memref<1x128xi32, #tpu.memory_space<vmem>> -> memref<128xi32, #tpu.memory_space<vmem>>
      %dma_wait3A_375 = arith.constant 0 : i32
      %dma_wait3A_376 = arith.constant 0 : i32
      %dma_wait3A_377 = tpu.memref_slice %arg2[%dma_wait3A_375, %dma_wait3A_376] : memref<40000x128xf32, #tpu.memory_space<hbm>> -> memref<40000x128xf32, #tpu.memory_space<hbm>>
      tpu.wait_indirect_dma semaphore(%arg13 : memref<!tpu.dma_semaphore, #tpu.memory_space<semaphore_mem>>) src(%dma_wait3A_377 : memref<40000x128xf32, #tpu.memory_space<hbm>>) dst(%arg11 : memref<128x128xf32, #tpu.memory_space<vmem>>)
      %run_scoped3A_378 = arith.constant 0 : i32
      "tpu.region"() ({
        %run_scoped3A_491 = tpu.sem_alloc : memref<!tpu.dma_semaphore, #tpu.memory_space<semaphore_mem>>
        %dma_start3A_492 = arith.constant 0 : i32
        %dma_start3A_493 = tpu.memref_slice %arg10[%run_scoped3A_378, %dma_start3A_492] : memref<8x128xi32, #tpu.memory_space<vmem>> -> memref<1x128xi32, #tpu.memory_space<vmem>>
        %dma_start3A_494 = tpu.memref_squeeze %dma_start3A_493 : memref<1x128xi32, #tpu.memory_space<vmem>> -> memref<128xi32, #tpu.memory_space<vmem>>
        %dma_start3A_495 = arith.constant 0 : i32
        %dma_start3A_496 = arith.constant 0 : i32
        %dma_start3A_497 = tpu.memref_slice %arg17[%dma_start3A_495, %dma_start3A_496] : memref<10008x128xf32, #tpu.memory_space<vmem_shared>> -> memref<10008x128xf32, #tpu.memory_space<vmem_shared>>
        tpu.enqueue_indirect_dma source(%arg11 : memref<128x128xf32, #tpu.memory_space<vmem>>) target(%dma_start3A_497 : memref<10008x128xf32, #tpu.memory_space<vmem_shared>>) offsets(%dma_start3A_494 : memref<128xi32, #tpu.memory_space<vmem>>) semaphore(%run_scoped3A_491 : memref<!tpu.dma_semaphore, #tpu.memory_space<semaphore_mem>>) {add = true}
        %dma_wait3A_498 = arith.constant 0 : i32
        %dma_wait3A_499 = tpu.memref_slice %arg10[%run_scoped3A_378, %dma_wait3A_498] : memref<8x128xi32, #tpu.memory_space<vmem>> -> memref<1x128xi32, #tpu.memory_space<vmem>>
        %dma_wait3A_500 = tpu.memref_squeeze %dma_wait3A_499 : memref<1x128xi32, #tpu.memory_space<vmem>> -> memref<128xi32, #tpu.memory_space<vmem>>
        %dma_wait3A_501 = arith.constant 0 : i32
        %dma_wait3A_502 = arith.constant 0 : i32
        %dma_wait3A_503 = tpu.memref_slice %arg17[%dma_wait3A_501, %dma_wait3A_502] : memref<10008x128xf32, #tpu.memory_space<vmem_shared>> -> memref<10008x128xf32, #tpu.memory_space<vmem_shared>>
        tpu.wait_indirect_dma semaphore(%run_scoped3A_491 : memref<!tpu.dma_semaphore, #tpu.memory_space<semaphore_mem>>) src(%arg11 : memref<128x128xf32, #tpu.memory_space<vmem>>) dst(%dma_wait3A_503 : memref<10008x128xf32, #tpu.memory_space<vmem_shared>>)
        tpu.yield
      }) : () -> ()
      %dma_start3A_379 = arith.constant 2 : i32
      %dma_start3A_380 = arith.constant 0 : i32
      %dma_start3A_381 = tpu.memref_slice %arg9[%dma_start3A_379, %dma_start3A_380] : memref<8x128xi32, #tpu.memory_space<vmem>> -> memref<1x128xi32, #tpu.memory_space<vmem>>
      %dma_start3A_382 = tpu.memref_squeeze %dma_start3A_381 : memref<1x128xi32, #tpu.memory_space<vmem>> -> memref<128xi32, #tpu.memory_space<vmem>>
      %dma_start3A_383 = arith.constant 0 : i32
      %dma_start3A_384 = arith.constant 0 : i32
      %dma_start3A_385 = tpu.memref_slice %arg2[%dma_start3A_383, %dma_start3A_384] : memref<40000x128xf32, #tpu.memory_space<hbm>> -> memref<40000x128xf32, #tpu.memory_space<hbm>>
      tpu.enqueue_indirect_dma source(%dma_start3A_385 : memref<40000x128xf32, #tpu.memory_space<hbm>>) target(%arg11 : memref<128x128xf32, #tpu.memory_space<vmem>>) offsets(%dma_start3A_382 : memref<128xi32, #tpu.memory_space<vmem>>) semaphore(%arg13 : memref<!tpu.dma_semaphore, #tpu.memory_space<semaphore_mem>>)
      %dma_wait3A_386 = arith.constant 1 : i32
      %dma_wait3A_387 = arith.constant 0 : i32
      %dma_wait3A_388 = tpu.memref_slice %arg9[%dma_wait3A_386, %dma_wait3A_387] : memref<8x128xi32, #tpu.memory_space<vmem>> -> memref<1x128xi32, #tpu.memory_space<vmem>>
      %dma_wait3A_389 = tpu.memref_squeeze %dma_wait3A_388 : memref<1x128xi32, #tpu.memory_space<vmem>> -> memref<128xi32, #tpu.memory_space<vmem>>
      %dma_wait3A_390 = arith.constant 0 : i32
      %dma_wait3A_391 = arith.constant 0 : i32
      %dma_wait3A_392 = tpu.memref_slice %arg2[%dma_wait3A_390, %dma_wait3A_391] : memref<40000x128xf32, #tpu.memory_space<hbm>> -> memref<40000x128xf32, #tpu.memory_space<hbm>>
      tpu.wait_indirect_dma semaphore(%arg14 : memref<!tpu.dma_semaphore, #tpu.memory_space<semaphore_mem>>) src(%dma_wait3A_392 : memref<40000x128xf32, #tpu.memory_space<hbm>>) dst(%arg12 : memref<128x128xf32, #tpu.memory_space<vmem>>)
      %run_scoped3A_393 = arith.constant 1 : i32
      "tpu.region"() ({
        %run_scoped3A_491 = tpu.sem_alloc : memref<!tpu.dma_semaphore, #tpu.memory_space<semaphore_mem>>
        %dma_start3A_492 = arith.constant 0 : i32
        %dma_start3A_493 = tpu.memref_slice %arg10[%run_scoped3A_393, %dma_start3A_492] : memref<8x128xi32, #tpu.memory_space<vmem>> -> memref<1x128xi32, #tpu.memory_space<vmem>>
        %dma_start3A_494 = tpu.memref_squeeze %dma_start3A_493 : memref<1x128xi32, #tpu.memory_space<vmem>> -> memref<128xi32, #tpu.memory_space<vmem>>
        %dma_start3A_495 = arith.constant 0 : i32
        %dma_start3A_496 = arith.constant 0 : i32
        %dma_start3A_497 = tpu.memref_slice %arg17[%dma_start3A_495, %dma_start3A_496] : memref<10008x128xf32, #tpu.memory_space<vmem_shared>> -> memref<10008x128xf32, #tpu.memory_space<vmem_shared>>
        tpu.enqueue_indirect_dma source(%arg12 : memref<128x128xf32, #tpu.memory_space<vmem>>) target(%dma_start3A_497 : memref<10008x128xf32, #tpu.memory_space<vmem_shared>>) offsets(%dma_start3A_494 : memref<128xi32, #tpu.memory_space<vmem>>) semaphore(%run_scoped3A_491 : memref<!tpu.dma_semaphore, #tpu.memory_space<semaphore_mem>>) {add = true}
        %dma_wait3A_498 = arith.constant 0 : i32
        %dma_wait3A_499 = tpu.memref_slice %arg10[%run_scoped3A_393, %dma_wait3A_498] : memref<8x128xi32, #tpu.memory_space<vmem>> -> memref<1x128xi32, #tpu.memory_space<vmem>>
        %dma_wait3A_500 = tpu.memref_squeeze %dma_wait3A_499 : memref<1x128xi32, #tpu.memory_space<vmem>> -> memref<128xi32, #tpu.memory_space<vmem>>
        %dma_wait3A_501 = arith.constant 0 : i32
        %dma_wait3A_502 = arith.constant 0 : i32
        %dma_wait3A_503 = tpu.memref_slice %arg17[%dma_wait3A_501, %dma_wait3A_502] : memref<10008x128xf32, #tpu.memory_space<vmem_shared>> -> memref<10008x128xf32, #tpu.memory_space<vmem_shared>>
        tpu.wait_indirect_dma semaphore(%run_scoped3A_491 : memref<!tpu.dma_semaphore, #tpu.memory_space<semaphore_mem>>) src(%arg12 : memref<128x128xf32, #tpu.memory_space<vmem>>) dst(%dma_wait3A_503 : memref<10008x128xf32, #tpu.memory_space<vmem_shared>>)
        tpu.yield
      }) : () -> ()
      %dma_start3A_394 = arith.constant 3 : i32
      %dma_start3A_395 = arith.constant 0 : i32
      %dma_start3A_396 = tpu.memref_slice %arg9[%dma_start3A_394, %dma_start3A_395] : memref<8x128xi32, #tpu.memory_space<vmem>> -> memref<1x128xi32, #tpu.memory_space<vmem>>
      %dma_start3A_397 = tpu.memref_squeeze %dma_start3A_396 : memref<1x128xi32, #tpu.memory_space<vmem>> -> memref<128xi32, #tpu.memory_space<vmem>>
      %dma_start3A_398 = arith.constant 0 : i32
      %dma_start3A_399 = arith.constant 0 : i32
      %dma_start3A_400 = tpu.memref_slice %arg2[%dma_start3A_398, %dma_start3A_399] : memref<40000x128xf32, #tpu.memory_space<hbm>> -> memref<40000x128xf32, #tpu.memory_space<hbm>>
      tpu.enqueue_indirect_dma source(%dma_start3A_400 : memref<40000x128xf32, #tpu.memory_space<hbm>>) target(%arg12 : memref<128x128xf32, #tpu.memory_space<vmem>>) offsets(%dma_start3A_397 : memref<128xi32, #tpu.memory_space<vmem>>) semaphore(%arg14 : memref<!tpu.dma_semaphore, #tpu.memory_space<semaphore_mem>>)
      %dma_wait3A_401 = arith.constant 2 : i32
      %dma_wait3A_402 = arith.constant 0 : i32
      %dma_wait3A_403 = tpu.memref_slice %arg9[%dma_wait3A_401, %dma_wait3A_402] : memref<8x128xi32, #tpu.memory_space<vmem>> -> memref<1x128xi32, #tpu.memory_space<vmem>>
      %dma_wait3A_404 = tpu.memref_squeeze %dma_wait3A_403 : memref<1x128xi32, #tpu.memory_space<vmem>> -> memref<128xi32, #tpu.memory_space<vmem>>
      %dma_wait3A_405 = arith.constant 0 : i32
      %dma_wait3A_406 = arith.constant 0 : i32
      %dma_wait3A_407 = tpu.memref_slice %arg2[%dma_wait3A_405, %dma_wait3A_406] : memref<40000x128xf32, #tpu.memory_space<hbm>> -> memref<40000x128xf32, #tpu.memory_space<hbm>>
      tpu.wait_indirect_dma semaphore(%arg13 : memref<!tpu.dma_semaphore, #tpu.memory_space<semaphore_mem>>) src(%dma_wait3A_407 : memref<40000x128xf32, #tpu.memory_space<hbm>>) dst(%arg11 : memref<128x128xf32, #tpu.memory_space<vmem>>)
      %run_scoped3A_408 = arith.constant 2 : i32
      "tpu.region"() ({
        %run_scoped3A_491 = tpu.sem_alloc : memref<!tpu.dma_semaphore, #tpu.memory_space<semaphore_mem>>
        %dma_start3A_492 = arith.constant 0 : i32
        %dma_start3A_493 = tpu.memref_slice %arg10[%run_scoped3A_408, %dma_start3A_492] : memref<8x128xi32, #tpu.memory_space<vmem>> -> memref<1x128xi32, #tpu.memory_space<vmem>>
        %dma_start3A_494 = tpu.memref_squeeze %dma_start3A_493 : memref<1x128xi32, #tpu.memory_space<vmem>> -> memref<128xi32, #tpu.memory_space<vmem>>
        %dma_start3A_495 = arith.constant 0 : i32
        %dma_start3A_496 = arith.constant 0 : i32
        %dma_start3A_497 = tpu.memref_slice %arg17[%dma_start3A_495, %dma_start3A_496] : memref<10008x128xf32, #tpu.memory_space<vmem_shared>> -> memref<10008x128xf32, #tpu.memory_space<vmem_shared>>
        tpu.enqueue_indirect_dma source(%arg11 : memref<128x128xf32, #tpu.memory_space<vmem>>) target(%dma_start3A_497 : memref<10008x128xf32, #tpu.memory_space<vmem_shared>>) offsets(%dma_start3A_494 : memref<128xi32, #tpu.memory_space<vmem>>) semaphore(%run_scoped3A_491 : memref<!tpu.dma_semaphore, #tpu.memory_space<semaphore_mem>>) {add = true}
        %dma_wait3A_498 = arith.constant 0 : i32
        %dma_wait3A_499 = tpu.memref_slice %arg10[%run_scoped3A_408, %dma_wait3A_498] : memref<8x128xi32, #tpu.memory_space<vmem>> -> memref<1x128xi32, #tpu.memory_space<vmem>>
        %dma_wait3A_500 = tpu.memref_squeeze %dma_wait3A_499 : memref<1x128xi32, #tpu.memory_space<vmem>> -> memref<128xi32, #tpu.memory_space<vmem>>
        %dma_wait3A_501 = arith.constant 0 : i32
        %dma_wait3A_502 = arith.constant 0 : i32
        %dma_wait3A_503 = tpu.memref_slice %arg17[%dma_wait3A_501, %dma_wait3A_502] : memref<10008x128xf32, #tpu.memory_space<vmem_shared>> -> memref<10008x128xf32, #tpu.memory_space<vmem_shared>>
        tpu.wait_indirect_dma semaphore(%run_scoped3A_491 : memref<!tpu.dma_semaphore, #tpu.memory_space<semaphore_mem>>) src(%arg11 : memref<128x128xf32, #tpu.memory_space<vmem>>) dst(%dma_wait3A_503 : memref<10008x128xf32, #tpu.memory_space<vmem_shared>>)
        tpu.yield
      }) : () -> ()
      %dma_start3A_409 = arith.constant 4 : i32
      %dma_start3A_410 = arith.constant 0 : i32
      %dma_start3A_411 = tpu.memref_slice %arg9[%dma_start3A_409, %dma_start3A_410] : memref<8x128xi32, #tpu.memory_space<vmem>> -> memref<1x128xi32, #tpu.memory_space<vmem>>
      %dma_start3A_412 = tpu.memref_squeeze %dma_start3A_411 : memref<1x128xi32, #tpu.memory_space<vmem>> -> memref<128xi32, #tpu.memory_space<vmem>>
      %dma_start3A_413 = arith.constant 0 : i32
      %dma_start3A_414 = arith.constant 0 : i32
      %dma_start3A_415 = tpu.memref_slice %arg2[%dma_start3A_413, %dma_start3A_414] : memref<40000x128xf32, #tpu.memory_space<hbm>> -> memref<40000x128xf32, #tpu.memory_space<hbm>>
      tpu.enqueue_indirect_dma source(%dma_start3A_415 : memref<40000x128xf32, #tpu.memory_space<hbm>>) target(%arg11 : memref<128x128xf32, #tpu.memory_space<vmem>>) offsets(%dma_start3A_412 : memref<128xi32, #tpu.memory_space<vmem>>) semaphore(%arg13 : memref<!tpu.dma_semaphore, #tpu.memory_space<semaphore_mem>>)
      %dma_wait3A_416 = arith.constant 3 : i32
      %dma_wait3A_417 = arith.constant 0 : i32
      %dma_wait3A_418 = tpu.memref_slice %arg9[%dma_wait3A_416, %dma_wait3A_417] : memref<8x128xi32, #tpu.memory_space<vmem>> -> memref<1x128xi32, #tpu.memory_space<vmem>>
      %dma_wait3A_419 = tpu.memref_squeeze %dma_wait3A_418 : memref<1x128xi32, #tpu.memory_space<vmem>> -> memref<128xi32, #tpu.memory_space<vmem>>
      %dma_wait3A_420 = arith.constant 0 : i32
      %dma_wait3A_421 = arith.constant 0 : i32
      %dma_wait3A_422 = tpu.memref_slice %arg2[%dma_wait3A_420, %dma_wait3A_421] : memref<40000x128xf32, #tpu.memory_space<hbm>> -> memref<40000x128xf32, #tpu.memory_space<hbm>>
      tpu.wait_indirect_dma semaphore(%arg14 : memref<!tpu.dma_semaphore, #tpu.memory_space<semaphore_mem>>) src(%dma_wait3A_422 : memref<40000x128xf32, #tpu.memory_space<hbm>>) dst(%arg12 : memref<128x128xf32, #tpu.memory_space<vmem>>)
      %run_scoped3A_423 = arith.constant 3 : i32
      "tpu.region"() ({
        %run_scoped3A_491 = tpu.sem_alloc : memref<!tpu.dma_semaphore, #tpu.memory_space<semaphore_mem>>
        %dma_start3A_492 = arith.constant 0 : i32
        %dma_start3A_493 = tpu.memref_slice %arg10[%run_scoped3A_423, %dma_start3A_492] : memref<8x128xi32, #tpu.memory_space<vmem>> -> memref<1x128xi32, #tpu.memory_space<vmem>>
        %dma_start3A_494 = tpu.memref_squeeze %dma_start3A_493 : memref<1x128xi32, #tpu.memory_space<vmem>> -> memref<128xi32, #tpu.memory_space<vmem>>
        %dma_start3A_495 = arith.constant 0 : i32
        %dma_start3A_496 = arith.constant 0 : i32
        %dma_start3A_497 = tpu.memref_slice %arg17[%dma_start3A_495, %dma_start3A_496] : memref<10008x128xf32, #tpu.memory_space<vmem_shared>> -> memref<10008x128xf32, #tpu.memory_space<vmem_shared>>
        tpu.enqueue_indirect_dma source(%arg12 : memref<128x128xf32, #tpu.memory_space<vmem>>) target(%dma_start3A_497 : memref<10008x128xf32, #tpu.memory_space<vmem_shared>>) offsets(%dma_start3A_494 : memref<128xi32, #tpu.memory_space<vmem>>) semaphore(%run_scoped3A_491 : memref<!tpu.dma_semaphore, #tpu.memory_space<semaphore_mem>>) {add = true}
        %dma_wait3A_498 = arith.constant 0 : i32
        %dma_wait3A_499 = tpu.memref_slice %arg10[%run_scoped3A_423, %dma_wait3A_498] : memref<8x128xi32, #tpu.memory_space<vmem>> -> memref<1x128xi32, #tpu.memory_space<vmem>>
        %dma_wait3A_500 = tpu.memref_squeeze %dma_wait3A_499 : memref<1x128xi32, #tpu.memory_space<vmem>> -> memref<128xi32, #tpu.memory_space<vmem>>
        %dma_wait3A_501 = arith.constant 0 : i32
        %dma_wait3A_502 = arith.constant 0 : i32
        %dma_wait3A_503 = tpu.memref_slice %arg17[%dma_wait3A_501, %dma_wait3A_502] : memref<10008x128xf32, #tpu.memory_space<vmem_shared>> -> memref<10008x128xf32, #tpu.memory_space<vmem_shared>>
        tpu.wait_indirect_dma semaphore(%run_scoped3A_491 : memref<!tpu.dma_semaphore, #tpu.memory_space<semaphore_mem>>) src(%arg12 : memref<128x128xf32, #tpu.memory_space<vmem>>) dst(%dma_wait3A_503 : memref<10008x128xf32, #tpu.memory_space<vmem_shared>>)
        tpu.yield
      }) : () -> ()
      %dma_start3A_424 = arith.constant 5 : i32
      %dma_start3A_425 = arith.constant 0 : i32
      %dma_start3A_426 = tpu.memref_slice %arg9[%dma_start3A_424, %dma_start3A_425] : memref<8x128xi32, #tpu.memory_space<vmem>> -> memref<1x128xi32, #tpu.memory_space<vmem>>
      %dma_start3A_427 = tpu.memref_squeeze %dma_start3A_426 : memref<1x128xi32, #tpu.memory_space<vmem>> -> memref<128xi32, #tpu.memory_space<vmem>>
      %dma_start3A_428 = arith.constant 0 : i32
      %dma_start3A_429 = arith.constant 0 : i32
      %dma_start3A_430 = tpu.memref_slice %arg2[%dma_start3A_428, %dma_start3A_429] : memref<40000x128xf32, #tpu.memory_space<hbm>> -> memref<40000x128xf32, #tpu.memory_space<hbm>>
      tpu.enqueue_indirect_dma source(%dma_start3A_430 : memref<40000x128xf32, #tpu.memory_space<hbm>>) target(%arg12 : memref<128x128xf32, #tpu.memory_space<vmem>>) offsets(%dma_start3A_427 : memref<128xi32, #tpu.memory_space<vmem>>) semaphore(%arg14 : memref<!tpu.dma_semaphore, #tpu.memory_space<semaphore_mem>>)
      %dma_wait3A_431 = arith.constant 4 : i32
      %dma_wait3A_432 = arith.constant 0 : i32
      %dma_wait3A_433 = tpu.memref_slice %arg9[%dma_wait3A_431, %dma_wait3A_432] : memref<8x128xi32, #tpu.memory_space<vmem>> -> memref<1x128xi32, #tpu.memory_space<vmem>>
      %dma_wait3A_434 = tpu.memref_squeeze %dma_wait3A_433 : memref<1x128xi32, #tpu.memory_space<vmem>> -> memref<128xi32, #tpu.memory_space<vmem>>
      %dma_wait3A_435 = arith.constant 0 : i32
      %dma_wait3A_436 = arith.constant 0 : i32
      %dma_wait3A_437 = tpu.memref_slice %arg2[%dma_wait3A_435, %dma_wait3A_436] : memref<40000x128xf32, #tpu.memory_space<hbm>> -> memref<40000x128xf32, #tpu.memory_space<hbm>>
      tpu.wait_indirect_dma semaphore(%arg13 : memref<!tpu.dma_semaphore, #tpu.memory_space<semaphore_mem>>) src(%dma_wait3A_437 : memref<40000x128xf32, #tpu.memory_space<hbm>>) dst(%arg11 : memref<128x128xf32, #tpu.memory_space<vmem>>)
      %run_scoped3A_438 = arith.constant 4 : i32
      "tpu.region"() ({
        %run_scoped3A_491 = tpu.sem_alloc : memref<!tpu.dma_semaphore, #tpu.memory_space<semaphore_mem>>
        %dma_start3A_492 = arith.constant 0 : i32
        %dma_start3A_493 = tpu.memref_slice %arg10[%run_scoped3A_438, %dma_start3A_492] : memref<8x128xi32, #tpu.memory_space<vmem>> -> memref<1x128xi32, #tpu.memory_space<vmem>>
        %dma_start3A_494 = tpu.memref_squeeze %dma_start3A_493 : memref<1x128xi32, #tpu.memory_space<vmem>> -> memref<128xi32, #tpu.memory_space<vmem>>
        %dma_start3A_495 = arith.constant 0 : i32
        %dma_start3A_496 = arith.constant 0 : i32
        %dma_start3A_497 = tpu.memref_slice %arg17[%dma_start3A_495, %dma_start3A_496] : memref<10008x128xf32, #tpu.memory_space<vmem_shared>> -> memref<10008x128xf32, #tpu.memory_space<vmem_shared>>
        tpu.enqueue_indirect_dma source(%arg11 : memref<128x128xf32, #tpu.memory_space<vmem>>) target(%dma_start3A_497 : memref<10008x128xf32, #tpu.memory_space<vmem_shared>>) offsets(%dma_start3A_494 : memref<128xi32, #tpu.memory_space<vmem>>) semaphore(%run_scoped3A_491 : memref<!tpu.dma_semaphore, #tpu.memory_space<semaphore_mem>>) {add = true}
        %dma_wait3A_498 = arith.constant 0 : i32
        %dma_wait3A_499 = tpu.memref_slice %arg10[%run_scoped3A_438, %dma_wait3A_498] : memref<8x128xi32, #tpu.memory_space<vmem>> -> memref<1x128xi32, #tpu.memory_space<vmem>>
        %dma_wait3A_500 = tpu.memref_squeeze %dma_wait3A_499 : memref<1x128xi32, #tpu.memory_space<vmem>> -> memref<128xi32, #tpu.memory_space<vmem>>
        %dma_wait3A_501 = arith.constant 0 : i32
        %dma_wait3A_502 = arith.constant 0 : i32
        %dma_wait3A_503 = tpu.memref_slice %arg17[%dma_wait3A_501, %dma_wait3A_502] : memref<10008x128xf32, #tpu.memory_space<vmem_shared>> -> memref<10008x128xf32, #tpu.memory_space<vmem_shared>>
        tpu.wait_indirect_dma semaphore(%run_scoped3A_491 : memref<!tpu.dma_semaphore, #tpu.memory_space<semaphore_mem>>) src(%arg11 : memref<128x128xf32, #tpu.memory_space<vmem>>) dst(%dma_wait3A_503 : memref<10008x128xf32, #tpu.memory_space<vmem_shared>>)
        tpu.yield
      }) : () -> ()
      %dma_start3A_439 = arith.constant 6 : i32
      %dma_start3A_440 = arith.constant 0 : i32
      %dma_start3A_441 = tpu.memref_slice %arg9[%dma_start3A_439, %dma_start3A_440] : memref<8x128xi32, #tpu.memory_space<vmem>> -> memref<1x128xi32, #tpu.memory_space<vmem>>
      %dma_start3A_442 = tpu.memref_squeeze %dma_start3A_441 : memref<1x128xi32, #tpu.memory_space<vmem>> -> memref<128xi32, #tpu.memory_space<vmem>>
      %dma_start3A_443 = arith.constant 0 : i32
      %dma_start3A_444 = arith.constant 0 : i32
      %dma_start3A_445 = tpu.memref_slice %arg2[%dma_start3A_443, %dma_start3A_444] : memref<40000x128xf32, #tpu.memory_space<hbm>> -> memref<40000x128xf32, #tpu.memory_space<hbm>>
      tpu.enqueue_indirect_dma source(%dma_start3A_445 : memref<40000x128xf32, #tpu.memory_space<hbm>>) target(%arg11 : memref<128x128xf32, #tpu.memory_space<vmem>>) offsets(%dma_start3A_442 : memref<128xi32, #tpu.memory_space<vmem>>) semaphore(%arg13 : memref<!tpu.dma_semaphore, #tpu.memory_space<semaphore_mem>>)
      %dma_wait3A_446 = arith.constant 5 : i32
      %dma_wait3A_447 = arith.constant 0 : i32
      %dma_wait3A_448 = tpu.memref_slice %arg9[%dma_wait3A_446, %dma_wait3A_447] : memref<8x128xi32, #tpu.memory_space<vmem>> -> memref<1x128xi32, #tpu.memory_space<vmem>>
      %dma_wait3A_449 = tpu.memref_squeeze %dma_wait3A_448 : memref<1x128xi32, #tpu.memory_space<vmem>> -> memref<128xi32, #tpu.memory_space<vmem>>
      %dma_wait3A_450 = arith.constant 0 : i32
      %dma_wait3A_451 = arith.constant 0 : i32
      %dma_wait3A_452 = tpu.memref_slice %arg2[%dma_wait3A_450, %dma_wait3A_451] : memref<40000x128xf32, #tpu.memory_space<hbm>> -> memref<40000x128xf32, #tpu.memory_space<hbm>>
      tpu.wait_indirect_dma semaphore(%arg14 : memref<!tpu.dma_semaphore, #tpu.memory_space<semaphore_mem>>) src(%dma_wait3A_452 : memref<40000x128xf32, #tpu.memory_space<hbm>>) dst(%arg12 : memref<128x128xf32, #tpu.memory_space<vmem>>)
      %run_scoped3A_453 = arith.constant 5 : i32
      "tpu.region"() ({
        %run_scoped3A_491 = tpu.sem_alloc : memref<!tpu.dma_semaphore, #tpu.memory_space<semaphore_mem>>
        %dma_start3A_492 = arith.constant 0 : i32
        %dma_start3A_493 = tpu.memref_slice %arg10[%run_scoped3A_453, %dma_start3A_492] : memref<8x128xi32, #tpu.memory_space<vmem>> -> memref<1x128xi32, #tpu.memory_space<vmem>>
        %dma_start3A_494 = tpu.memref_squeeze %dma_start3A_493 : memref<1x128xi32, #tpu.memory_space<vmem>> -> memref<128xi32, #tpu.memory_space<vmem>>
        %dma_start3A_495 = arith.constant 0 : i32
        %dma_start3A_496 = arith.constant 0 : i32
        %dma_start3A_497 = tpu.memref_slice %arg17[%dma_start3A_495, %dma_start3A_496] : memref<10008x128xf32, #tpu.memory_space<vmem_shared>> -> memref<10008x128xf32, #tpu.memory_space<vmem_shared>>
        tpu.enqueue_indirect_dma source(%arg12 : memref<128x128xf32, #tpu.memory_space<vmem>>) target(%dma_start3A_497 : memref<10008x128xf32, #tpu.memory_space<vmem_shared>>) offsets(%dma_start3A_494 : memref<128xi32, #tpu.memory_space<vmem>>) semaphore(%run_scoped3A_491 : memref<!tpu.dma_semaphore, #tpu.memory_space<semaphore_mem>>) {add = true}
        %dma_wait3A_498 = arith.constant 0 : i32
        %dma_wait3A_499 = tpu.memref_slice %arg10[%run_scoped3A_453, %dma_wait3A_498] : memref<8x128xi32, #tpu.memory_space<vmem>> -> memref<1x128xi32, #tpu.memory_space<vmem>>
        %dma_wait3A_500 = tpu.memref_squeeze %dma_wait3A_499 : memref<1x128xi32, #tpu.memory_space<vmem>> -> memref<128xi32, #tpu.memory_space<vmem>>
        %dma_wait3A_501 = arith.constant 0 : i32
        %dma_wait3A_502 = arith.constant 0 : i32
        %dma_wait3A_503 = tpu.memref_slice %arg17[%dma_wait3A_501, %dma_wait3A_502] : memref<10008x128xf32, #tpu.memory_space<vmem_shared>> -> memref<10008x128xf32, #tpu.memory_space<vmem_shared>>
        tpu.wait_indirect_dma semaphore(%run_scoped3A_491 : memref<!tpu.dma_semaphore, #tpu.memory_space<semaphore_mem>>) src(%arg12 : memref<128x128xf32, #tpu.memory_space<vmem>>) dst(%dma_wait3A_503 : memref<10008x128xf32, #tpu.memory_space<vmem_shared>>)
        tpu.yield
      }) : () -> ()
      %dma_start3A_454 = arith.constant 7 : i32
      %dma_start3A_455 = arith.constant 0 : i32
      %dma_start3A_456 = tpu.memref_slice %arg9[%dma_start3A_454, %dma_start3A_455] : memref<8x128xi32, #tpu.memory_space<vmem>> -> memref<1x128xi32, #tpu.memory_space<vmem>>
      %dma_start3A_457 = tpu.memref_squeeze %dma_start3A_456 : memref<1x128xi32, #tpu.memory_space<vmem>> -> memref<128xi32, #tpu.memory_space<vmem>>
      %dma_start3A_458 = arith.constant 0 : i32
      %dma_start3A_459 = arith.constant 0 : i32
      %dma_start3A_460 = tpu.memref_slice %arg2[%dma_start3A_458, %dma_start3A_459] : memref<40000x128xf32, #tpu.memory_space<hbm>> -> memref<40000x128xf32, #tpu.memory_space<hbm>>
      tpu.enqueue_indirect_dma source(%dma_start3A_460 : memref<40000x128xf32, #tpu.memory_space<hbm>>) target(%arg12 : memref<128x128xf32, #tpu.memory_space<vmem>>) offsets(%dma_start3A_457 : memref<128xi32, #tpu.memory_space<vmem>>) semaphore(%arg14 : memref<!tpu.dma_semaphore, #tpu.memory_space<semaphore_mem>>)
      %dma_wait3A_461 = arith.constant 6 : i32
      %dma_wait3A_462 = arith.constant 0 : i32
      %dma_wait3A_463 = tpu.memref_slice %arg9[%dma_wait3A_461, %dma_wait3A_462] : memref<8x128xi32, #tpu.memory_space<vmem>> -> memref<1x128xi32, #tpu.memory_space<vmem>>
      %dma_wait3A_464 = tpu.memref_squeeze %dma_wait3A_463 : memref<1x128xi32, #tpu.memory_space<vmem>> -> memref<128xi32, #tpu.memory_space<vmem>>
      %dma_wait3A_465 = arith.constant 0 : i32
      %dma_wait3A_466 = arith.constant 0 : i32
      %dma_wait3A_467 = tpu.memref_slice %arg2[%dma_wait3A_465, %dma_wait3A_466] : memref<40000x128xf32, #tpu.memory_space<hbm>> -> memref<40000x128xf32, #tpu.memory_space<hbm>>
      tpu.wait_indirect_dma semaphore(%arg13 : memref<!tpu.dma_semaphore, #tpu.memory_space<semaphore_mem>>) src(%dma_wait3A_467 : memref<40000x128xf32, #tpu.memory_space<hbm>>) dst(%arg11 : memref<128x128xf32, #tpu.memory_space<vmem>>)
      %run_scoped3A_468 = arith.constant 6 : i32
      "tpu.region"() ({
        %run_scoped3A_491 = tpu.sem_alloc : memref<!tpu.dma_semaphore, #tpu.memory_space<semaphore_mem>>
        %dma_start3A_492 = arith.constant 0 : i32
        %dma_start3A_493 = tpu.memref_slice %arg10[%run_scoped3A_468, %dma_start3A_492] : memref<8x128xi32, #tpu.memory_space<vmem>> -> memref<1x128xi32, #tpu.memory_space<vmem>>
        %dma_start3A_494 = tpu.memref_squeeze %dma_start3A_493 : memref<1x128xi32, #tpu.memory_space<vmem>> -> memref<128xi32, #tpu.memory_space<vmem>>
        %dma_start3A_495 = arith.constant 0 : i32
        %dma_start3A_496 = arith.constant 0 : i32
        %dma_start3A_497 = tpu.memref_slice %arg17[%dma_start3A_495, %dma_start3A_496] : memref<10008x128xf32, #tpu.memory_space<vmem_shared>> -> memref<10008x128xf32, #tpu.memory_space<vmem_shared>>
        tpu.enqueue_indirect_dma source(%arg11 : memref<128x128xf32, #tpu.memory_space<vmem>>) target(%dma_start3A_497 : memref<10008x128xf32, #tpu.memory_space<vmem_shared>>) offsets(%dma_start3A_494 : memref<128xi32, #tpu.memory_space<vmem>>) semaphore(%run_scoped3A_491 : memref<!tpu.dma_semaphore, #tpu.memory_space<semaphore_mem>>) {add = true}
        %dma_wait3A_498 = arith.constant 0 : i32
        %dma_wait3A_499 = tpu.memref_slice %arg10[%run_scoped3A_468, %dma_wait3A_498] : memref<8x128xi32, #tpu.memory_space<vmem>> -> memref<1x128xi32, #tpu.memory_space<vmem>>
        %dma_wait3A_500 = tpu.memref_squeeze %dma_wait3A_499 : memref<1x128xi32, #tpu.memory_space<vmem>> -> memref<128xi32, #tpu.memory_space<vmem>>
        %dma_wait3A_501 = arith.constant 0 : i32
        %dma_wait3A_502 = arith.constant 0 : i32
        %dma_wait3A_503 = tpu.memref_slice %arg17[%dma_wait3A_501, %dma_wait3A_502] : memref<10008x128xf32, #tpu.memory_space<vmem_shared>> -> memref<10008x128xf32, #tpu.memory_space<vmem_shared>>
        tpu.wait_indirect_dma semaphore(%run_scoped3A_491 : memref<!tpu.dma_semaphore, #tpu.memory_space<semaphore_mem>>) src(%arg11 : memref<128x128xf32, #tpu.memory_space<vmem>>) dst(%dma_wait3A_503 : memref<10008x128xf32, #tpu.memory_space<vmem_shared>>)
        tpu.yield
      }) : () -> ()
      %add3A_469 = arith.constant 2 : i32
      %add3A_470 = arith.addi %add3A_190, %add3A_469 : i32
      %lt3A_471 = arith.constant 20 : i32
      %lt3A_472 = arith.cmpi slt, %add3A_470, %lt3A_471 : i32
      %convert_element_type3A_473 = arith.extui %lt3A_472 : i1 to i32
      %cond3A_474 = arith.constant 0 : i32
      %cond3A_475 = arith.cmpi ne, %convert_element_type3A_473, %cond3A_474 : i32
      scf.if %cond3A_475 {
        %add3A_491 = arith.constant 2 : i32
        %add3A_492 = arith.addi %add3A_190, %add3A_491 : i32
        %mul3A_493 = arith.constant 16 : i32
        %mul3A_494 = arith.muli %add3A_0, %mul3A_493 : i32
        %add3A_495 = arith.addi %mul3A_494, %arg1 : i32
        %mul3A_496 = arith.constant 20 : i32
        %mul3A_497 = arith.muli %add3A_495, %mul3A_496 : i32
        %add3A_498 = arith.addi %mul3A_497, %add3A_492 : i32
        %mul3A_499 = arith.constant 20 : i32
        %mul3A_500 = arith.muli %arg1, %mul3A_499 : i32
        %add3A_501 = arith.addi %mul3A_500, %add3A_492 : i32
        %dma_wait3A_502 = arith.constant 0 : i32
        %dma_wait3A_503 = arith.constant 0 : i32
        %dma_wait3A_504 = tpu.memref_slice %arg3[%add3A_498, %dma_wait3A_502, %dma_wait3A_503] : memref<1280x8x128xi32, #tpu.memory_space<hbm>> -> memref<1x8x128xi32, #tpu.memory_space<hbm>>
        %dma_wait3A_505 = tpu.memref_squeeze %dma_wait3A_504 : memref<1x8x128xi32, #tpu.memory_space<hbm>> -> memref<8x128xi32, #tpu.memory_space<hbm>>
        %dma_wait3A_506 = arith.constant 0 : i32
        %dma_wait3A_507 = arith.constant 0 : i32
        %dma_wait3A_508 = tpu.memref_slice %arg3[%add3A_498, %dma_wait3A_506, %dma_wait3A_507] : memref<1280x8x128xi32, #tpu.memory_space<hbm>> -> memref<1x8x128xi32, #tpu.memory_space<hbm>>
        %dma_wait3A_509 = tpu.memref_squeeze %dma_wait3A_508 : memref<1x8x128xi32, #tpu.memory_space<hbm>> -> memref<8x128xi32, #tpu.memory_space<hbm>>
        tpu.wait_dma2 semaphore(%arg15 : memref<!tpu.dma_semaphore, #tpu.memory_space<semaphore_mem>>) src(%dma_wait3A_509 : memref<8x128xi32, #tpu.memory_space<hbm>>) dst(%arg7 : memref<8x128xi32, #tpu.memory_space<vmem>>)
        %dma_wait3A_510 = arith.constant 0 : i32
        %dma_wait3A_511 = arith.constant 0 : i32
        %dma_wait3A_512 = tpu.memref_slice %arg4[%add3A_501, %dma_wait3A_510, %dma_wait3A_511] : memref<320x8x128xi32, #tpu.memory_space<hbm>> -> memref<1x8x128xi32, #tpu.memory_space<hbm>>
        %dma_wait3A_513 = tpu.memref_squeeze %dma_wait3A_512 : memref<1x8x128xi32, #tpu.memory_space<hbm>> -> memref<8x128xi32, #tpu.memory_space<hbm>>
        %dma_wait3A_514 = arith.constant 0 : i32
        %dma_wait3A_515 = arith.constant 0 : i32
        %dma_wait3A_516 = tpu.memref_slice %arg4[%add3A_501, %dma_wait3A_514, %dma_wait3A_515] : memref<320x8x128xi32, #tpu.memory_space<hbm>> -> memref<1x8x128xi32, #tpu.memory_space<hbm>>
        %dma_wait3A_517 = tpu.memref_squeeze %dma_wait3A_516 : memref<1x8x128xi32, #tpu.memory_space<hbm>> -> memref<8x128xi32, #tpu.memory_space<hbm>>
        tpu.wait_dma2 semaphore(%arg15 : memref<!tpu.dma_semaphore, #tpu.memory_space<semaphore_mem>>) src(%dma_wait3A_517 : memref<8x128xi32, #tpu.memory_space<hbm>>) dst(%arg8 : memref<8x128xi32, #tpu.memory_space<vmem>>)
        %dma_start3A_518 = arith.constant 0 : i32
        %dma_start3A_519 = arith.constant 0 : i32
        %dma_start3A_520 = tpu.memref_slice %arg7[%dma_start3A_518, %dma_start3A_519] : memref<8x128xi32, #tpu.memory_space<vmem>> -> memref<1x128xi32, #tpu.memory_space<vmem>>
        %dma_start3A_521 = tpu.memref_squeeze %dma_start3A_520 : memref<1x128xi32, #tpu.memory_space<vmem>> -> memref<128xi32, #tpu.memory_space<vmem>>
        %dma_start3A_522 = arith.constant 0 : i32
        %dma_start3A_523 = arith.constant 0 : i32
        %dma_start3A_524 = tpu.memref_slice %arg2[%dma_start3A_522, %dma_start3A_523] : memref<40000x128xf32, #tpu.memory_space<hbm>> -> memref<40000x128xf32, #tpu.memory_space<hbm>>
        tpu.enqueue_indirect_dma source(%dma_start3A_524 : memref<40000x128xf32, #tpu.memory_space<hbm>>) target(%arg11 : memref<128x128xf32, #tpu.memory_space<vmem>>) offsets(%dma_start3A_521 : memref<128xi32, #tpu.memory_space<vmem>>) semaphore(%arg13 : memref<!tpu.dma_semaphore, #tpu.memory_space<semaphore_mem>>)
      } else {
      }
      %dma_wait3A_476 = arith.constant 7 : i32
      %dma_wait3A_477 = arith.constant 0 : i32
      %dma_wait3A_478 = tpu.memref_slice %arg9[%dma_wait3A_476, %dma_wait3A_477] : memref<8x128xi32, #tpu.memory_space<vmem>> -> memref<1x128xi32, #tpu.memory_space<vmem>>
      %dma_wait3A_479 = tpu.memref_squeeze %dma_wait3A_478 : memref<1x128xi32, #tpu.memory_space<vmem>> -> memref<128xi32, #tpu.memory_space<vmem>>
      %dma_wait3A_480 = arith.constant 0 : i32
      %dma_wait3A_481 = arith.constant 0 : i32
      %dma_wait3A_482 = tpu.memref_slice %arg2[%dma_wait3A_480, %dma_wait3A_481] : memref<40000x128xf32, #tpu.memory_space<hbm>> -> memref<40000x128xf32, #tpu.memory_space<hbm>>
      tpu.wait_indirect_dma semaphore(%arg14 : memref<!tpu.dma_semaphore, #tpu.memory_space<semaphore_mem>>) src(%dma_wait3A_482 : memref<40000x128xf32, #tpu.memory_space<hbm>>) dst(%arg12 : memref<128x128xf32, #tpu.memory_space<vmem>>)
      %run_scoped3A_483 = arith.constant 7 : i32
      "tpu.region"() ({
        %run_scoped3A_491 = tpu.sem_alloc : memref<!tpu.dma_semaphore, #tpu.memory_space<semaphore_mem>>
        %dma_start3A_492 = arith.constant 0 : i32
        %dma_start3A_493 = tpu.memref_slice %arg10[%run_scoped3A_483, %dma_start3A_492] : memref<8x128xi32, #tpu.memory_space<vmem>> -> memref<1x128xi32, #tpu.memory_space<vmem>>
        %dma_start3A_494 = tpu.memref_squeeze %dma_start3A_493 : memref<1x128xi32, #tpu.memory_space<vmem>> -> memref<128xi32, #tpu.memory_space<vmem>>
        %dma_start3A_495 = arith.constant 0 : i32
        %dma_start3A_496 = arith.constant 0 : i32
        %dma_start3A_497 = tpu.memref_slice %arg17[%dma_start3A_495, %dma_start3A_496] : memref<10008x128xf32, #tpu.memory_space<vmem_shared>> -> memref<10008x128xf32, #tpu.memory_space<vmem_shared>>
        tpu.enqueue_indirect_dma source(%arg12 : memref<128x128xf32, #tpu.memory_space<vmem>>) target(%dma_start3A_497 : memref<10008x128xf32, #tpu.memory_space<vmem_shared>>) offsets(%dma_start3A_494 : memref<128xi32, #tpu.memory_space<vmem>>) semaphore(%run_scoped3A_491 : memref<!tpu.dma_semaphore, #tpu.memory_space<semaphore_mem>>) {add = true}
        %dma_wait3A_498 = arith.constant 0 : i32
        %dma_wait3A_499 = tpu.memref_slice %arg10[%run_scoped3A_483, %dma_wait3A_498] : memref<8x128xi32, #tpu.memory_space<vmem>> -> memref<1x128xi32, #tpu.memory_space<vmem>>
        %dma_wait3A_500 = tpu.memref_squeeze %dma_wait3A_499 : memref<1x128xi32, #tpu.memory_space<vmem>> -> memref<128xi32, #tpu.memory_space<vmem>>
        %dma_wait3A_501 = arith.constant 0 : i32
        %dma_wait3A_502 = arith.constant 0 : i32
        %dma_wait3A_503 = tpu.memref_slice %arg17[%dma_wait3A_501, %dma_wait3A_502] : memref<10008x128xf32, #tpu.memory_space<vmem_shared>> -> memref<10008x128xf32, #tpu.memory_space<vmem_shared>>
        tpu.wait_indirect_dma semaphore(%run_scoped3A_491 : memref<!tpu.dma_semaphore, #tpu.memory_space<semaphore_mem>>) src(%arg12 : memref<128x128xf32, #tpu.memory_space<vmem>>) dst(%dma_wait3A_503 : memref<10008x128xf32, #tpu.memory_space<vmem_shared>>)
        tpu.yield
      }) : () -> ()
      %add3A_484 = arith.constant 2 : i32
      %add3A_485 = arith.addi %add3A_190, %add3A_484 : i32
      %lt3A_486 = arith.constant 20 : i32
      %lt3A_487 = arith.cmpi slt, %add3A_485, %lt3A_486 : i32
      %convert_element_type3A_488 = arith.extui %lt3A_487 : i1 to i32
      %cond3A_489 = arith.constant 0 : i32
      %cond3A_490 = arith.cmpi ne, %convert_element_type3A_488, %cond3A_489 : i32
      scf.if %cond3A_490 {
        %dma_start3A_491 = arith.constant 1 : i32
        %dma_start3A_492 = arith.constant 0 : i32
        %dma_start3A_493 = tpu.memref_slice %arg7[%dma_start3A_491, %dma_start3A_492] : memref<8x128xi32, #tpu.memory_space<vmem>> -> memref<1x128xi32, #tpu.memory_space<vmem>>
        %dma_start3A_494 = tpu.memref_squeeze %dma_start3A_493 : memref<1x128xi32, #tpu.memory_space<vmem>> -> memref<128xi32, #tpu.memory_space<vmem>>
        %dma_start3A_495 = arith.constant 0 : i32
        %dma_start3A_496 = arith.constant 0 : i32
        %dma_start3A_497 = tpu.memref_slice %arg2[%dma_start3A_495, %dma_start3A_496] : memref<40000x128xf32, #tpu.memory_space<hbm>> -> memref<40000x128xf32, #tpu.memory_space<hbm>>
        tpu.enqueue_indirect_dma source(%dma_start3A_497 : memref<40000x128xf32, #tpu.memory_space<hbm>>) target(%arg12 : memref<128x128xf32, #tpu.memory_space<vmem>>) offsets(%dma_start3A_494 : memref<128xi32, #tpu.memory_space<vmem>>) semaphore(%arg14 : memref<!tpu.dma_semaphore, #tpu.memory_space<semaphore_mem>>)
      } else {
      }
    }
    %scan3A_75 = arith.constant 10 : i32
    %barrier3A_76 = arith.constant 0 : index
    tpu.barrier barrier_id(%barrier3A_76)
    %lt3A_77 = arith.constant 15 : i32
    %lt3A_78 = arith.cmpi slt, %arg1, %lt3A_77 : i32
    %convert_element_type3A_79 = arith.extui %lt3A_78 : i1 to i32
    %cond3A_80 = arith.constant 0 : i32
    %cond3A_81 = arith.cmpi ne, %convert_element_type3A_79, %cond3A_80 : i32
    scf.if %cond3A_81 {
      %mul3A_186 = arith.constant 632 : i32
      %mul3A_187 = arith.muli %arg1, %mul3A_186 : i32
      %mul3A_188 = arith.constant 10000 : i32
      %mul3A_189 = arith.muli %add3A_0, %mul3A_188 : i32
      %mul3A_190 = arith.constant 632 : i32
      %mul3A_191 = arith.muli %arg1, %mul3A_190 : i32
      %add3A_192 = arith.addi %mul3A_189, %mul3A_191 : i32
      "tpu.region"() ({
        %run_scoped3A = tpu.sem_alloc : memref<!tpu.dma_semaphore, #tpu.memory_space<semaphore_mem>>
        %dma_start3A_193 = arith.constant 0 : i32
        %dma_start3A_194 = tpu.memref_slice %arg6[%add3A_192, %dma_start3A_193] : memref<40000x128xf32, #tpu.memory_space<hbm>> -> memref<632x128xf32, #tpu.memory_space<hbm>>
        %dma_start3A_195 = arith.constant 0 : i32
        %dma_start3A_196 = tpu.memref_slice %arg17[%mul3A_187, %dma_start3A_195] : memref<10008x128xf32, #tpu.memory_space<vmem_shared>> -> memref<632x128xf32, #tpu.memory_space<vmem_shared>>
        tpu.enqueue_dma source(%dma_start3A_196 : memref<632x128xf32, #tpu.memory_space<vmem_shared>>) target(%dma_start3A_194 : memref<632x128xf32, #tpu.memory_space<hbm>>) target_semaphore(%run_scoped3A : memref<!tpu.dma_semaphore, #tpu.memory_space<semaphore_mem>>)
        %dma_wait3A_197 = arith.constant 0 : i32
        %dma_wait3A_198 = tpu.memref_slice %arg6[%add3A_192, %dma_wait3A_197] : memref<40000x128xf32, #tpu.memory_space<hbm>> -> memref<632x128xf32, #tpu.memory_space<hbm>>
        %dma_wait3A_199 = arith.constant 0 : i32
        %dma_wait3A_200 = tpu.memref_slice %arg17[%mul3A_187, %dma_wait3A_199] : memref<10008x128xf32, #tpu.memory_space<vmem_shared>> -> memref<632x128xf32, #tpu.memory_space<vmem_shared>>
        tpu.wait_dma2 semaphore(%run_scoped3A : memref<!tpu.dma_semaphore, #tpu.memory_space<semaphore_mem>>) src(%dma_wait3A_200 : memref<632x128xf32, #tpu.memory_space<vmem_shared>>) dst(%dma_wait3A_198 : memref<632x128xf32, #tpu.memory_space<hbm>>)
        tpu.yield
      }) : () -> ()
    } else {
    }
    %eq3A_82 = arith.constant 15 : i32
    %eq3A_83 = arith.cmpi eq, %arg1, %eq3A_82 : i32
    %convert_element_type3A_84 = arith.extui %eq3A_83 : i1 to i32
    %cond3A_85 = arith.constant 0 : i32
    %cond3A_86 = arith.cmpi ne, %convert_element_type3A_84, %cond3A_85 : i32
    scf.if %cond3A_86 {
      %mul3A_186 = arith.constant 10000 : i32
      %mul3A_187 = arith.muli %add3A_0, %mul3A_186 : i32
      %add3A_188 = arith.constant 9480 : i32
      %add3A_189 = arith.addi %mul3A_187, %add3A_188 : i32
      "tpu.region"() ({
        %run_scoped3A = tpu.sem_alloc : memref<!tpu.dma_semaphore, #tpu.memory_space<semaphore_mem>>
        %dma_start3A_190 = arith.constant 0 : i32
        %dma_start3A_191 = tpu.memref_slice %arg6[%add3A_189, %dma_start3A_190] : memref<40000x128xf32, #tpu.memory_space<hbm>> -> memref<520x128xf32, #tpu.memory_space<hbm>>
        %dma_start3A_192 = arith.constant 9480 : i32
        %dma_start3A_193 = arith.constant 0 : i32
        %dma_start3A_194 = tpu.memref_slice %arg17[%dma_start3A_192, %dma_start3A_193] : memref<10008x128xf32, #tpu.memory_space<vmem_shared>> -> memref<520x128xf32, #tpu.memory_space<vmem_shared>>
        tpu.enqueue_dma source(%dma_start3A_194 : memref<520x128xf32, #tpu.memory_space<vmem_shared>>) target(%dma_start3A_191 : memref<520x128xf32, #tpu.memory_space<hbm>>) target_semaphore(%run_scoped3A : memref<!tpu.dma_semaphore, #tpu.memory_space<semaphore_mem>>)
        %dma_wait3A_195 = arith.constant 0 : i32
        %dma_wait3A_196 = tpu.memref_slice %arg6[%add3A_189, %dma_wait3A_195] : memref<40000x128xf32, #tpu.memory_space<hbm>> -> memref<520x128xf32, #tpu.memory_space<hbm>>
        %dma_wait3A_197 = arith.constant 9480 : i32
        %dma_wait3A_198 = arith.constant 0 : i32
        %dma_wait3A_199 = tpu.memref_slice %arg17[%dma_wait3A_197, %dma_wait3A_198] : memref<10008x128xf32, #tpu.memory_space<vmem_shared>> -> memref<520x128xf32, #tpu.memory_space<vmem_shared>>
        tpu.wait_dma2 semaphore(%run_scoped3A : memref<!tpu.dma_semaphore, #tpu.memory_space<semaphore_mem>>) src(%dma_wait3A_199 : memref<520x128xf32, #tpu.memory_space<vmem_shared>>) dst(%dma_wait3A_196 : memref<520x128xf32, #tpu.memory_space<hbm>>)
        tpu.yield
      }) : () -> ()
    } else {
    }
    %barrier3A_87 = arith.constant 0 : index
    tpu.barrier barrier_id(%barrier3A_87)
    %add3A_88 = arith.constant 2 : i32
    %add3A_89 = arith.addi %add3A_88, %arg0 : i32
    %mul3A_90 = arith.constant 16 : i32
    %mul3A_91 = arith.muli %add3A_89, %mul3A_90 : i32
    %add3A_92 = arith.addi %mul3A_91, %arg1 : i32
    %mul3A_93 = arith.constant 20 : i32
    %mul3A_94 = arith.muli %add3A_92, %mul3A_93 : i32
    %add3A_95 = arith.constant 0 : i32
    %add3A_96 = arith.addi %mul3A_94, %add3A_95 : i32
    %mul3A_97 = arith.constant 20 : i32
    %mul3A_98 = arith.muli %arg1, %mul3A_97 : i32
    %add3A_99 = arith.constant 0 : i32
    %add3A_100 = arith.addi %mul3A_98, %add3A_99 : i32
    %dma_start3A_101 = arith.constant 0 : i32
    %dma_start3A_102 = arith.constant 0 : i32
    %dma_start3A_103 = tpu.memref_slice %arg3[%add3A_96, %dma_start3A_101, %dma_start3A_102] : memref<1280x8x128xi32, #tpu.memory_space<hbm>> -> memref<1x8x128xi32, #tpu.memory_space<hbm>>
    %dma_start3A_104 = tpu.memref_squeeze %dma_start3A_103 : memref<1x8x128xi32, #tpu.memory_space<hbm>> -> memref<8x128xi32, #tpu.memory_space<hbm>>
    %dma_start3A_105 = arith.constant 0 : i32
    %dma_start3A_106 = arith.constant 0 : i32
    %dma_start3A_107 = tpu.memref_slice %arg3[%add3A_96, %dma_start3A_105, %dma_start3A_106] : memref<1280x8x128xi32, #tpu.memory_space<hbm>> -> memref<1x8x128xi32, #tpu.memory_space<hbm>>
    %dma_start3A_108 = tpu.memref_squeeze %dma_start3A_107 : memref<1x8x128xi32, #tpu.memory_space<hbm>> -> memref<8x128xi32, #tpu.memory_space<hbm>>
    tpu.enqueue_dma source(%dma_start3A_108 : memref<8x128xi32, #tpu.memory_space<hbm>>) target(%arg7 : memref<8x128xi32, #tpu.memory_space<vmem>>) target_semaphore(%arg15 : memref<!tpu.dma_semaphore, #tpu.memory_space<semaphore_mem>>)
    %dma_start3A_109 = arith.constant 0 : i32
    %dma_start3A_110 = arith.constant 0 : i32
    %dma_start3A_111 = tpu.memref_slice %arg4[%add3A_100, %dma_start3A_109, %dma_start3A_110] : memref<320x8x128xi32, #tpu.memory_space<hbm>> -> memref<1x8x128xi32, #tpu.memory_space<hbm>>
    %dma_start3A_112 = tpu.memref_squeeze %dma_start3A_111 : memref<1x8x128xi32, #tpu.memory_space<hbm>> -> memref<8x128xi32, #tpu.memory_space<hbm>>
    %dma_start3A_113 = arith.constant 0 : i32
    %dma_start3A_114 = arith.constant 0 : i32
    %dma_start3A_115 = tpu.memref_slice %arg4[%add3A_100, %dma_start3A_113, %dma_start3A_114] : memref<320x8x128xi32, #tpu.memory_space<hbm>> -> memref<1x8x128xi32, #tpu.memory_space<hbm>>
    %dma_start3A_116 = tpu.memref_squeeze %dma_start3A_115 : memref<1x8x128xi32, #tpu.memory_space<hbm>> -> memref<8x128xi32, #tpu.memory_space<hbm>>
    tpu.enqueue_dma source(%dma_start3A_116 : memref<8x128xi32, #tpu.memory_space<hbm>>) target(%arg8 : memref<8x128xi32, #tpu.memory_space<vmem>>) target_semaphore(%arg15 : memref<!tpu.dma_semaphore, #tpu.memory_space<semaphore_mem>>)
    %mul3A_117 = arith.constant 16 : i32
    %mul3A_118 = arith.muli %add3A_89, %mul3A_117 : i32
    %add3A_119 = arith.addi %mul3A_118, %arg1 : i32
    %mul3A_120 = arith.constant 20 : i32
    %mul3A_121 = arith.muli %add3A_119, %mul3A_120 : i32
    %add3A_122 = arith.constant 0 : i32
    %add3A_123 = arith.addi %mul3A_121, %add3A_122 : i32
    %mul3A_124 = arith.constant 20 : i32
    %mul3A_125 = arith.muli %arg1, %mul3A_124 : i32
    %add3A_126 = arith.constant 0 : i32
    %add3A_127 = arith.addi %mul3A_125, %add3A_126 : i32
    %dma_wait3A_128 = arith.constant 0 : i32
    %dma_wait3A_129 = arith.constant 0 : i32
    %dma_wait3A_130 = tpu.memref_slice %arg3[%add3A_123, %dma_wait3A_128, %dma_wait3A_129] : memref<1280x8x128xi32, #tpu.memory_space<hbm>> -> memref<1x8x128xi32, #tpu.memory_space<hbm>>
    %dma_wait3A_131 = tpu.memref_squeeze %dma_wait3A_130 : memref<1x8x128xi32, #tpu.memory_space<hbm>> -> memref<8x128xi32, #tpu.memory_space<hbm>>
    %dma_wait3A_132 = arith.constant 0 : i32
    %dma_wait3A_133 = arith.constant 0 : i32
    %dma_wait3A_134 = tpu.memref_slice %arg3[%add3A_123, %dma_wait3A_132, %dma_wait3A_133] : memref<1280x8x128xi32, #tpu.memory_space<hbm>> -> memref<1x8x128xi32, #tpu.memory_space<hbm>>
    %dma_wait3A_135 = tpu.memref_squeeze %dma_wait3A_134 : memref<1x8x128xi32, #tpu.memory_space<hbm>> -> memref<8x128xi32, #tpu.memory_space<hbm>>
    tpu.wait_dma2 semaphore(%arg15 : memref<!tpu.dma_semaphore, #tpu.memory_space<semaphore_mem>>) src(%dma_wait3A_135 : memref<8x128xi32, #tpu.memory_space<hbm>>) dst(%arg7 : memref<8x128xi32, #tpu.memory_space<vmem>>)
    %dma_wait3A_136 = arith.constant 0 : i32
    %dma_wait3A_137 = arith.constant 0 : i32
    %dma_wait3A_138 = tpu.memref_slice %arg4[%add3A_127, %dma_wait3A_136, %dma_wait3A_137] : memref<320x8x128xi32, #tpu.memory_space<hbm>> -> memref<1x8x128xi32, #tpu.memory_space<hbm>>
    %dma_wait3A_139 = tpu.memref_squeeze %dma_wait3A_138 : memref<1x8x128xi32, #tpu.memory_space<hbm>> -> memref<8x128xi32, #tpu.memory_space<hbm>>
    %dma_wait3A_140 = arith.constant 0 : i32
    %dma_wait3A_141 = arith.constant 0 : i32
    %dma_wait3A_142 = tpu.memref_slice %arg4[%add3A_127, %dma_wait3A_140, %dma_wait3A_141] : memref<320x8x128xi32, #tpu.memory_space<hbm>> -> memref<1x8x128xi32, #tpu.memory_space<hbm>>
    %dma_wait3A_143 = tpu.memref_squeeze %dma_wait3A_142 : memref<1x8x128xi32, #tpu.memory_space<hbm>> -> memref<8x128xi32, #tpu.memory_space<hbm>>
    tpu.wait_dma2 semaphore(%arg15 : memref<!tpu.dma_semaphore, #tpu.memory_space<semaphore_mem>>) src(%dma_wait3A_143 : memref<8x128xi32, #tpu.memory_space<hbm>>) dst(%arg8 : memref<8x128xi32, #tpu.memory_space<vmem>>)
    %dma_start3A_144 = arith.constant 0 : i32
    %dma_start3A_145 = arith.constant 0 : i32
    %dma_start3A_146 = tpu.memref_slice %arg7[%dma_start3A_144, %dma_start3A_145] : memref<8x128xi32, #tpu.memory_space<vmem>> -> memref<1x128xi32, #tpu.memory_space<vmem>>
    %dma_start3A_147 = tpu.memref_squeeze %dma_start3A_146 : memref<1x128xi32, #tpu.memory_space<vmem>> -> memref<128xi32, #tpu.memory_space<vmem>>
    %dma_start3A_148 = arith.constant 0 : i32
    %dma_start3A_149 = arith.constant 0 : i32
    %dma_start3A_150 = tpu.memref_slice %arg2[%dma_start3A_148, %dma_start3A_149] : memref<40000x128xf32, #tpu.memory_space<hbm>> -> memref<40000x128xf32, #tpu.memory_space<hbm>>
    tpu.enqueue_indirect_dma source(%dma_start3A_150 : memref<40000x128xf32, #tpu.memory_space<hbm>>) target(%arg11 : memref<128x128xf32, #tpu.memory_space<vmem>>) offsets(%dma_start3A_147 : memref<128xi32, #tpu.memory_space<vmem>>) semaphore(%arg13 : memref<!tpu.dma_semaphore, #tpu.memory_space<semaphore_mem>>)
    %dma_start3A_151 = arith.constant 1 : i32
    %dma_start3A_152 = arith.constant 0 : i32
    %dma_start3A_153 = tpu.memref_slice %arg7[%dma_start3A_151, %dma_start3A_152] : memref<8x128xi32, #tpu.memory_space<vmem>> -> memref<1x128xi32, #tpu.memory_space<vmem>>
    %dma_start3A_154 = tpu.memref_squeeze %dma_start3A_153 : memref<1x128xi32, #tpu.memory_space<vmem>> -> memref<128xi32, #tpu.memory_space<vmem>>
    %dma_start3A_155 = arith.constant 0 : i32
    %dma_start3A_156 = arith.constant 0 : i32
    %dma_start3A_157 = tpu.memref_slice %arg2[%dma_start3A_155, %dma_start3A_156] : memref<40000x128xf32, #tpu.memory_space<hbm>> -> memref<40000x128xf32, #tpu.memory_space<hbm>>
    tpu.enqueue_indirect_dma source(%dma_start3A_157 : memref<40000x128xf32, #tpu.memory_space<hbm>>) target(%arg12 : memref<128x128xf32, #tpu.memory_space<vmem>>) offsets(%dma_start3A_154 : memref<128xi32, #tpu.memory_space<vmem>>) semaphore(%arg14 : memref<!tpu.dma_semaphore, #tpu.memory_space<semaphore_mem>>)
    %lt3A_158 = arith.constant 15 : i32
    %lt3A_159 = arith.cmpi slt, %arg1, %lt3A_158 : i32
    %convert_element_type3A_160 = arith.extui %lt3A_159 : i1 to i32
    %cond3A_161 = arith.constant 0 : i32
    %cond3A_162 = arith.cmpi ne, %convert_element_type3A_160, %cond3A_161 : i32
    scf.if %cond3A_162 {
      %mul3A_186 = arith.constant 632 : i32
      %mul3A_187 = arith.muli %arg1, %mul3A_186 : i32
      "tpu.region"() ({
        %run_scoped3A = tpu.sem_alloc : memref<!tpu.dma_semaphore, #tpu.memory_space<semaphore_mem>>
        %dma_start3A_188 = arith.constant 0 : i32
        %dma_start3A_189 = tpu.memref_slice %arg17[%mul3A_187, %dma_start3A_188] : memref<10008x128xf32, #tpu.memory_space<vmem_shared>> -> memref<632x128xf32, #tpu.memory_space<vmem_shared>>
        tpu.enqueue_dma source(%arg5 : memref<632x128xf32, #tpu.memory_space<hbm>>) target(%dma_start3A_189 : memref<632x128xf32, #tpu.memory_space<vmem_shared>>) target_semaphore(%run_scoped3A : memref<!tpu.dma_semaphore, #tpu.memory_space<semaphore_mem>>)
        %dma_wait3A_190 = arith.constant 0 : i32
        %dma_wait3A_191 = tpu.memref_slice %arg17[%mul3A_187, %dma_wait3A_190] : memref<10008x128xf32, #tpu.memory_space<vmem_shared>> -> memref<632x128xf32, #tpu.memory_space<vmem_shared>>
        tpu.wait_dma2 semaphore(%run_scoped3A : memref<!tpu.dma_semaphore, #tpu.memory_space<semaphore_mem>>) src(%arg5 : memref<632x128xf32, #tpu.memory_space<hbm>>) dst(%dma_wait3A_191 : memref<632x128xf32, #tpu.memory_space<vmem_shared>>)
        tpu.yield
      }) : () -> ()
    } else {
    }
    %eq3A_163 = arith.constant 15 : i32
    %eq3A_164 = arith.cmpi eq, %arg1, %eq3A_163 : i32
    %convert_element_type3A_165 = arith.extui %eq3A_164 : i1 to i32
    %cond3A_166 = arith.constant 0 : i32
    %cond3A_167 = arith.cmpi ne, %convert_element_type3A_165, %cond3A_166 : i32
    scf.if %cond3A_167 {
      "tpu.region"() ({
        %run_scoped3A = tpu.sem_alloc : memref<!tpu.dma_semaphore, #tpu.memory_space<semaphore_mem>>
        %dma_start3A_186 = arith.constant 9480 : i32
        %dma_start3A_187 = arith.constant 0 : i32
        %dma_start3A_188 = tpu.memref_slice %arg17[%dma_start3A_186, %dma_start3A_187] : memref<10008x128xf32, #tpu.memory_space<vmem_shared>> -> memref<528x128xf32, #tpu.memory_space<vmem_shared>>
        %dma_start3A_189 = arith.constant 0 : i32
        %dma_start3A_190 = arith.constant 0 : i32
        %dma_start3A_191 = tpu.memref_slice %arg5[%dma_start3A_189, %dma_start3A_190] : memref<632x128xf32, #tpu.memory_space<hbm>> -> memref<528x128xf32, #tpu.memory_space<hbm>>
        tpu.enqueue_dma source(%dma_start3A_191 : memref<528x128xf32, #tpu.memory_space<hbm>>) target(%dma_start3A_188 : memref<528x128xf32, #tpu.memory_space<vmem_shared>>) target_semaphore(%run_scoped3A : memref<!tpu.dma_semaphore, #tpu.memory_space<semaphore_mem>>)
        %dma_wait3A_192 = arith.constant 9480 : i32
        %dma_wait3A_193 = arith.constant 0 : i32
        %dma_wait3A_194 = tpu.memref_slice %arg17[%dma_wait3A_192, %dma_wait3A_193] : memref<10008x128xf32, #tpu.memory_space<vmem_shared>> -> memref<528x128xf32, #tpu.memory_space<vmem_shared>>
        %dma_wait3A_195 = arith.constant 0 : i32
        %dma_wait3A_196 = arith.constant 0 : i32
        %dma_wait3A_197 = tpu.memref_slice %arg5[%dma_wait3A_195, %dma_wait3A_196] : memref<632x128xf32, #tpu.memory_space<hbm>> -> memref<528x128xf32, #tpu.memory_space<hbm>>
        tpu.wait_dma2 semaphore(%run_scoped3A : memref<!tpu.dma_semaphore, #tpu.memory_space<semaphore_mem>>) src(%dma_wait3A_197 : memref<528x128xf32, #tpu.memory_space<hbm>>) dst(%dma_wait3A_194 : memref<528x128xf32, #tpu.memory_space<vmem_shared>>)
        tpu.yield
      }) : () -> ()
    } else {
    }
    %barrier3A_168 = arith.constant 0 : index
    tpu.barrier barrier_id(%barrier3A_168)
    %scan3A_169 = arith.constant 0 : i32
    %scan3A_170 = arith.constant 10 : i32
    %scan3A_171 = arith.addi %scan3A_169, %scan3A_170 : i32
    %scan3A_172 = arith.constant 1 : i32
    scf.for %scan3A_186 = %scan3A_169 to %scan3A_171 step %scan3A_172  : i32 {
      %mul3A_187 = arith.constant 2 : i32
      %mul3A_188 = arith.muli %scan3A_186, %mul3A_187 : i32
      %add3A_189 = arith.constant 0 : i32
      %add3A_190 = arith.addi %add3A_189, %mul3A_188 : i32
      %add3A_191 = arith.constant 1 : i32
      %add3A_192 = arith.addi %add3A_190, %add3A_191 : i32
      %mul3A_193 = arith.constant 16 : i32
      %mul3A_194 = arith.muli %add3A_89, %mul3A_193 : i32
      %add3A_195 = arith.addi %mul3A_194, %arg1 : i32
      %mul3A_196 = arith.constant 20 : i32
      %mul3A_197 = arith.muli %add3A_195, %mul3A_196 : i32
      %add3A_198 = arith.addi %mul3A_197, %add3A_192 : i32
      %mul3A_199 = arith.constant 20 : i32
      %mul3A_200 = arith.muli %arg1, %mul3A_199 : i32
      %add3A_201 = arith.addi %mul3A_200, %add3A_192 : i32
      %dma_start3A_202 = arith.constant 0 : i32
      %dma_start3A_203 = arith.constant 0 : i32
      %dma_start3A_204 = tpu.memref_slice %arg3[%add3A_198, %dma_start3A_202, %dma_start3A_203] : memref<1280x8x128xi32, #tpu.memory_space<hbm>> -> memref<1x8x128xi32, #tpu.memory_space<hbm>>
      %dma_start3A_205 = tpu.memref_squeeze %dma_start3A_204 : memref<1x8x128xi32, #tpu.memory_space<hbm>> -> memref<8x128xi32, #tpu.memory_space<hbm>>
      %dma_start3A_206 = arith.constant 0 : i32
      %dma_start3A_207 = arith.constant 0 : i32
      %dma_start3A_208 = tpu.memref_slice %arg3[%add3A_198, %dma_start3A_206, %dma_start3A_207] : memref<1280x8x128xi32, #tpu.memory_space<hbm>> -> memref<1x8x128xi32, #tpu.memory_space<hbm>>
      %dma_start3A_209 = tpu.memref_squeeze %dma_start3A_208 : memref<1x8x128xi32, #tpu.memory_space<hbm>> -> memref<8x128xi32, #tpu.memory_space<hbm>>
      tpu.enqueue_dma source(%dma_start3A_209 : memref<8x128xi32, #tpu.memory_space<hbm>>) target(%arg9 : memref<8x128xi32, #tpu.memory_space<vmem>>) target_semaphore(%arg16 : memref<!tpu.dma_semaphore, #tpu.memory_space<semaphore_mem>>)
      %dma_start3A_210 = arith.constant 0 : i32
      %dma_start3A_211 = arith.constant 0 : i32
      %dma_start3A_212 = tpu.memref_slice %arg4[%add3A_201, %dma_start3A_210, %dma_start3A_211] : memref<320x8x128xi32, #tpu.memory_space<hbm>> -> memref<1x8x128xi32, #tpu.memory_space<hbm>>
      %dma_start3A_213 = tpu.memref_squeeze %dma_start3A_212 : memref<1x8x128xi32, #tpu.memory_space<hbm>> -> memref<8x128xi32, #tpu.memory_space<hbm>>
      %dma_start3A_214 = arith.constant 0 : i32
      %dma_start3A_215 = arith.constant 0 : i32
      %dma_start3A_216 = tpu.memref_slice %arg4[%add3A_201, %dma_start3A_214, %dma_start3A_215] : memref<320x8x128xi32, #tpu.memory_space<hbm>> -> memref<1x8x128xi32, #tpu.memory_space<hbm>>
      %dma_start3A_217 = tpu.memref_squeeze %dma_start3A_216 : memref<1x8x128xi32, #tpu.memory_space<hbm>> -> memref<8x128xi32, #tpu.memory_space<hbm>>
      tpu.enqueue_dma source(%dma_start3A_217 : memref<8x128xi32, #tpu.memory_space<hbm>>) target(%arg10 : memref<8x128xi32, #tpu.memory_space<vmem>>) target_semaphore(%arg16 : memref<!tpu.dma_semaphore, #tpu.memory_space<semaphore_mem>>)
      %dma_wait3A_218 = arith.constant 0 : i32
      %dma_wait3A_219 = arith.constant 0 : i32
      %dma_wait3A_220 = tpu.memref_slice %arg7[%dma_wait3A_218, %dma_wait3A_219] : memref<8x128xi32, #tpu.memory_space<vmem>> -> memref<1x128xi32, #tpu.memory_space<vmem>>
      %dma_wait3A_221 = tpu.memref_squeeze %dma_wait3A_220 : memref<1x128xi32, #tpu.memory_space<vmem>> -> memref<128xi32, #tpu.memory_space<vmem>>
      %dma_wait3A_222 = arith.constant 0 : i32
      %dma_wait3A_223 = arith.constant 0 : i32
      %dma_wait3A_224 = tpu.memref_slice %arg2[%dma_wait3A_222, %dma_wait3A_223] : memref<40000x128xf32, #tpu.memory_space<hbm>> -> memref<40000x128xf32, #tpu.memory_space<hbm>>
      tpu.wait_indirect_dma semaphore(%arg13 : memref<!tpu.dma_semaphore, #tpu.memory_space<semaphore_mem>>) src(%dma_wait3A_224 : memref<40000x128xf32, #tpu.memory_space<hbm>>) dst(%arg11 : memref<128x128xf32, #tpu.memory_space<vmem>>)
      %run_scoped3A = arith.constant 0 : i32
      "tpu.region"() ({
        %run_scoped3A_491 = tpu.sem_alloc : memref<!tpu.dma_semaphore, #tpu.memory_space<semaphore_mem>>
        %dma_start3A_492 = arith.constant 0 : i32
        %dma_start3A_493 = tpu.memref_slice %arg8[%run_scoped3A, %dma_start3A_492] : memref<8x128xi32, #tpu.memory_space<vmem>> -> memref<1x128xi32, #tpu.memory_space<vmem>>
        %dma_start3A_494 = tpu.memref_squeeze %dma_start3A_493 : memref<1x128xi32, #tpu.memory_space<vmem>> -> memref<128xi32, #tpu.memory_space<vmem>>
        %dma_start3A_495 = arith.constant 0 : i32
        %dma_start3A_496 = arith.constant 0 : i32
        %dma_start3A_497 = tpu.memref_slice %arg17[%dma_start3A_495, %dma_start3A_496] : memref<10008x128xf32, #tpu.memory_space<vmem_shared>> -> memref<10008x128xf32, #tpu.memory_space<vmem_shared>>
        tpu.enqueue_indirect_dma source(%arg11 : memref<128x128xf32, #tpu.memory_space<vmem>>) target(%dma_start3A_497 : memref<10008x128xf32, #tpu.memory_space<vmem_shared>>) offsets(%dma_start3A_494 : memref<128xi32, #tpu.memory_space<vmem>>) semaphore(%run_scoped3A_491 : memref<!tpu.dma_semaphore, #tpu.memory_space<semaphore_mem>>) {add = true}
        %dma_wait3A_498 = arith.constant 0 : i32
        %dma_wait3A_499 = tpu.memref_slice %arg8[%run_scoped3A, %dma_wait3A_498] : memref<8x128xi32, #tpu.memory_space<vmem>> -> memref<1x128xi32, #tpu.memory_space<vmem>>
        %dma_wait3A_500 = tpu.memref_squeeze %dma_wait3A_499 : memref<1x128xi32, #tpu.memory_space<vmem>> -> memref<128xi32, #tpu.memory_space<vmem>>
        %dma_wait3A_501 = arith.constant 0 : i32
        %dma_wait3A_502 = arith.constant 0 : i32
        %dma_wait3A_503 = tpu.memref_slice %arg17[%dma_wait3A_501, %dma_wait3A_502] : memref<10008x128xf32, #tpu.memory_space<vmem_shared>> -> memref<10008x128xf32, #tpu.memory_space<vmem_shared>>
        tpu.wait_indirect_dma semaphore(%run_scoped3A_491 : memref<!tpu.dma_semaphore, #tpu.memory_space<semaphore_mem>>) src(%arg11 : memref<128x128xf32, #tpu.memory_space<vmem>>) dst(%dma_wait3A_503 : memref<10008x128xf32, #tpu.memory_space<vmem_shared>>)
        tpu.yield
      }) : () -> ()
      %dma_start3A_225 = arith.constant 2 : i32
      %dma_start3A_226 = arith.constant 0 : i32
      %dma_start3A_227 = tpu.memref_slice %arg7[%dma_start3A_225, %dma_start3A_226] : memref<8x128xi32, #tpu.memory_space<vmem>> -> memref<1x128xi32, #tpu.memory_space<vmem>>
      %dma_start3A_228 = tpu.memref_squeeze %dma_start3A_227 : memref<1x128xi32, #tpu.memory_space<vmem>> -> memref<128xi32, #tpu.memory_space<vmem>>
      %dma_start3A_229 = arith.constant 0 : i32
      %dma_start3A_230 = arith.constant 0 : i32
      %dma_start3A_231 = tpu.memref_slice %arg2[%dma_start3A_229, %dma_start3A_230] : memref<40000x128xf32, #tpu.memory_space<hbm>> -> memref<40000x128xf32, #tpu.memory_space<hbm>>
      tpu.enqueue_indirect_dma source(%dma_start3A_231 : memref<40000x128xf32, #tpu.memory_space<hbm>>) target(%arg11 : memref<128x128xf32, #tpu.memory_space<vmem>>) offsets(%dma_start3A_228 : memref<128xi32, #tpu.memory_space<vmem>>) semaphore(%arg13 : memref<!tpu.dma_semaphore, #tpu.memory_space<semaphore_mem>>)
      %dma_wait3A_232 = arith.constant 1 : i32
      %dma_wait3A_233 = arith.constant 0 : i32
      %dma_wait3A_234 = tpu.memref_slice %arg7[%dma_wait3A_232, %dma_wait3A_233] : memref<8x128xi32, #tpu.memory_space<vmem>> -> memref<1x128xi32, #tpu.memory_space<vmem>>
      %dma_wait3A_235 = tpu.memref_squeeze %dma_wait3A_234 : memref<1x128xi32, #tpu.memory_space<vmem>> -> memref<128xi32, #tpu.memory_space<vmem>>
      %dma_wait3A_236 = arith.constant 0 : i32
      %dma_wait3A_237 = arith.constant 0 : i32
      %dma_wait3A_238 = tpu.memref_slice %arg2[%dma_wait3A_236, %dma_wait3A_237] : memref<40000x128xf32, #tpu.memory_space<hbm>> -> memref<40000x128xf32, #tpu.memory_space<hbm>>
      tpu.wait_indirect_dma semaphore(%arg14 : memref<!tpu.dma_semaphore, #tpu.memory_space<semaphore_mem>>) src(%dma_wait3A_238 : memref<40000x128xf32, #tpu.memory_space<hbm>>) dst(%arg12 : memref<128x128xf32, #tpu.memory_space<vmem>>)
      %run_scoped3A_239 = arith.constant 1 : i32
      "tpu.region"() ({
        %run_scoped3A_491 = tpu.sem_alloc : memref<!tpu.dma_semaphore, #tpu.memory_space<semaphore_mem>>
        %dma_start3A_492 = arith.constant 0 : i32
        %dma_start3A_493 = tpu.memref_slice %arg8[%run_scoped3A_239, %dma_start3A_492] : memref<8x128xi32, #tpu.memory_space<vmem>> -> memref<1x128xi32, #tpu.memory_space<vmem>>
        %dma_start3A_494 = tpu.memref_squeeze %dma_start3A_493 : memref<1x128xi32, #tpu.memory_space<vmem>> -> memref<128xi32, #tpu.memory_space<vmem>>
        %dma_start3A_495 = arith.constant 0 : i32
        %dma_start3A_496 = arith.constant 0 : i32
        %dma_start3A_497 = tpu.memref_slice %arg17[%dma_start3A_495, %dma_start3A_496] : memref<10008x128xf32, #tpu.memory_space<vmem_shared>> -> memref<10008x128xf32, #tpu.memory_space<vmem_shared>>
        tpu.enqueue_indirect_dma source(%arg12 : memref<128x128xf32, #tpu.memory_space<vmem>>) target(%dma_start3A_497 : memref<10008x128xf32, #tpu.memory_space<vmem_shared>>) offsets(%dma_start3A_494 : memref<128xi32, #tpu.memory_space<vmem>>) semaphore(%run_scoped3A_491 : memref<!tpu.dma_semaphore, #tpu.memory_space<semaphore_mem>>) {add = true}
        %dma_wait3A_498 = arith.constant 0 : i32
        %dma_wait3A_499 = tpu.memref_slice %arg8[%run_scoped3A_239, %dma_wait3A_498] : memref<8x128xi32, #tpu.memory_space<vmem>> -> memref<1x128xi32, #tpu.memory_space<vmem>>
        %dma_wait3A_500 = tpu.memref_squeeze %dma_wait3A_499 : memref<1x128xi32, #tpu.memory_space<vmem>> -> memref<128xi32, #tpu.memory_space<vmem>>
        %dma_wait3A_501 = arith.constant 0 : i32
        %dma_wait3A_502 = arith.constant 0 : i32
        %dma_wait3A_503 = tpu.memref_slice %arg17[%dma_wait3A_501, %dma_wait3A_502] : memref<10008x128xf32, #tpu.memory_space<vmem_shared>> -> memref<10008x128xf32, #tpu.memory_space<vmem_shared>>
        tpu.wait_indirect_dma semaphore(%run_scoped3A_491 : memref<!tpu.dma_semaphore, #tpu.memory_space<semaphore_mem>>) src(%arg12 : memref<128x128xf32, #tpu.memory_space<vmem>>) dst(%dma_wait3A_503 : memref<10008x128xf32, #tpu.memory_space<vmem_shared>>)
        tpu.yield
      }) : () -> ()
      %dma_start3A_240 = arith.constant 3 : i32
      %dma_start3A_241 = arith.constant 0 : i32
      %dma_start3A_242 = tpu.memref_slice %arg7[%dma_start3A_240, %dma_start3A_241] : memref<8x128xi32, #tpu.memory_space<vmem>> -> memref<1x128xi32, #tpu.memory_space<vmem>>
      %dma_start3A_243 = tpu.memref_squeeze %dma_start3A_242 : memref<1x128xi32, #tpu.memory_space<vmem>> -> memref<128xi32, #tpu.memory_space<vmem>>
      %dma_start3A_244 = arith.constant 0 : i32
      %dma_start3A_245 = arith.constant 0 : i32
      %dma_start3A_246 = tpu.memref_slice %arg2[%dma_start3A_244, %dma_start3A_245] : memref<40000x128xf32, #tpu.memory_space<hbm>> -> memref<40000x128xf32, #tpu.memory_space<hbm>>
      tpu.enqueue_indirect_dma source(%dma_start3A_246 : memref<40000x128xf32, #tpu.memory_space<hbm>>) target(%arg12 : memref<128x128xf32, #tpu.memory_space<vmem>>) offsets(%dma_start3A_243 : memref<128xi32, #tpu.memory_space<vmem>>) semaphore(%arg14 : memref<!tpu.dma_semaphore, #tpu.memory_space<semaphore_mem>>)
      %dma_wait3A_247 = arith.constant 2 : i32
      %dma_wait3A_248 = arith.constant 0 : i32
      %dma_wait3A_249 = tpu.memref_slice %arg7[%dma_wait3A_247, %dma_wait3A_248] : memref<8x128xi32, #tpu.memory_space<vmem>> -> memref<1x128xi32, #tpu.memory_space<vmem>>
      %dma_wait3A_250 = tpu.memref_squeeze %dma_wait3A_249 : memref<1x128xi32, #tpu.memory_space<vmem>> -> memref<128xi32, #tpu.memory_space<vmem>>
      %dma_wait3A_251 = arith.constant 0 : i32
      %dma_wait3A_252 = arith.constant 0 : i32
      %dma_wait3A_253 = tpu.memref_slice %arg2[%dma_wait3A_251, %dma_wait3A_252] : memref<40000x128xf32, #tpu.memory_space<hbm>> -> memref<40000x128xf32, #tpu.memory_space<hbm>>
      tpu.wait_indirect_dma semaphore(%arg13 : memref<!tpu.dma_semaphore, #tpu.memory_space<semaphore_mem>>) src(%dma_wait3A_253 : memref<40000x128xf32, #tpu.memory_space<hbm>>) dst(%arg11 : memref<128x128xf32, #tpu.memory_space<vmem>>)
      %run_scoped3A_254 = arith.constant 2 : i32
      "tpu.region"() ({
        %run_scoped3A_491 = tpu.sem_alloc : memref<!tpu.dma_semaphore, #tpu.memory_space<semaphore_mem>>
        %dma_start3A_492 = arith.constant 0 : i32
        %dma_start3A_493 = tpu.memref_slice %arg8[%run_scoped3A_254, %dma_start3A_492] : memref<8x128xi32, #tpu.memory_space<vmem>> -> memref<1x128xi32, #tpu.memory_space<vmem>>
        %dma_start3A_494 = tpu.memref_squeeze %dma_start3A_493 : memref<1x128xi32, #tpu.memory_space<vmem>> -> memref<128xi32, #tpu.memory_space<vmem>>
        %dma_start3A_495 = arith.constant 0 : i32
        %dma_start3A_496 = arith.constant 0 : i32
        %dma_start3A_497 = tpu.memref_slice %arg17[%dma_start3A_495, %dma_start3A_496] : memref<10008x128xf32, #tpu.memory_space<vmem_shared>> -> memref<10008x128xf32, #tpu.memory_space<vmem_shared>>
        tpu.enqueue_indirect_dma source(%arg11 : memref<128x128xf32, #tpu.memory_space<vmem>>) target(%dma_start3A_497 : memref<10008x128xf32, #tpu.memory_space<vmem_shared>>) offsets(%dma_start3A_494 : memref<128xi32, #tpu.memory_space<vmem>>) semaphore(%run_scoped3A_491 : memref<!tpu.dma_semaphore, #tpu.memory_space<semaphore_mem>>) {add = true}
        %dma_wait3A_498 = arith.constant 0 : i32
        %dma_wait3A_499 = tpu.memref_slice %arg8[%run_scoped3A_254, %dma_wait3A_498] : memref<8x128xi32, #tpu.memory_space<vmem>> -> memref<1x128xi32, #tpu.memory_space<vmem>>
        %dma_wait3A_500 = tpu.memref_squeeze %dma_wait3A_499 : memref<1x128xi32, #tpu.memory_space<vmem>> -> memref<128xi32, #tpu.memory_space<vmem>>
        %dma_wait3A_501 = arith.constant 0 : i32
        %dma_wait3A_502 = arith.constant 0 : i32
        %dma_wait3A_503 = tpu.memref_slice %arg17[%dma_wait3A_501, %dma_wait3A_502] : memref<10008x128xf32, #tpu.memory_space<vmem_shared>> -> memref<10008x128xf32, #tpu.memory_space<vmem_shared>>
        tpu.wait_indirect_dma semaphore(%run_scoped3A_491 : memref<!tpu.dma_semaphore, #tpu.memory_space<semaphore_mem>>) src(%arg11 : memref<128x128xf32, #tpu.memory_space<vmem>>) dst(%dma_wait3A_503 : memref<10008x128xf32, #tpu.memory_space<vmem_shared>>)
        tpu.yield
      }) : () -> ()
      %dma_start3A_255 = arith.constant 4 : i32
      %dma_start3A_256 = arith.constant 0 : i32
      %dma_start3A_257 = tpu.memref_slice %arg7[%dma_start3A_255, %dma_start3A_256] : memref<8x128xi32, #tpu.memory_space<vmem>> -> memref<1x128xi32, #tpu.memory_space<vmem>>
      %dma_start3A_258 = tpu.memref_squeeze %dma_start3A_257 : memref<1x128xi32, #tpu.memory_space<vmem>> -> memref<128xi32, #tpu.memory_space<vmem>>
      %dma_start3A_259 = arith.constant 0 : i32
      %dma_start3A_260 = arith.constant 0 : i32
      %dma_start3A_261 = tpu.memref_slice %arg2[%dma_start3A_259, %dma_start3A_260] : memref<40000x128xf32, #tpu.memory_space<hbm>> -> memref<40000x128xf32, #tpu.memory_space<hbm>>
      tpu.enqueue_indirect_dma source(%dma_start3A_261 : memref<40000x128xf32, #tpu.memory_space<hbm>>) target(%arg11 : memref<128x128xf32, #tpu.memory_space<vmem>>) offsets(%dma_start3A_258 : memref<128xi32, #tpu.memory_space<vmem>>) semaphore(%arg13 : memref<!tpu.dma_semaphore, #tpu.memory_space<semaphore_mem>>)
      %dma_wait3A_262 = arith.constant 3 : i32
      %dma_wait3A_263 = arith.constant 0 : i32
      %dma_wait3A_264 = tpu.memref_slice %arg7[%dma_wait3A_262, %dma_wait3A_263] : memref<8x128xi32, #tpu.memory_space<vmem>> -> memref<1x128xi32, #tpu.memory_space<vmem>>
      %dma_wait3A_265 = tpu.memref_squeeze %dma_wait3A_264 : memref<1x128xi32, #tpu.memory_space<vmem>> -> memref<128xi32, #tpu.memory_space<vmem>>
      %dma_wait3A_266 = arith.constant 0 : i32
      %dma_wait3A_267 = arith.constant 0 : i32
      %dma_wait3A_268 = tpu.memref_slice %arg2[%dma_wait3A_266, %dma_wait3A_267] : memref<40000x128xf32, #tpu.memory_space<hbm>> -> memref<40000x128xf32, #tpu.memory_space<hbm>>
      tpu.wait_indirect_dma semaphore(%arg14 : memref<!tpu.dma_semaphore, #tpu.memory_space<semaphore_mem>>) src(%dma_wait3A_268 : memref<40000x128xf32, #tpu.memory_space<hbm>>) dst(%arg12 : memref<128x128xf32, #tpu.memory_space<vmem>>)
      %run_scoped3A_269 = arith.constant 3 : i32
      "tpu.region"() ({
        %run_scoped3A_491 = tpu.sem_alloc : memref<!tpu.dma_semaphore, #tpu.memory_space<semaphore_mem>>
        %dma_start3A_492 = arith.constant 0 : i32
        %dma_start3A_493 = tpu.memref_slice %arg8[%run_scoped3A_269, %dma_start3A_492] : memref<8x128xi32, #tpu.memory_space<vmem>> -> memref<1x128xi32, #tpu.memory_space<vmem>>
        %dma_start3A_494 = tpu.memref_squeeze %dma_start3A_493 : memref<1x128xi32, #tpu.memory_space<vmem>> -> memref<128xi32, #tpu.memory_space<vmem>>
        %dma_start3A_495 = arith.constant 0 : i32
        %dma_start3A_496 = arith.constant 0 : i32
        %dma_start3A_497 = tpu.memref_slice %arg17[%dma_start3A_495, %dma_start3A_496] : memref<10008x128xf32, #tpu.memory_space<vmem_shared>> -> memref<10008x128xf32, #tpu.memory_space<vmem_shared>>
        tpu.enqueue_indirect_dma source(%arg12 : memref<128x128xf32, #tpu.memory_space<vmem>>) target(%dma_start3A_497 : memref<10008x128xf32, #tpu.memory_space<vmem_shared>>) offsets(%dma_start3A_494 : memref<128xi32, #tpu.memory_space<vmem>>) semaphore(%run_scoped3A_491 : memref<!tpu.dma_semaphore, #tpu.memory_space<semaphore_mem>>) {add = true}
        %dma_wait3A_498 = arith.constant 0 : i32
        %dma_wait3A_499 = tpu.memref_slice %arg8[%run_scoped3A_269, %dma_wait3A_498] : memref<8x128xi32, #tpu.memory_space<vmem>> -> memref<1x128xi32, #tpu.memory_space<vmem>>
        %dma_wait3A_500 = tpu.memref_squeeze %dma_wait3A_499 : memref<1x128xi32, #tpu.memory_space<vmem>> -> memref<128xi32, #tpu.memory_space<vmem>>
        %dma_wait3A_501 = arith.constant 0 : i32
        %dma_wait3A_502 = arith.constant 0 : i32
        %dma_wait3A_503 = tpu.memref_slice %arg17[%dma_wait3A_501, %dma_wait3A_502] : memref<10008x128xf32, #tpu.memory_space<vmem_shared>> -> memref<10008x128xf32, #tpu.memory_space<vmem_shared>>
        tpu.wait_indirect_dma semaphore(%run_scoped3A_491 : memref<!tpu.dma_semaphore, #tpu.memory_space<semaphore_mem>>) src(%arg12 : memref<128x128xf32, #tpu.memory_space<vmem>>) dst(%dma_wait3A_503 : memref<10008x128xf32, #tpu.memory_space<vmem_shared>>)
        tpu.yield
      }) : () -> ()
      %dma_start3A_270 = arith.constant 5 : i32
      %dma_start3A_271 = arith.constant 0 : i32
      %dma_start3A_272 = tpu.memref_slice %arg7[%dma_start3A_270, %dma_start3A_271] : memref<8x128xi32, #tpu.memory_space<vmem>> -> memref<1x128xi32, #tpu.memory_space<vmem>>
      %dma_start3A_273 = tpu.memref_squeeze %dma_start3A_272 : memref<1x128xi32, #tpu.memory_space<vmem>> -> memref<128xi32, #tpu.memory_space<vmem>>
      %dma_start3A_274 = arith.constant 0 : i32
      %dma_start3A_275 = arith.constant 0 : i32
      %dma_start3A_276 = tpu.memref_slice %arg2[%dma_start3A_274, %dma_start3A_275] : memref<40000x128xf32, #tpu.memory_space<hbm>> -> memref<40000x128xf32, #tpu.memory_space<hbm>>
      tpu.enqueue_indirect_dma source(%dma_start3A_276 : memref<40000x128xf32, #tpu.memory_space<hbm>>) target(%arg12 : memref<128x128xf32, #tpu.memory_space<vmem>>) offsets(%dma_start3A_273 : memref<128xi32, #tpu.memory_space<vmem>>) semaphore(%arg14 : memref<!tpu.dma_semaphore, #tpu.memory_space<semaphore_mem>>)
      %dma_wait3A_277 = arith.constant 4 : i32
      %dma_wait3A_278 = arith.constant 0 : i32
      %dma_wait3A_279 = tpu.memref_slice %arg7[%dma_wait3A_277, %dma_wait3A_278] : memref<8x128xi32, #tpu.memory_space<vmem>> -> memref<1x128xi32, #tpu.memory_space<vmem>>
      %dma_wait3A_280 = tpu.memref_squeeze %dma_wait3A_279 : memref<1x128xi32, #tpu.memory_space<vmem>> -> memref<128xi32, #tpu.memory_space<vmem>>
      %dma_wait3A_281 = arith.constant 0 : i32
      %dma_wait3A_282 = arith.constant 0 : i32
      %dma_wait3A_283 = tpu.memref_slice %arg2[%dma_wait3A_281, %dma_wait3A_282] : memref<40000x128xf32, #tpu.memory_space<hbm>> -> memref<40000x128xf32, #tpu.memory_space<hbm>>
      tpu.wait_indirect_dma semaphore(%arg13 : memref<!tpu.dma_semaphore, #tpu.memory_space<semaphore_mem>>) src(%dma_wait3A_283 : memref<40000x128xf32, #tpu.memory_space<hbm>>) dst(%arg11 : memref<128x128xf32, #tpu.memory_space<vmem>>)
      %run_scoped3A_284 = arith.constant 4 : i32
      "tpu.region"() ({
        %run_scoped3A_491 = tpu.sem_alloc : memref<!tpu.dma_semaphore, #tpu.memory_space<semaphore_mem>>
        %dma_start3A_492 = arith.constant 0 : i32
        %dma_start3A_493 = tpu.memref_slice %arg8[%run_scoped3A_284, %dma_start3A_492] : memref<8x128xi32, #tpu.memory_space<vmem>> -> memref<1x128xi32, #tpu.memory_space<vmem>>
        %dma_start3A_494 = tpu.memref_squeeze %dma_start3A_493 : memref<1x128xi32, #tpu.memory_space<vmem>> -> memref<128xi32, #tpu.memory_space<vmem>>
        %dma_start3A_495 = arith.constant 0 : i32
        %dma_start3A_496 = arith.constant 0 : i32
        %dma_start3A_497 = tpu.memref_slice %arg17[%dma_start3A_495, %dma_start3A_496] : memref<10008x128xf32, #tpu.memory_space<vmem_shared>> -> memref<10008x128xf32, #tpu.memory_space<vmem_shared>>
        tpu.enqueue_indirect_dma source(%arg11 : memref<128x128xf32, #tpu.memory_space<vmem>>) target(%dma_start3A_497 : memref<10008x128xf32, #tpu.memory_space<vmem_shared>>) offsets(%dma_start3A_494 : memref<128xi32, #tpu.memory_space<vmem>>) semaphore(%run_scoped3A_491 : memref<!tpu.dma_semaphore, #tpu.memory_space<semaphore_mem>>) {add = true}
        %dma_wait3A_498 = arith.constant 0 : i32
        %dma_wait3A_499 = tpu.memref_slice %arg8[%run_scoped3A_284, %dma_wait3A_498] : memref<8x128xi32, #tpu.memory_space<vmem>> -> memref<1x128xi32, #tpu.memory_space<vmem>>
        %dma_wait3A_500 = tpu.memref_squeeze %dma_wait3A_499 : memref<1x128xi32, #tpu.memory_space<vmem>> -> memref<128xi32, #tpu.memory_space<vmem>>
        %dma_wait3A_501 = arith.constant 0 : i32
        %dma_wait3A_502 = arith.constant 0 : i32
        %dma_wait3A_503 = tpu.memref_slice %arg17[%dma_wait3A_501, %dma_wait3A_502] : memref<10008x128xf32, #tpu.memory_space<vmem_shared>> -> memref<10008x128xf32, #tpu.memory_space<vmem_shared>>
        tpu.wait_indirect_dma semaphore(%run_scoped3A_491 : memref<!tpu.dma_semaphore, #tpu.memory_space<semaphore_mem>>) src(%arg11 : memref<128x128xf32, #tpu.memory_space<vmem>>) dst(%dma_wait3A_503 : memref<10008x128xf32, #tpu.memory_space<vmem_shared>>)
        tpu.yield
      }) : () -> ()
      %dma_start3A_285 = arith.constant 6 : i32
      %dma_start3A_286 = arith.constant 0 : i32
      %dma_start3A_287 = tpu.memref_slice %arg7[%dma_start3A_285, %dma_start3A_286] : memref<8x128xi32, #tpu.memory_space<vmem>> -> memref<1x128xi32, #tpu.memory_space<vmem>>
      %dma_start3A_288 = tpu.memref_squeeze %dma_start3A_287 : memref<1x128xi32, #tpu.memory_space<vmem>> -> memref<128xi32, #tpu.memory_space<vmem>>
      %dma_start3A_289 = arith.constant 0 : i32
      %dma_start3A_290 = arith.constant 0 : i32
      %dma_start3A_291 = tpu.memref_slice %arg2[%dma_start3A_289, %dma_start3A_290] : memref<40000x128xf32, #tpu.memory_space<hbm>> -> memref<40000x128xf32, #tpu.memory_space<hbm>>
      tpu.enqueue_indirect_dma source(%dma_start3A_291 : memref<40000x128xf32, #tpu.memory_space<hbm>>) target(%arg11 : memref<128x128xf32, #tpu.memory_space<vmem>>) offsets(%dma_start3A_288 : memref<128xi32, #tpu.memory_space<vmem>>) semaphore(%arg13 : memref<!tpu.dma_semaphore, #tpu.memory_space<semaphore_mem>>)
      %dma_wait3A_292 = arith.constant 5 : i32
      %dma_wait3A_293 = arith.constant 0 : i32
      %dma_wait3A_294 = tpu.memref_slice %arg7[%dma_wait3A_292, %dma_wait3A_293] : memref<8x128xi32, #tpu.memory_space<vmem>> -> memref<1x128xi32, #tpu.memory_space<vmem>>
      %dma_wait3A_295 = tpu.memref_squeeze %dma_wait3A_294 : memref<1x128xi32, #tpu.memory_space<vmem>> -> memref<128xi32, #tpu.memory_space<vmem>>
      %dma_wait3A_296 = arith.constant 0 : i32
      %dma_wait3A_297 = arith.constant 0 : i32
      %dma_wait3A_298 = tpu.memref_slice %arg2[%dma_wait3A_296, %dma_wait3A_297] : memref<40000x128xf32, #tpu.memory_space<hbm>> -> memref<40000x128xf32, #tpu.memory_space<hbm>>
      tpu.wait_indirect_dma semaphore(%arg14 : memref<!tpu.dma_semaphore, #tpu.memory_space<semaphore_mem>>) src(%dma_wait3A_298 : memref<40000x128xf32, #tpu.memory_space<hbm>>) dst(%arg12 : memref<128x128xf32, #tpu.memory_space<vmem>>)
      %run_scoped3A_299 = arith.constant 5 : i32
      "tpu.region"() ({
        %run_scoped3A_491 = tpu.sem_alloc : memref<!tpu.dma_semaphore, #tpu.memory_space<semaphore_mem>>
        %dma_start3A_492 = arith.constant 0 : i32
        %dma_start3A_493 = tpu.memref_slice %arg8[%run_scoped3A_299, %dma_start3A_492] : memref<8x128xi32, #tpu.memory_space<vmem>> -> memref<1x128xi32, #tpu.memory_space<vmem>>
        %dma_start3A_494 = tpu.memref_squeeze %dma_start3A_493 : memref<1x128xi32, #tpu.memory_space<vmem>> -> memref<128xi32, #tpu.memory_space<vmem>>
        %dma_start3A_495 = arith.constant 0 : i32
        %dma_start3A_496 = arith.constant 0 : i32
        %dma_start3A_497 = tpu.memref_slice %arg17[%dma_start3A_495, %dma_start3A_496] : memref<10008x128xf32, #tpu.memory_space<vmem_shared>> -> memref<10008x128xf32, #tpu.memory_space<vmem_shared>>
        tpu.enqueue_indirect_dma source(%arg12 : memref<128x128xf32, #tpu.memory_space<vmem>>) target(%dma_start3A_497 : memref<10008x128xf32, #tpu.memory_space<vmem_shared>>) offsets(%dma_start3A_494 : memref<128xi32, #tpu.memory_space<vmem>>) semaphore(%run_scoped3A_491 : memref<!tpu.dma_semaphore, #tpu.memory_space<semaphore_mem>>) {add = true}
        %dma_wait3A_498 = arith.constant 0 : i32
        %dma_wait3A_499 = tpu.memref_slice %arg8[%run_scoped3A_299, %dma_wait3A_498] : memref<8x128xi32, #tpu.memory_space<vmem>> -> memref<1x128xi32, #tpu.memory_space<vmem>>
        %dma_wait3A_500 = tpu.memref_squeeze %dma_wait3A_499 : memref<1x128xi32, #tpu.memory_space<vmem>> -> memref<128xi32, #tpu.memory_space<vmem>>
        %dma_wait3A_501 = arith.constant 0 : i32
        %dma_wait3A_502 = arith.constant 0 : i32
        %dma_wait3A_503 = tpu.memref_slice %arg17[%dma_wait3A_501, %dma_wait3A_502] : memref<10008x128xf32, #tpu.memory_space<vmem_shared>> -> memref<10008x128xf32, #tpu.memory_space<vmem_shared>>
        tpu.wait_indirect_dma semaphore(%run_scoped3A_491 : memref<!tpu.dma_semaphore, #tpu.memory_space<semaphore_mem>>) src(%arg12 : memref<128x128xf32, #tpu.memory_space<vmem>>) dst(%dma_wait3A_503 : memref<10008x128xf32, #tpu.memory_space<vmem_shared>>)
        tpu.yield
      }) : () -> ()
      %dma_start3A_300 = arith.constant 7 : i32
      %dma_start3A_301 = arith.constant 0 : i32
      %dma_start3A_302 = tpu.memref_slice %arg7[%dma_start3A_300, %dma_start3A_301] : memref<8x128xi32, #tpu.memory_space<vmem>> -> memref<1x128xi32, #tpu.memory_space<vmem>>
      %dma_start3A_303 = tpu.memref_squeeze %dma_start3A_302 : memref<1x128xi32, #tpu.memory_space<vmem>> -> memref<128xi32, #tpu.memory_space<vmem>>
      %dma_start3A_304 = arith.constant 0 : i32
      %dma_start3A_305 = arith.constant 0 : i32
      %dma_start3A_306 = tpu.memref_slice %arg2[%dma_start3A_304, %dma_start3A_305] : memref<40000x128xf32, #tpu.memory_space<hbm>> -> memref<40000x128xf32, #tpu.memory_space<hbm>>
      tpu.enqueue_indirect_dma source(%dma_start3A_306 : memref<40000x128xf32, #tpu.memory_space<hbm>>) target(%arg12 : memref<128x128xf32, #tpu.memory_space<vmem>>) offsets(%dma_start3A_303 : memref<128xi32, #tpu.memory_space<vmem>>) semaphore(%arg14 : memref<!tpu.dma_semaphore, #tpu.memory_space<semaphore_mem>>)
      %add3A_307 = arith.constant 1 : i32
      %add3A_308 = arith.addi %add3A_190, %add3A_307 : i32
      %mul3A_309 = arith.constant 16 : i32
      %mul3A_310 = arith.muli %add3A_89, %mul3A_309 : i32
      %add3A_311 = arith.addi %mul3A_310, %arg1 : i32
      %mul3A_312 = arith.constant 20 : i32
      %mul3A_313 = arith.muli %add3A_311, %mul3A_312 : i32
      %add3A_314 = arith.addi %mul3A_313, %add3A_308 : i32
      %mul3A_315 = arith.constant 20 : i32
      %mul3A_316 = arith.muli %arg1, %mul3A_315 : i32
      %add3A_317 = arith.addi %mul3A_316, %add3A_308 : i32
      %dma_wait3A_318 = arith.constant 0 : i32
      %dma_wait3A_319 = arith.constant 0 : i32
      %dma_wait3A_320 = tpu.memref_slice %arg3[%add3A_314, %dma_wait3A_318, %dma_wait3A_319] : memref<1280x8x128xi32, #tpu.memory_space<hbm>> -> memref<1x8x128xi32, #tpu.memory_space<hbm>>
      %dma_wait3A_321 = tpu.memref_squeeze %dma_wait3A_320 : memref<1x8x128xi32, #tpu.memory_space<hbm>> -> memref<8x128xi32, #tpu.memory_space<hbm>>
      %dma_wait3A_322 = arith.constant 0 : i32
      %dma_wait3A_323 = arith.constant 0 : i32
      %dma_wait3A_324 = tpu.memref_slice %arg3[%add3A_314, %dma_wait3A_322, %dma_wait3A_323] : memref<1280x8x128xi32, #tpu.memory_space<hbm>> -> memref<1x8x128xi32, #tpu.memory_space<hbm>>
      %dma_wait3A_325 = tpu.memref_squeeze %dma_wait3A_324 : memref<1x8x128xi32, #tpu.memory_space<hbm>> -> memref<8x128xi32, #tpu.memory_space<hbm>>
      tpu.wait_dma2 semaphore(%arg16 : memref<!tpu.dma_semaphore, #tpu.memory_space<semaphore_mem>>) src(%dma_wait3A_325 : memref<8x128xi32, #tpu.memory_space<hbm>>) dst(%arg9 : memref<8x128xi32, #tpu.memory_space<vmem>>)
      %dma_wait3A_326 = arith.constant 0 : i32
      %dma_wait3A_327 = arith.constant 0 : i32
      %dma_wait3A_328 = tpu.memref_slice %arg4[%add3A_317, %dma_wait3A_326, %dma_wait3A_327] : memref<320x8x128xi32, #tpu.memory_space<hbm>> -> memref<1x8x128xi32, #tpu.memory_space<hbm>>
      %dma_wait3A_329 = tpu.memref_squeeze %dma_wait3A_328 : memref<1x8x128xi32, #tpu.memory_space<hbm>> -> memref<8x128xi32, #tpu.memory_space<hbm>>
      %dma_wait3A_330 = arith.constant 0 : i32
      %dma_wait3A_331 = arith.constant 0 : i32
      %dma_wait3A_332 = tpu.memref_slice %arg4[%add3A_317, %dma_wait3A_330, %dma_wait3A_331] : memref<320x8x128xi32, #tpu.memory_space<hbm>> -> memref<1x8x128xi32, #tpu.memory_space<hbm>>
      %dma_wait3A_333 = tpu.memref_squeeze %dma_wait3A_332 : memref<1x8x128xi32, #tpu.memory_space<hbm>> -> memref<8x128xi32, #tpu.memory_space<hbm>>
      tpu.wait_dma2 semaphore(%arg16 : memref<!tpu.dma_semaphore, #tpu.memory_space<semaphore_mem>>) src(%dma_wait3A_333 : memref<8x128xi32, #tpu.memory_space<hbm>>) dst(%arg10 : memref<8x128xi32, #tpu.memory_space<vmem>>)
      %dma_wait3A_334 = arith.constant 6 : i32
      %dma_wait3A_335 = arith.constant 0 : i32
      %dma_wait3A_336 = tpu.memref_slice %arg7[%dma_wait3A_334, %dma_wait3A_335] : memref<8x128xi32, #tpu.memory_space<vmem>> -> memref<1x128xi32, #tpu.memory_space<vmem>>
      %dma_wait3A_337 = tpu.memref_squeeze %dma_wait3A_336 : memref<1x128xi32, #tpu.memory_space<vmem>> -> memref<128xi32, #tpu.memory_space<vmem>>
      %dma_wait3A_338 = arith.constant 0 : i32
      %dma_wait3A_339 = arith.constant 0 : i32
      %dma_wait3A_340 = tpu.memref_slice %arg2[%dma_wait3A_338, %dma_wait3A_339] : memref<40000x128xf32, #tpu.memory_space<hbm>> -> memref<40000x128xf32, #tpu.memory_space<hbm>>
      tpu.wait_indirect_dma semaphore(%arg13 : memref<!tpu.dma_semaphore, #tpu.memory_space<semaphore_mem>>) src(%dma_wait3A_340 : memref<40000x128xf32, #tpu.memory_space<hbm>>) dst(%arg11 : memref<128x128xf32, #tpu.memory_space<vmem>>)
      %run_scoped3A_341 = arith.constant 6 : i32
      "tpu.region"() ({
        %run_scoped3A_491 = tpu.sem_alloc : memref<!tpu.dma_semaphore, #tpu.memory_space<semaphore_mem>>
        %dma_start3A_492 = arith.constant 0 : i32
        %dma_start3A_493 = tpu.memref_slice %arg8[%run_scoped3A_341, %dma_start3A_492] : memref<8x128xi32, #tpu.memory_space<vmem>> -> memref<1x128xi32, #tpu.memory_space<vmem>>
        %dma_start3A_494 = tpu.memref_squeeze %dma_start3A_493 : memref<1x128xi32, #tpu.memory_space<vmem>> -> memref<128xi32, #tpu.memory_space<vmem>>
        %dma_start3A_495 = arith.constant 0 : i32
        %dma_start3A_496 = arith.constant 0 : i32
        %dma_start3A_497 = tpu.memref_slice %arg17[%dma_start3A_495, %dma_start3A_496] : memref<10008x128xf32, #tpu.memory_space<vmem_shared>> -> memref<10008x128xf32, #tpu.memory_space<vmem_shared>>
        tpu.enqueue_indirect_dma source(%arg11 : memref<128x128xf32, #tpu.memory_space<vmem>>) target(%dma_start3A_497 : memref<10008x128xf32, #tpu.memory_space<vmem_shared>>) offsets(%dma_start3A_494 : memref<128xi32, #tpu.memory_space<vmem>>) semaphore(%run_scoped3A_491 : memref<!tpu.dma_semaphore, #tpu.memory_space<semaphore_mem>>) {add = true}
        %dma_wait3A_498 = arith.constant 0 : i32
        %dma_wait3A_499 = tpu.memref_slice %arg8[%run_scoped3A_341, %dma_wait3A_498] : memref<8x128xi32, #tpu.memory_space<vmem>> -> memref<1x128xi32, #tpu.memory_space<vmem>>
        %dma_wait3A_500 = tpu.memref_squeeze %dma_wait3A_499 : memref<1x128xi32, #tpu.memory_space<vmem>> -> memref<128xi32, #tpu.memory_space<vmem>>
        %dma_wait3A_501 = arith.constant 0 : i32
        %dma_wait3A_502 = arith.constant 0 : i32
        %dma_wait3A_503 = tpu.memref_slice %arg17[%dma_wait3A_501, %dma_wait3A_502] : memref<10008x128xf32, #tpu.memory_space<vmem_shared>> -> memref<10008x128xf32, #tpu.memory_space<vmem_shared>>
        tpu.wait_indirect_dma semaphore(%run_scoped3A_491 : memref<!tpu.dma_semaphore, #tpu.memory_space<semaphore_mem>>) src(%arg11 : memref<128x128xf32, #tpu.memory_space<vmem>>) dst(%dma_wait3A_503 : memref<10008x128xf32, #tpu.memory_space<vmem_shared>>)
        tpu.yield
      }) : () -> ()
      %dma_start3A_342 = arith.constant 0 : i32
      %dma_start3A_343 = arith.constant 0 : i32
      %dma_start3A_344 = tpu.memref_slice %arg9[%dma_start3A_342, %dma_start3A_343] : memref<8x128xi32, #tpu.memory_space<vmem>> -> memref<1x128xi32, #tpu.memory_space<vmem>>
      %dma_start3A_345 = tpu.memref_squeeze %dma_start3A_344 : memref<1x128xi32, #tpu.memory_space<vmem>> -> memref<128xi32, #tpu.memory_space<vmem>>
      %dma_start3A_346 = arith.constant 0 : i32
      %dma_start3A_347 = arith.constant 0 : i32
      %dma_start3A_348 = tpu.memref_slice %arg2[%dma_start3A_346, %dma_start3A_347] : memref<40000x128xf32, #tpu.memory_space<hbm>> -> memref<40000x128xf32, #tpu.memory_space<hbm>>
      tpu.enqueue_indirect_dma source(%dma_start3A_348 : memref<40000x128xf32, #tpu.memory_space<hbm>>) target(%arg11 : memref<128x128xf32, #tpu.memory_space<vmem>>) offsets(%dma_start3A_345 : memref<128xi32, #tpu.memory_space<vmem>>) semaphore(%arg13 : memref<!tpu.dma_semaphore, #tpu.memory_space<semaphore_mem>>)
      %dma_wait3A_349 = arith.constant 7 : i32
      %dma_wait3A_350 = arith.constant 0 : i32
      %dma_wait3A_351 = tpu.memref_slice %arg7[%dma_wait3A_349, %dma_wait3A_350] : memref<8x128xi32, #tpu.memory_space<vmem>> -> memref<1x128xi32, #tpu.memory_space<vmem>>
      %dma_wait3A_352 = tpu.memref_squeeze %dma_wait3A_351 : memref<1x128xi32, #tpu.memory_space<vmem>> -> memref<128xi32, #tpu.memory_space<vmem>>
      %dma_wait3A_353 = arith.constant 0 : i32
      %dma_wait3A_354 = arith.constant 0 : i32
      %dma_wait3A_355 = tpu.memref_slice %arg2[%dma_wait3A_353, %dma_wait3A_354] : memref<40000x128xf32, #tpu.memory_space<hbm>> -> memref<40000x128xf32, #tpu.memory_space<hbm>>
      tpu.wait_indirect_dma semaphore(%arg14 : memref<!tpu.dma_semaphore, #tpu.memory_space<semaphore_mem>>) src(%dma_wait3A_355 : memref<40000x128xf32, #tpu.memory_space<hbm>>) dst(%arg12 : memref<128x128xf32, #tpu.memory_space<vmem>>)
      %run_scoped3A_356 = arith.constant 7 : i32
      "tpu.region"() ({
        %run_scoped3A_491 = tpu.sem_alloc : memref<!tpu.dma_semaphore, #tpu.memory_space<semaphore_mem>>
        %dma_start3A_492 = arith.constant 0 : i32
        %dma_start3A_493 = tpu.memref_slice %arg8[%run_scoped3A_356, %dma_start3A_492] : memref<8x128xi32, #tpu.memory_space<vmem>> -> memref<1x128xi32, #tpu.memory_space<vmem>>
        %dma_start3A_494 = tpu.memref_squeeze %dma_start3A_493 : memref<1x128xi32, #tpu.memory_space<vmem>> -> memref<128xi32, #tpu.memory_space<vmem>>
        %dma_start3A_495 = arith.constant 0 : i32
        %dma_start3A_496 = arith.constant 0 : i32
        %dma_start3A_497 = tpu.memref_slice %arg17[%dma_start3A_495, %dma_start3A_496] : memref<10008x128xf32, #tpu.memory_space<vmem_shared>> -> memref<10008x128xf32, #tpu.memory_space<vmem_shared>>
        tpu.enqueue_indirect_dma source(%arg12 : memref<128x128xf32, #tpu.memory_space<vmem>>) target(%dma_start3A_497 : memref<10008x128xf32, #tpu.memory_space<vmem_shared>>) offsets(%dma_start3A_494 : memref<128xi32, #tpu.memory_space<vmem>>) semaphore(%run_scoped3A_491 : memref<!tpu.dma_semaphore, #tpu.memory_space<semaphore_mem>>) {add = true}
        %dma_wait3A_498 = arith.constant 0 : i32
        %dma_wait3A_499 = tpu.memref_slice %arg8[%run_scoped3A_356, %dma_wait3A_498] : memref<8x128xi32, #tpu.memory_space<vmem>> -> memref<1x128xi32, #tpu.memory_space<vmem>>
        %dma_wait3A_500 = tpu.memref_squeeze %dma_wait3A_499 : memref<1x128xi32, #tpu.memory_space<vmem>> -> memref<128xi32, #tpu.memory_space<vmem>>
        %dma_wait3A_501 = arith.constant 0 : i32
        %dma_wait3A_502 = arith.constant 0 : i32
        %dma_wait3A_503 = tpu.memref_slice %arg17[%dma_wait3A_501, %dma_wait3A_502] : memref<10008x128xf32, #tpu.memory_space<vmem_shared>> -> memref<10008x128xf32, #tpu.memory_space<vmem_shared>>
        tpu.wait_indirect_dma semaphore(%run_scoped3A_491 : memref<!tpu.dma_semaphore, #tpu.memory_space<semaphore_mem>>) src(%arg12 : memref<128x128xf32, #tpu.memory_space<vmem>>) dst(%dma_wait3A_503 : memref<10008x128xf32, #tpu.memory_space<vmem_shared>>)
        tpu.yield
      }) : () -> ()
      %dma_start3A_357 = arith.constant 1 : i32
      %dma_start3A_358 = arith.constant 0 : i32
      %dma_start3A_359 = tpu.memref_slice %arg9[%dma_start3A_357, %dma_start3A_358] : memref<8x128xi32, #tpu.memory_space<vmem>> -> memref<1x128xi32, #tpu.memory_space<vmem>>
      %dma_start3A_360 = tpu.memref_squeeze %dma_start3A_359 : memref<1x128xi32, #tpu.memory_space<vmem>> -> memref<128xi32, #tpu.memory_space<vmem>>
      %dma_start3A_361 = arith.constant 0 : i32
      %dma_start3A_362 = arith.constant 0 : i32
      %dma_start3A_363 = tpu.memref_slice %arg2[%dma_start3A_361, %dma_start3A_362] : memref<40000x128xf32, #tpu.memory_space<hbm>> -> memref<40000x128xf32, #tpu.memory_space<hbm>>
      tpu.enqueue_indirect_dma source(%dma_start3A_363 : memref<40000x128xf32, #tpu.memory_space<hbm>>) target(%arg12 : memref<128x128xf32, #tpu.memory_space<vmem>>) offsets(%dma_start3A_360 : memref<128xi32, #tpu.memory_space<vmem>>) semaphore(%arg14 : memref<!tpu.dma_semaphore, #tpu.memory_space<semaphore_mem>>)
      %add3A_364 = arith.constant 2 : i32
      %add3A_365 = arith.addi %add3A_190, %add3A_364 : i32
      %lt3A_366 = arith.constant 20 : i32
      %lt3A_367 = arith.cmpi slt, %add3A_365, %lt3A_366 : i32
      %convert_element_type3A_368 = arith.extui %lt3A_367 : i1 to i32
      %cond3A_369 = arith.constant 0 : i32
      %cond3A_370 = arith.cmpi ne, %convert_element_type3A_368, %cond3A_369 : i32
      scf.if %cond3A_370 {
        %add3A_491 = arith.constant 2 : i32
        %add3A_492 = arith.addi %add3A_190, %add3A_491 : i32
        %mul3A_493 = arith.constant 16 : i32
        %mul3A_494 = arith.muli %add3A_89, %mul3A_493 : i32
        %add3A_495 = arith.addi %mul3A_494, %arg1 : i32
        %mul3A_496 = arith.constant 20 : i32
        %mul3A_497 = arith.muli %add3A_495, %mul3A_496 : i32
        %add3A_498 = arith.addi %mul3A_497, %add3A_492 : i32
        %mul3A_499 = arith.constant 20 : i32
        %mul3A_500 = arith.muli %arg1, %mul3A_499 : i32
        %add3A_501 = arith.addi %mul3A_500, %add3A_492 : i32
        %dma_start3A_502 = arith.constant 0 : i32
        %dma_start3A_503 = arith.constant 0 : i32
        %dma_start3A_504 = tpu.memref_slice %arg3[%add3A_498, %dma_start3A_502, %dma_start3A_503] : memref<1280x8x128xi32, #tpu.memory_space<hbm>> -> memref<1x8x128xi32, #tpu.memory_space<hbm>>
        %dma_start3A_505 = tpu.memref_squeeze %dma_start3A_504 : memref<1x8x128xi32, #tpu.memory_space<hbm>> -> memref<8x128xi32, #tpu.memory_space<hbm>>
        %dma_start3A_506 = arith.constant 0 : i32
        %dma_start3A_507 = arith.constant 0 : i32
        %dma_start3A_508 = tpu.memref_slice %arg3[%add3A_498, %dma_start3A_506, %dma_start3A_507] : memref<1280x8x128xi32, #tpu.memory_space<hbm>> -> memref<1x8x128xi32, #tpu.memory_space<hbm>>
        %dma_start3A_509 = tpu.memref_squeeze %dma_start3A_508 : memref<1x8x128xi32, #tpu.memory_space<hbm>> -> memref<8x128xi32, #tpu.memory_space<hbm>>
        tpu.enqueue_dma source(%dma_start3A_509 : memref<8x128xi32, #tpu.memory_space<hbm>>) target(%arg7 : memref<8x128xi32, #tpu.memory_space<vmem>>) target_semaphore(%arg15 : memref<!tpu.dma_semaphore, #tpu.memory_space<semaphore_mem>>)
        %dma_start3A_510 = arith.constant 0 : i32
        %dma_start3A_511 = arith.constant 0 : i32
        %dma_start3A_512 = tpu.memref_slice %arg4[%add3A_501, %dma_start3A_510, %dma_start3A_511] : memref<320x8x128xi32, #tpu.memory_space<hbm>> -> memref<1x8x128xi32, #tpu.memory_space<hbm>>
        %dma_start3A_513 = tpu.memref_squeeze %dma_start3A_512 : memref<1x8x128xi32, #tpu.memory_space<hbm>> -> memref<8x128xi32, #tpu.memory_space<hbm>>
        %dma_start3A_514 = arith.constant 0 : i32
        %dma_start3A_515 = arith.constant 0 : i32
        %dma_start3A_516 = tpu.memref_slice %arg4[%add3A_501, %dma_start3A_514, %dma_start3A_515] : memref<320x8x128xi32, #tpu.memory_space<hbm>> -> memref<1x8x128xi32, #tpu.memory_space<hbm>>
        %dma_start3A_517 = tpu.memref_squeeze %dma_start3A_516 : memref<1x8x128xi32, #tpu.memory_space<hbm>> -> memref<8x128xi32, #tpu.memory_space<hbm>>
        tpu.enqueue_dma source(%dma_start3A_517 : memref<8x128xi32, #tpu.memory_space<hbm>>) target(%arg8 : memref<8x128xi32, #tpu.memory_space<vmem>>) target_semaphore(%arg15 : memref<!tpu.dma_semaphore, #tpu.memory_space<semaphore_mem>>)
      } else {
      }
      %dma_wait3A_371 = arith.constant 0 : i32
      %dma_wait3A_372 = arith.constant 0 : i32
      %dma_wait3A_373 = tpu.memref_slice %arg9[%dma_wait3A_371, %dma_wait3A_372] : memref<8x128xi32, #tpu.memory_space<vmem>> -> memref<1x128xi32, #tpu.memory_space<vmem>>
      %dma_wait3A_374 = tpu.memref_squeeze %dma_wait3A_373 : memref<1x128xi32, #tpu.memory_space<vmem>> -> memref<128xi32, #tpu.memory_space<vmem>>
      %dma_wait3A_375 = arith.constant 0 : i32
      %dma_wait3A_376 = arith.constant 0 : i32
      %dma_wait3A_377 = tpu.memref_slice %arg2[%dma_wait3A_375, %dma_wait3A_376] : memref<40000x128xf32, #tpu.memory_space<hbm>> -> memref<40000x128xf32, #tpu.memory_space<hbm>>
      tpu.wait_indirect_dma semaphore(%arg13 : memref<!tpu.dma_semaphore, #tpu.memory_space<semaphore_mem>>) src(%dma_wait3A_377 : memref<40000x128xf32, #tpu.memory_space<hbm>>) dst(%arg11 : memref<128x128xf32, #tpu.memory_space<vmem>>)
      %run_scoped3A_378 = arith.constant 0 : i32
      "tpu.region"() ({
        %run_scoped3A_491 = tpu.sem_alloc : memref<!tpu.dma_semaphore, #tpu.memory_space<semaphore_mem>>
        %dma_start3A_492 = arith.constant 0 : i32
        %dma_start3A_493 = tpu.memref_slice %arg10[%run_scoped3A_378, %dma_start3A_492] : memref<8x128xi32, #tpu.memory_space<vmem>> -> memref<1x128xi32, #tpu.memory_space<vmem>>
        %dma_start3A_494 = tpu.memref_squeeze %dma_start3A_493 : memref<1x128xi32, #tpu.memory_space<vmem>> -> memref<128xi32, #tpu.memory_space<vmem>>
        %dma_start3A_495 = arith.constant 0 : i32
        %dma_start3A_496 = arith.constant 0 : i32
        %dma_start3A_497 = tpu.memref_slice %arg17[%dma_start3A_495, %dma_start3A_496] : memref<10008x128xf32, #tpu.memory_space<vmem_shared>> -> memref<10008x128xf32, #tpu.memory_space<vmem_shared>>
        tpu.enqueue_indirect_dma source(%arg11 : memref<128x128xf32, #tpu.memory_space<vmem>>) target(%dma_start3A_497 : memref<10008x128xf32, #tpu.memory_space<vmem_shared>>) offsets(%dma_start3A_494 : memref<128xi32, #tpu.memory_space<vmem>>) semaphore(%run_scoped3A_491 : memref<!tpu.dma_semaphore, #tpu.memory_space<semaphore_mem>>) {add = true}
        %dma_wait3A_498 = arith.constant 0 : i32
        %dma_wait3A_499 = tpu.memref_slice %arg10[%run_scoped3A_378, %dma_wait3A_498] : memref<8x128xi32, #tpu.memory_space<vmem>> -> memref<1x128xi32, #tpu.memory_space<vmem>>
        %dma_wait3A_500 = tpu.memref_squeeze %dma_wait3A_499 : memref<1x128xi32, #tpu.memory_space<vmem>> -> memref<128xi32, #tpu.memory_space<vmem>>
        %dma_wait3A_501 = arith.constant 0 : i32
        %dma_wait3A_502 = arith.constant 0 : i32
        %dma_wait3A_503 = tpu.memref_slice %arg17[%dma_wait3A_501, %dma_wait3A_502] : memref<10008x128xf32, #tpu.memory_space<vmem_shared>> -> memref<10008x128xf32, #tpu.memory_space<vmem_shared>>
        tpu.wait_indirect_dma semaphore(%run_scoped3A_491 : memref<!tpu.dma_semaphore, #tpu.memory_space<semaphore_mem>>) src(%arg11 : memref<128x128xf32, #tpu.memory_space<vmem>>) dst(%dma_wait3A_503 : memref<10008x128xf32, #tpu.memory_space<vmem_shared>>)
        tpu.yield
      }) : () -> ()
      %dma_start3A_379 = arith.constant 2 : i32
      %dma_start3A_380 = arith.constant 0 : i32
      %dma_start3A_381 = tpu.memref_slice %arg9[%dma_start3A_379, %dma_start3A_380] : memref<8x128xi32, #tpu.memory_space<vmem>> -> memref<1x128xi32, #tpu.memory_space<vmem>>
      %dma_start3A_382 = tpu.memref_squeeze %dma_start3A_381 : memref<1x128xi32, #tpu.memory_space<vmem>> -> memref<128xi32, #tpu.memory_space<vmem>>
      %dma_start3A_383 = arith.constant 0 : i32
      %dma_start3A_384 = arith.constant 0 : i32
      %dma_start3A_385 = tpu.memref_slice %arg2[%dma_start3A_383, %dma_start3A_384] : memref<40000x128xf32, #tpu.memory_space<hbm>> -> memref<40000x128xf32, #tpu.memory_space<hbm>>
      tpu.enqueue_indirect_dma source(%dma_start3A_385 : memref<40000x128xf32, #tpu.memory_space<hbm>>) target(%arg11 : memref<128x128xf32, #tpu.memory_space<vmem>>) offsets(%dma_start3A_382 : memref<128xi32, #tpu.memory_space<vmem>>) semaphore(%arg13 : memref<!tpu.dma_semaphore, #tpu.memory_space<semaphore_mem>>)
      %dma_wait3A_386 = arith.constant 1 : i32
      %dma_wait3A_387 = arith.constant 0 : i32
      %dma_wait3A_388 = tpu.memref_slice %arg9[%dma_wait3A_386, %dma_wait3A_387] : memref<8x128xi32, #tpu.memory_space<vmem>> -> memref<1x128xi32, #tpu.memory_space<vmem>>
      %dma_wait3A_389 = tpu.memref_squeeze %dma_wait3A_388 : memref<1x128xi32, #tpu.memory_space<vmem>> -> memref<128xi32, #tpu.memory_space<vmem>>
      %dma_wait3A_390 = arith.constant 0 : i32
      %dma_wait3A_391 = arith.constant 0 : i32
      %dma_wait3A_392 = tpu.memref_slice %arg2[%dma_wait3A_390, %dma_wait3A_391] : memref<40000x128xf32, #tpu.memory_space<hbm>> -> memref<40000x128xf32, #tpu.memory_space<hbm>>
      tpu.wait_indirect_dma semaphore(%arg14 : memref<!tpu.dma_semaphore, #tpu.memory_space<semaphore_mem>>) src(%dma_wait3A_392 : memref<40000x128xf32, #tpu.memory_space<hbm>>) dst(%arg12 : memref<128x128xf32, #tpu.memory_space<vmem>>)
      %run_scoped3A_393 = arith.constant 1 : i32
      "tpu.region"() ({
        %run_scoped3A_491 = tpu.sem_alloc : memref<!tpu.dma_semaphore, #tpu.memory_space<semaphore_mem>>
        %dma_start3A_492 = arith.constant 0 : i32
        %dma_start3A_493 = tpu.memref_slice %arg10[%run_scoped3A_393, %dma_start3A_492] : memref<8x128xi32, #tpu.memory_space<vmem>> -> memref<1x128xi32, #tpu.memory_space<vmem>>
        %dma_start3A_494 = tpu.memref_squeeze %dma_start3A_493 : memref<1x128xi32, #tpu.memory_space<vmem>> -> memref<128xi32, #tpu.memory_space<vmem>>
        %dma_start3A_495 = arith.constant 0 : i32
        %dma_start3A_496 = arith.constant 0 : i32
        %dma_start3A_497 = tpu.memref_slice %arg17[%dma_start3A_495, %dma_start3A_496] : memref<10008x128xf32, #tpu.memory_space<vmem_shared>> -> memref<10008x128xf32, #tpu.memory_space<vmem_shared>>
        tpu.enqueue_indirect_dma source(%arg12 : memref<128x128xf32, #tpu.memory_space<vmem>>) target(%dma_start3A_497 : memref<10008x128xf32, #tpu.memory_space<vmem_shared>>) offsets(%dma_start3A_494 : memref<128xi32, #tpu.memory_space<vmem>>) semaphore(%run_scoped3A_491 : memref<!tpu.dma_semaphore, #tpu.memory_space<semaphore_mem>>) {add = true}
        %dma_wait3A_498 = arith.constant 0 : i32
        %dma_wait3A_499 = tpu.memref_slice %arg10[%run_scoped3A_393, %dma_wait3A_498] : memref<8x128xi32, #tpu.memory_space<vmem>> -> memref<1x128xi32, #tpu.memory_space<vmem>>
        %dma_wait3A_500 = tpu.memref_squeeze %dma_wait3A_499 : memref<1x128xi32, #tpu.memory_space<vmem>> -> memref<128xi32, #tpu.memory_space<vmem>>
        %dma_wait3A_501 = arith.constant 0 : i32
        %dma_wait3A_502 = arith.constant 0 : i32
        %dma_wait3A_503 = tpu.memref_slice %arg17[%dma_wait3A_501, %dma_wait3A_502] : memref<10008x128xf32, #tpu.memory_space<vmem_shared>> -> memref<10008x128xf32, #tpu.memory_space<vmem_shared>>
        tpu.wait_indirect_dma semaphore(%run_scoped3A_491 : memref<!tpu.dma_semaphore, #tpu.memory_space<semaphore_mem>>) src(%arg12 : memref<128x128xf32, #tpu.memory_space<vmem>>) dst(%dma_wait3A_503 : memref<10008x128xf32, #tpu.memory_space<vmem_shared>>)
        tpu.yield
      }) : () -> ()
      %dma_start3A_394 = arith.constant 3 : i32
      %dma_start3A_395 = arith.constant 0 : i32
      %dma_start3A_396 = tpu.memref_slice %arg9[%dma_start3A_394, %dma_start3A_395] : memref<8x128xi32, #tpu.memory_space<vmem>> -> memref<1x128xi32, #tpu.memory_space<vmem>>
      %dma_start3A_397 = tpu.memref_squeeze %dma_start3A_396 : memref<1x128xi32, #tpu.memory_space<vmem>> -> memref<128xi32, #tpu.memory_space<vmem>>
      %dma_start3A_398 = arith.constant 0 : i32
      %dma_start3A_399 = arith.constant 0 : i32
      %dma_start3A_400 = tpu.memref_slice %arg2[%dma_start3A_398, %dma_start3A_399] : memref<40000x128xf32, #tpu.memory_space<hbm>> -> memref<40000x128xf32, #tpu.memory_space<hbm>>
      tpu.enqueue_indirect_dma source(%dma_start3A_400 : memref<40000x128xf32, #tpu.memory_space<hbm>>) target(%arg12 : memref<128x128xf32, #tpu.memory_space<vmem>>) offsets(%dma_start3A_397 : memref<128xi32, #tpu.memory_space<vmem>>) semaphore(%arg14 : memref<!tpu.dma_semaphore, #tpu.memory_space<semaphore_mem>>)
      %dma_wait3A_401 = arith.constant 2 : i32
      %dma_wait3A_402 = arith.constant 0 : i32
      %dma_wait3A_403 = tpu.memref_slice %arg9[%dma_wait3A_401, %dma_wait3A_402] : memref<8x128xi32, #tpu.memory_space<vmem>> -> memref<1x128xi32, #tpu.memory_space<vmem>>
      %dma_wait3A_404 = tpu.memref_squeeze %dma_wait3A_403 : memref<1x128xi32, #tpu.memory_space<vmem>> -> memref<128xi32, #tpu.memory_space<vmem>>
      %dma_wait3A_405 = arith.constant 0 : i32
      %dma_wait3A_406 = arith.constant 0 : i32
      %dma_wait3A_407 = tpu.memref_slice %arg2[%dma_wait3A_405, %dma_wait3A_406] : memref<40000x128xf32, #tpu.memory_space<hbm>> -> memref<40000x128xf32, #tpu.memory_space<hbm>>
      tpu.wait_indirect_dma semaphore(%arg13 : memref<!tpu.dma_semaphore, #tpu.memory_space<semaphore_mem>>) src(%dma_wait3A_407 : memref<40000x128xf32, #tpu.memory_space<hbm>>) dst(%arg11 : memref<128x128xf32, #tpu.memory_space<vmem>>)
      %run_scoped3A_408 = arith.constant 2 : i32
      "tpu.region"() ({
        %run_scoped3A_491 = tpu.sem_alloc : memref<!tpu.dma_semaphore, #tpu.memory_space<semaphore_mem>>
        %dma_start3A_492 = arith.constant 0 : i32
        %dma_start3A_493 = tpu.memref_slice %arg10[%run_scoped3A_408, %dma_start3A_492] : memref<8x128xi32, #tpu.memory_space<vmem>> -> memref<1x128xi32, #tpu.memory_space<vmem>>
        %dma_start3A_494 = tpu.memref_squeeze %dma_start3A_493 : memref<1x128xi32, #tpu.memory_space<vmem>> -> memref<128xi32, #tpu.memory_space<vmem>>
        %dma_start3A_495 = arith.constant 0 : i32
        %dma_start3A_496 = arith.constant 0 : i32
        %dma_start3A_497 = tpu.memref_slice %arg17[%dma_start3A_495, %dma_start3A_496] : memref<10008x128xf32, #tpu.memory_space<vmem_shared>> -> memref<10008x128xf32, #tpu.memory_space<vmem_shared>>
        tpu.enqueue_indirect_dma source(%arg11 : memref<128x128xf32, #tpu.memory_space<vmem>>) target(%dma_start3A_497 : memref<10008x128xf32, #tpu.memory_space<vmem_shared>>) offsets(%dma_start3A_494 : memref<128xi32, #tpu.memory_space<vmem>>) semaphore(%run_scoped3A_491 : memref<!tpu.dma_semaphore, #tpu.memory_space<semaphore_mem>>) {add = true}
        %dma_wait3A_498 = arith.constant 0 : i32
        %dma_wait3A_499 = tpu.memref_slice %arg10[%run_scoped3A_408, %dma_wait3A_498] : memref<8x128xi32, #tpu.memory_space<vmem>> -> memref<1x128xi32, #tpu.memory_space<vmem>>
        %dma_wait3A_500 = tpu.memref_squeeze %dma_wait3A_499 : memref<1x128xi32, #tpu.memory_space<vmem>> -> memref<128xi32, #tpu.memory_space<vmem>>
        %dma_wait3A_501 = arith.constant 0 : i32
        %dma_wait3A_502 = arith.constant 0 : i32
        %dma_wait3A_503 = tpu.memref_slice %arg17[%dma_wait3A_501, %dma_wait3A_502] : memref<10008x128xf32, #tpu.memory_space<vmem_shared>> -> memref<10008x128xf32, #tpu.memory_space<vmem_shared>>
        tpu.wait_indirect_dma semaphore(%run_scoped3A_491 : memref<!tpu.dma_semaphore, #tpu.memory_space<semaphore_mem>>) src(%arg11 : memref<128x128xf32, #tpu.memory_space<vmem>>) dst(%dma_wait3A_503 : memref<10008x128xf32, #tpu.memory_space<vmem_shared>>)
        tpu.yield
      }) : () -> ()
      %dma_start3A_409 = arith.constant 4 : i32
      %dma_start3A_410 = arith.constant 0 : i32
      %dma_start3A_411 = tpu.memref_slice %arg9[%dma_start3A_409, %dma_start3A_410] : memref<8x128xi32, #tpu.memory_space<vmem>> -> memref<1x128xi32, #tpu.memory_space<vmem>>
      %dma_start3A_412 = tpu.memref_squeeze %dma_start3A_411 : memref<1x128xi32, #tpu.memory_space<vmem>> -> memref<128xi32, #tpu.memory_space<vmem>>
      %dma_start3A_413 = arith.constant 0 : i32
      %dma_start3A_414 = arith.constant 0 : i32
      %dma_start3A_415 = tpu.memref_slice %arg2[%dma_start3A_413, %dma_start3A_414] : memref<40000x128xf32, #tpu.memory_space<hbm>> -> memref<40000x128xf32, #tpu.memory_space<hbm>>
      tpu.enqueue_indirect_dma source(%dma_start3A_415 : memref<40000x128xf32, #tpu.memory_space<hbm>>) target(%arg11 : memref<128x128xf32, #tpu.memory_space<vmem>>) offsets(%dma_start3A_412 : memref<128xi32, #tpu.memory_space<vmem>>) semaphore(%arg13 : memref<!tpu.dma_semaphore, #tpu.memory_space<semaphore_mem>>)
      %dma_wait3A_416 = arith.constant 3 : i32
      %dma_wait3A_417 = arith.constant 0 : i32
      %dma_wait3A_418 = tpu.memref_slice %arg9[%dma_wait3A_416, %dma_wait3A_417] : memref<8x128xi32, #tpu.memory_space<vmem>> -> memref<1x128xi32, #tpu.memory_space<vmem>>
      %dma_wait3A_419 = tpu.memref_squeeze %dma_wait3A_418 : memref<1x128xi32, #tpu.memory_space<vmem>> -> memref<128xi32, #tpu.memory_space<vmem>>
      %dma_wait3A_420 = arith.constant 0 : i32
      %dma_wait3A_421 = arith.constant 0 : i32
      %dma_wait3A_422 = tpu.memref_slice %arg2[%dma_wait3A_420, %dma_wait3A_421] : memref<40000x128xf32, #tpu.memory_space<hbm>> -> memref<40000x128xf32, #tpu.memory_space<hbm>>
      tpu.wait_indirect_dma semaphore(%arg14 : memref<!tpu.dma_semaphore, #tpu.memory_space<semaphore_mem>>) src(%dma_wait3A_422 : memref<40000x128xf32, #tpu.memory_space<hbm>>) dst(%arg12 : memref<128x128xf32, #tpu.memory_space<vmem>>)
      %run_scoped3A_423 = arith.constant 3 : i32
      "tpu.region"() ({
        %run_scoped3A_491 = tpu.sem_alloc : memref<!tpu.dma_semaphore, #tpu.memory_space<semaphore_mem>>
        %dma_start3A_492 = arith.constant 0 : i32
        %dma_start3A_493 = tpu.memref_slice %arg10[%run_scoped3A_423, %dma_start3A_492] : memref<8x128xi32, #tpu.memory_space<vmem>> -> memref<1x128xi32, #tpu.memory_space<vmem>>
        %dma_start3A_494 = tpu.memref_squeeze %dma_start3A_493 : memref<1x128xi32, #tpu.memory_space<vmem>> -> memref<128xi32, #tpu.memory_space<vmem>>
        %dma_start3A_495 = arith.constant 0 : i32
        %dma_start3A_496 = arith.constant 0 : i32
        %dma_start3A_497 = tpu.memref_slice %arg17[%dma_start3A_495, %dma_start3A_496] : memref<10008x128xf32, #tpu.memory_space<vmem_shared>> -> memref<10008x128xf32, #tpu.memory_space<vmem_shared>>
        tpu.enqueue_indirect_dma source(%arg12 : memref<128x128xf32, #tpu.memory_space<vmem>>) target(%dma_start3A_497 : memref<10008x128xf32, #tpu.memory_space<vmem_shared>>) offsets(%dma_start3A_494 : memref<128xi32, #tpu.memory_space<vmem>>) semaphore(%run_scoped3A_491 : memref<!tpu.dma_semaphore, #tpu.memory_space<semaphore_mem>>) {add = true}
        %dma_wait3A_498 = arith.constant 0 : i32
        %dma_wait3A_499 = tpu.memref_slice %arg10[%run_scoped3A_423, %dma_wait3A_498] : memref<8x128xi32, #tpu.memory_space<vmem>> -> memref<1x128xi32, #tpu.memory_space<vmem>>
        %dma_wait3A_500 = tpu.memref_squeeze %dma_wait3A_499 : memref<1x128xi32, #tpu.memory_space<vmem>> -> memref<128xi32, #tpu.memory_space<vmem>>
        %dma_wait3A_501 = arith.constant 0 : i32
        %dma_wait3A_502 = arith.constant 0 : i32
        %dma_wait3A_503 = tpu.memref_slice %arg17[%dma_wait3A_501, %dma_wait3A_502] : memref<10008x128xf32, #tpu.memory_space<vmem_shared>> -> memref<10008x128xf32, #tpu.memory_space<vmem_shared>>
        tpu.wait_indirect_dma semaphore(%run_scoped3A_491 : memref<!tpu.dma_semaphore, #tpu.memory_space<semaphore_mem>>) src(%arg12 : memref<128x128xf32, #tpu.memory_space<vmem>>) dst(%dma_wait3A_503 : memref<10008x128xf32, #tpu.memory_space<vmem_shared>>)
        tpu.yield
      }) : () -> ()
      %dma_start3A_424 = arith.constant 5 : i32
      %dma_start3A_425 = arith.constant 0 : i32
      %dma_start3A_426 = tpu.memref_slice %arg9[%dma_start3A_424, %dma_start3A_425] : memref<8x128xi32, #tpu.memory_space<vmem>> -> memref<1x128xi32, #tpu.memory_space<vmem>>
      %dma_start3A_427 = tpu.memref_squeeze %dma_start3A_426 : memref<1x128xi32, #tpu.memory_space<vmem>> -> memref<128xi32, #tpu.memory_space<vmem>>
      %dma_start3A_428 = arith.constant 0 : i32
      %dma_start3A_429 = arith.constant 0 : i32
      %dma_start3A_430 = tpu.memref_slice %arg2[%dma_start3A_428, %dma_start3A_429] : memref<40000x128xf32, #tpu.memory_space<hbm>> -> memref<40000x128xf32, #tpu.memory_space<hbm>>
      tpu.enqueue_indirect_dma source(%dma_start3A_430 : memref<40000x128xf32, #tpu.memory_space<hbm>>) target(%arg12 : memref<128x128xf32, #tpu.memory_space<vmem>>) offsets(%dma_start3A_427 : memref<128xi32, #tpu.memory_space<vmem>>) semaphore(%arg14 : memref<!tpu.dma_semaphore, #tpu.memory_space<semaphore_mem>>)
      %dma_wait3A_431 = arith.constant 4 : i32
      %dma_wait3A_432 = arith.constant 0 : i32
      %dma_wait3A_433 = tpu.memref_slice %arg9[%dma_wait3A_431, %dma_wait3A_432] : memref<8x128xi32, #tpu.memory_space<vmem>> -> memref<1x128xi32, #tpu.memory_space<vmem>>
      %dma_wait3A_434 = tpu.memref_squeeze %dma_wait3A_433 : memref<1x128xi32, #tpu.memory_space<vmem>> -> memref<128xi32, #tpu.memory_space<vmem>>
      %dma_wait3A_435 = arith.constant 0 : i32
      %dma_wait3A_436 = arith.constant 0 : i32
      %dma_wait3A_437 = tpu.memref_slice %arg2[%dma_wait3A_435, %dma_wait3A_436] : memref<40000x128xf32, #tpu.memory_space<hbm>> -> memref<40000x128xf32, #tpu.memory_space<hbm>>
      tpu.wait_indirect_dma semaphore(%arg13 : memref<!tpu.dma_semaphore, #tpu.memory_space<semaphore_mem>>) src(%dma_wait3A_437 : memref<40000x128xf32, #tpu.memory_space<hbm>>) dst(%arg11 : memref<128x128xf32, #tpu.memory_space<vmem>>)
      %run_scoped3A_438 = arith.constant 4 : i32
      "tpu.region"() ({
        %run_scoped3A_491 = tpu.sem_alloc : memref<!tpu.dma_semaphore, #tpu.memory_space<semaphore_mem>>
        %dma_start3A_492 = arith.constant 0 : i32
        %dma_start3A_493 = tpu.memref_slice %arg10[%run_scoped3A_438, %dma_start3A_492] : memref<8x128xi32, #tpu.memory_space<vmem>> -> memref<1x128xi32, #tpu.memory_space<vmem>>
        %dma_start3A_494 = tpu.memref_squeeze %dma_start3A_493 : memref<1x128xi32, #tpu.memory_space<vmem>> -> memref<128xi32, #tpu.memory_space<vmem>>
        %dma_start3A_495 = arith.constant 0 : i32
        %dma_start3A_496 = arith.constant 0 : i32
        %dma_start3A_497 = tpu.memref_slice %arg17[%dma_start3A_495, %dma_start3A_496] : memref<10008x128xf32, #tpu.memory_space<vmem_shared>> -> memref<10008x128xf32, #tpu.memory_space<vmem_shared>>
        tpu.enqueue_indirect_dma source(%arg11 : memref<128x128xf32, #tpu.memory_space<vmem>>) target(%dma_start3A_497 : memref<10008x128xf32, #tpu.memory_space<vmem_shared>>) offsets(%dma_start3A_494 : memref<128xi32, #tpu.memory_space<vmem>>) semaphore(%run_scoped3A_491 : memref<!tpu.dma_semaphore, #tpu.memory_space<semaphore_mem>>) {add = true}
        %dma_wait3A_498 = arith.constant 0 : i32
        %dma_wait3A_499 = tpu.memref_slice %arg10[%run_scoped3A_438, %dma_wait3A_498] : memref<8x128xi32, #tpu.memory_space<vmem>> -> memref<1x128xi32, #tpu.memory_space<vmem>>
        %dma_wait3A_500 = tpu.memref_squeeze %dma_wait3A_499 : memref<1x128xi32, #tpu.memory_space<vmem>> -> memref<128xi32, #tpu.memory_space<vmem>>
        %dma_wait3A_501 = arith.constant 0 : i32
        %dma_wait3A_502 = arith.constant 0 : i32
        %dma_wait3A_503 = tpu.memref_slice %arg17[%dma_wait3A_501, %dma_wait3A_502] : memref<10008x128xf32, #tpu.memory_space<vmem_shared>> -> memref<10008x128xf32, #tpu.memory_space<vmem_shared>>
        tpu.wait_indirect_dma semaphore(%run_scoped3A_491 : memref<!tpu.dma_semaphore, #tpu.memory_space<semaphore_mem>>) src(%arg11 : memref<128x128xf32, #tpu.memory_space<vmem>>) dst(%dma_wait3A_503 : memref<10008x128xf32, #tpu.memory_space<vmem_shared>>)
        tpu.yield
      }) : () -> ()
      %dma_start3A_439 = arith.constant 6 : i32
      %dma_start3A_440 = arith.constant 0 : i32
      %dma_start3A_441 = tpu.memref_slice %arg9[%dma_start3A_439, %dma_start3A_440] : memref<8x128xi32, #tpu.memory_space<vmem>> -> memref<1x128xi32, #tpu.memory_space<vmem>>
      %dma_start3A_442 = tpu.memref_squeeze %dma_start3A_441 : memref<1x128xi32, #tpu.memory_space<vmem>> -> memref<128xi32, #tpu.memory_space<vmem>>
      %dma_start3A_443 = arith.constant 0 : i32
      %dma_start3A_444 = arith.constant 0 : i32
      %dma_start3A_445 = tpu.memref_slice %arg2[%dma_start3A_443, %dma_start3A_444] : memref<40000x128xf32, #tpu.memory_space<hbm>> -> memref<40000x128xf32, #tpu.memory_space<hbm>>
      tpu.enqueue_indirect_dma source(%dma_start3A_445 : memref<40000x128xf32, #tpu.memory_space<hbm>>) target(%arg11 : memref<128x128xf32, #tpu.memory_space<vmem>>) offsets(%dma_start3A_442 : memref<128xi32, #tpu.memory_space<vmem>>) semaphore(%arg13 : memref<!tpu.dma_semaphore, #tpu.memory_space<semaphore_mem>>)
      %dma_wait3A_446 = arith.constant 5 : i32
      %dma_wait3A_447 = arith.constant 0 : i32
      %dma_wait3A_448 = tpu.memref_slice %arg9[%dma_wait3A_446, %dma_wait3A_447] : memref<8x128xi32, #tpu.memory_space<vmem>> -> memref<1x128xi32, #tpu.memory_space<vmem>>
      %dma_wait3A_449 = tpu.memref_squeeze %dma_wait3A_448 : memref<1x128xi32, #tpu.memory_space<vmem>> -> memref<128xi32, #tpu.memory_space<vmem>>
      %dma_wait3A_450 = arith.constant 0 : i32
      %dma_wait3A_451 = arith.constant 0 : i32
      %dma_wait3A_452 = tpu.memref_slice %arg2[%dma_wait3A_450, %dma_wait3A_451] : memref<40000x128xf32, #tpu.memory_space<hbm>> -> memref<40000x128xf32, #tpu.memory_space<hbm>>
      tpu.wait_indirect_dma semaphore(%arg14 : memref<!tpu.dma_semaphore, #tpu.memory_space<semaphore_mem>>) src(%dma_wait3A_452 : memref<40000x128xf32, #tpu.memory_space<hbm>>) dst(%arg12 : memref<128x128xf32, #tpu.memory_space<vmem>>)
      %run_scoped3A_453 = arith.constant 5 : i32
      "tpu.region"() ({
        %run_scoped3A_491 = tpu.sem_alloc : memref<!tpu.dma_semaphore, #tpu.memory_space<semaphore_mem>>
        %dma_start3A_492 = arith.constant 0 : i32
        %dma_start3A_493 = tpu.memref_slice %arg10[%run_scoped3A_453, %dma_start3A_492] : memref<8x128xi32, #tpu.memory_space<vmem>> -> memref<1x128xi32, #tpu.memory_space<vmem>>
        %dma_start3A_494 = tpu.memref_squeeze %dma_start3A_493 : memref<1x128xi32, #tpu.memory_space<vmem>> -> memref<128xi32, #tpu.memory_space<vmem>>
        %dma_start3A_495 = arith.constant 0 : i32
        %dma_start3A_496 = arith.constant 0 : i32
        %dma_start3A_497 = tpu.memref_slice %arg17[%dma_start3A_495, %dma_start3A_496] : memref<10008x128xf32, #tpu.memory_space<vmem_shared>> -> memref<10008x128xf32, #tpu.memory_space<vmem_shared>>
        tpu.enqueue_indirect_dma source(%arg12 : memref<128x128xf32, #tpu.memory_space<vmem>>) target(%dma_start3A_497 : memref<10008x128xf32, #tpu.memory_space<vmem_shared>>) offsets(%dma_start3A_494 : memref<128xi32, #tpu.memory_space<vmem>>) semaphore(%run_scoped3A_491 : memref<!tpu.dma_semaphore, #tpu.memory_space<semaphore_mem>>) {add = true}
        %dma_wait3A_498 = arith.constant 0 : i32
        %dma_wait3A_499 = tpu.memref_slice %arg10[%run_scoped3A_453, %dma_wait3A_498] : memref<8x128xi32, #tpu.memory_space<vmem>> -> memref<1x128xi32, #tpu.memory_space<vmem>>
        %dma_wait3A_500 = tpu.memref_squeeze %dma_wait3A_499 : memref<1x128xi32, #tpu.memory_space<vmem>> -> memref<128xi32, #tpu.memory_space<vmem>>
        %dma_wait3A_501 = arith.constant 0 : i32
        %dma_wait3A_502 = arith.constant 0 : i32
        %dma_wait3A_503 = tpu.memref_slice %arg17[%dma_wait3A_501, %dma_wait3A_502] : memref<10008x128xf32, #tpu.memory_space<vmem_shared>> -> memref<10008x128xf32, #tpu.memory_space<vmem_shared>>
        tpu.wait_indirect_dma semaphore(%run_scoped3A_491 : memref<!tpu.dma_semaphore, #tpu.memory_space<semaphore_mem>>) src(%arg12 : memref<128x128xf32, #tpu.memory_space<vmem>>) dst(%dma_wait3A_503 : memref<10008x128xf32, #tpu.memory_space<vmem_shared>>)
        tpu.yield
      }) : () -> ()
      %dma_start3A_454 = arith.constant 7 : i32
      %dma_start3A_455 = arith.constant 0 : i32
      %dma_start3A_456 = tpu.memref_slice %arg9[%dma_start3A_454, %dma_start3A_455] : memref<8x128xi32, #tpu.memory_space<vmem>> -> memref<1x128xi32, #tpu.memory_space<vmem>>
      %dma_start3A_457 = tpu.memref_squeeze %dma_start3A_456 : memref<1x128xi32, #tpu.memory_space<vmem>> -> memref<128xi32, #tpu.memory_space<vmem>>
      %dma_start3A_458 = arith.constant 0 : i32
      %dma_start3A_459 = arith.constant 0 : i32
      %dma_start3A_460 = tpu.memref_slice %arg2[%dma_start3A_458, %dma_start3A_459] : memref<40000x128xf32, #tpu.memory_space<hbm>> -> memref<40000x128xf32, #tpu.memory_space<hbm>>
      tpu.enqueue_indirect_dma source(%dma_start3A_460 : memref<40000x128xf32, #tpu.memory_space<hbm>>) target(%arg12 : memref<128x128xf32, #tpu.memory_space<vmem>>) offsets(%dma_start3A_457 : memref<128xi32, #tpu.memory_space<vmem>>) semaphore(%arg14 : memref<!tpu.dma_semaphore, #tpu.memory_space<semaphore_mem>>)
      %dma_wait3A_461 = arith.constant 6 : i32
      %dma_wait3A_462 = arith.constant 0 : i32
      %dma_wait3A_463 = tpu.memref_slice %arg9[%dma_wait3A_461, %dma_wait3A_462] : memref<8x128xi32, #tpu.memory_space<vmem>> -> memref<1x128xi32, #tpu.memory_space<vmem>>
      %dma_wait3A_464 = tpu.memref_squeeze %dma_wait3A_463 : memref<1x128xi32, #tpu.memory_space<vmem>> -> memref<128xi32, #tpu.memory_space<vmem>>
      %dma_wait3A_465 = arith.constant 0 : i32
      %dma_wait3A_466 = arith.constant 0 : i32
      %dma_wait3A_467 = tpu.memref_slice %arg2[%dma_wait3A_465, %dma_wait3A_466] : memref<40000x128xf32, #tpu.memory_space<hbm>> -> memref<40000x128xf32, #tpu.memory_space<hbm>>
      tpu.wait_indirect_dma semaphore(%arg13 : memref<!tpu.dma_semaphore, #tpu.memory_space<semaphore_mem>>) src(%dma_wait3A_467 : memref<40000x128xf32, #tpu.memory_space<hbm>>) dst(%arg11 : memref<128x128xf32, #tpu.memory_space<vmem>>)
      %run_scoped3A_468 = arith.constant 6 : i32
      "tpu.region"() ({
        %run_scoped3A_491 = tpu.sem_alloc : memref<!tpu.dma_semaphore, #tpu.memory_space<semaphore_mem>>
        %dma_start3A_492 = arith.constant 0 : i32
        %dma_start3A_493 = tpu.memref_slice %arg10[%run_scoped3A_468, %dma_start3A_492] : memref<8x128xi32, #tpu.memory_space<vmem>> -> memref<1x128xi32, #tpu.memory_space<vmem>>
        %dma_start3A_494 = tpu.memref_squeeze %dma_start3A_493 : memref<1x128xi32, #tpu.memory_space<vmem>> -> memref<128xi32, #tpu.memory_space<vmem>>
        %dma_start3A_495 = arith.constant 0 : i32
        %dma_start3A_496 = arith.constant 0 : i32
        %dma_start3A_497 = tpu.memref_slice %arg17[%dma_start3A_495, %dma_start3A_496] : memref<10008x128xf32, #tpu.memory_space<vmem_shared>> -> memref<10008x128xf32, #tpu.memory_space<vmem_shared>>
        tpu.enqueue_indirect_dma source(%arg11 : memref<128x128xf32, #tpu.memory_space<vmem>>) target(%dma_start3A_497 : memref<10008x128xf32, #tpu.memory_space<vmem_shared>>) offsets(%dma_start3A_494 : memref<128xi32, #tpu.memory_space<vmem>>) semaphore(%run_scoped3A_491 : memref<!tpu.dma_semaphore, #tpu.memory_space<semaphore_mem>>) {add = true}
        %dma_wait3A_498 = arith.constant 0 : i32
        %dma_wait3A_499 = tpu.memref_slice %arg10[%run_scoped3A_468, %dma_wait3A_498] : memref<8x128xi32, #tpu.memory_space<vmem>> -> memref<1x128xi32, #tpu.memory_space<vmem>>
        %dma_wait3A_500 = tpu.memref_squeeze %dma_wait3A_499 : memref<1x128xi32, #tpu.memory_space<vmem>> -> memref<128xi32, #tpu.memory_space<vmem>>
        %dma_wait3A_501 = arith.constant 0 : i32
        %dma_wait3A_502 = arith.constant 0 : i32
        %dma_wait3A_503 = tpu.memref_slice %arg17[%dma_wait3A_501, %dma_wait3A_502] : memref<10008x128xf32, #tpu.memory_space<vmem_shared>> -> memref<10008x128xf32, #tpu.memory_space<vmem_shared>>
        tpu.wait_indirect_dma semaphore(%run_scoped3A_491 : memref<!tpu.dma_semaphore, #tpu.memory_space<semaphore_mem>>) src(%arg11 : memref<128x128xf32, #tpu.memory_space<vmem>>) dst(%dma_wait3A_503 : memref<10008x128xf32, #tpu.memory_space<vmem_shared>>)
        tpu.yield
      }) : () -> ()
      %add3A_469 = arith.constant 2 : i32
      %add3A_470 = arith.addi %add3A_190, %add3A_469 : i32
      %lt3A_471 = arith.constant 20 : i32
      %lt3A_472 = arith.cmpi slt, %add3A_470, %lt3A_471 : i32
      %convert_element_type3A_473 = arith.extui %lt3A_472 : i1 to i32
      %cond3A_474 = arith.constant 0 : i32
      %cond3A_475 = arith.cmpi ne, %convert_element_type3A_473, %cond3A_474 : i32
      scf.if %cond3A_475 {
        %add3A_491 = arith.constant 2 : i32
        %add3A_492 = arith.addi %add3A_190, %add3A_491 : i32
        %mul3A_493 = arith.constant 16 : i32
        %mul3A_494 = arith.muli %add3A_89, %mul3A_493 : i32
        %add3A_495 = arith.addi %mul3A_494, %arg1 : i32
        %mul3A_496 = arith.constant 20 : i32
        %mul3A_497 = arith.muli %add3A_495, %mul3A_496 : i32
        %add3A_498 = arith.addi %mul3A_497, %add3A_492 : i32
        %mul3A_499 = arith.constant 20 : i32
        %mul3A_500 = arith.muli %arg1, %mul3A_499 : i32
        %add3A_501 = arith.addi %mul3A_500, %add3A_492 : i32
        %dma_wait3A_502 = arith.constant 0 : i32
        %dma_wait3A_503 = arith.constant 0 : i32
        %dma_wait3A_504 = tpu.memref_slice %arg3[%add3A_498, %dma_wait3A_502, %dma_wait3A_503] : memref<1280x8x128xi32, #tpu.memory_space<hbm>> -> memref<1x8x128xi32, #tpu.memory_space<hbm>>
        %dma_wait3A_505 = tpu.memref_squeeze %dma_wait3A_504 : memref<1x8x128xi32, #tpu.memory_space<hbm>> -> memref<8x128xi32, #tpu.memory_space<hbm>>
        %dma_wait3A_506 = arith.constant 0 : i32
        %dma_wait3A_507 = arith.constant 0 : i32
        %dma_wait3A_508 = tpu.memref_slice %arg3[%add3A_498, %dma_wait3A_506, %dma_wait3A_507] : memref<1280x8x128xi32, #tpu.memory_space<hbm>> -> memref<1x8x128xi32, #tpu.memory_space<hbm>>
        %dma_wait3A_509 = tpu.memref_squeeze %dma_wait3A_508 : memref<1x8x128xi32, #tpu.memory_space<hbm>> -> memref<8x128xi32, #tpu.memory_space<hbm>>
        tpu.wait_dma2 semaphore(%arg15 : memref<!tpu.dma_semaphore, #tpu.memory_space<semaphore_mem>>) src(%dma_wait3A_509 : memref<8x128xi32, #tpu.memory_space<hbm>>) dst(%arg7 : memref<8x128xi32, #tpu.memory_space<vmem>>)
        %dma_wait3A_510 = arith.constant 0 : i32
        %dma_wait3A_511 = arith.constant 0 : i32
        %dma_wait3A_512 = tpu.memref_slice %arg4[%add3A_501, %dma_wait3A_510, %dma_wait3A_511] : memref<320x8x128xi32, #tpu.memory_space<hbm>> -> memref<1x8x128xi32, #tpu.memory_space<hbm>>
        %dma_wait3A_513 = tpu.memref_squeeze %dma_wait3A_512 : memref<1x8x128xi32, #tpu.memory_space<hbm>> -> memref<8x128xi32, #tpu.memory_space<hbm>>
        %dma_wait3A_514 = arith.constant 0 : i32
        %dma_wait3A_515 = arith.constant 0 : i32
        %dma_wait3A_516 = tpu.memref_slice %arg4[%add3A_501, %dma_wait3A_514, %dma_wait3A_515] : memref<320x8x128xi32, #tpu.memory_space<hbm>> -> memref<1x8x128xi32, #tpu.memory_space<hbm>>
        %dma_wait3A_517 = tpu.memref_squeeze %dma_wait3A_516 : memref<1x8x128xi32, #tpu.memory_space<hbm>> -> memref<8x128xi32, #tpu.memory_space<hbm>>
        tpu.wait_dma2 semaphore(%arg15 : memref<!tpu.dma_semaphore, #tpu.memory_space<semaphore_mem>>) src(%dma_wait3A_517 : memref<8x128xi32, #tpu.memory_space<hbm>>) dst(%arg8 : memref<8x128xi32, #tpu.memory_space<vmem>>)
        %dma_start3A_518 = arith.constant 0 : i32
        %dma_start3A_519 = arith.constant 0 : i32
        %dma_start3A_520 = tpu.memref_slice %arg7[%dma_start3A_518, %dma_start3A_519] : memref<8x128xi32, #tpu.memory_space<vmem>> -> memref<1x128xi32, #tpu.memory_space<vmem>>
        %dma_start3A_521 = tpu.memref_squeeze %dma_start3A_520 : memref<1x128xi32, #tpu.memory_space<vmem>> -> memref<128xi32, #tpu.memory_space<vmem>>
        %dma_start3A_522 = arith.constant 0 : i32
        %dma_start3A_523 = arith.constant 0 : i32
        %dma_start3A_524 = tpu.memref_slice %arg2[%dma_start3A_522, %dma_start3A_523] : memref<40000x128xf32, #tpu.memory_space<hbm>> -> memref<40000x128xf32, #tpu.memory_space<hbm>>
        tpu.enqueue_indirect_dma source(%dma_start3A_524 : memref<40000x128xf32, #tpu.memory_space<hbm>>) target(%arg11 : memref<128x128xf32, #tpu.memory_space<vmem>>) offsets(%dma_start3A_521 : memref<128xi32, #tpu.memory_space<vmem>>) semaphore(%arg13 : memref<!tpu.dma_semaphore, #tpu.memory_space<semaphore_mem>>)
      } else {
      }
      %dma_wait3A_476 = arith.constant 7 : i32
      %dma_wait3A_477 = arith.constant 0 : i32
      %dma_wait3A_478 = tpu.memref_slice %arg9[%dma_wait3A_476, %dma_wait3A_477] : memref<8x128xi32, #tpu.memory_space<vmem>> -> memref<1x128xi32, #tpu.memory_space<vmem>>
      %dma_wait3A_479 = tpu.memref_squeeze %dma_wait3A_478 : memref<1x128xi32, #tpu.memory_space<vmem>> -> memref<128xi32, #tpu.memory_space<vmem>>
      %dma_wait3A_480 = arith.constant 0 : i32
      %dma_wait3A_481 = arith.constant 0 : i32
      %dma_wait3A_482 = tpu.memref_slice %arg2[%dma_wait3A_480, %dma_wait3A_481] : memref<40000x128xf32, #tpu.memory_space<hbm>> -> memref<40000x128xf32, #tpu.memory_space<hbm>>
      tpu.wait_indirect_dma semaphore(%arg14 : memref<!tpu.dma_semaphore, #tpu.memory_space<semaphore_mem>>) src(%dma_wait3A_482 : memref<40000x128xf32, #tpu.memory_space<hbm>>) dst(%arg12 : memref<128x128xf32, #tpu.memory_space<vmem>>)
      %run_scoped3A_483 = arith.constant 7 : i32
      "tpu.region"() ({
        %run_scoped3A_491 = tpu.sem_alloc : memref<!tpu.dma_semaphore, #tpu.memory_space<semaphore_mem>>
        %dma_start3A_492 = arith.constant 0 : i32
        %dma_start3A_493 = tpu.memref_slice %arg10[%run_scoped3A_483, %dma_start3A_492] : memref<8x128xi32, #tpu.memory_space<vmem>> -> memref<1x128xi32, #tpu.memory_space<vmem>>
        %dma_start3A_494 = tpu.memref_squeeze %dma_start3A_493 : memref<1x128xi32, #tpu.memory_space<vmem>> -> memref<128xi32, #tpu.memory_space<vmem>>
        %dma_start3A_495 = arith.constant 0 : i32
        %dma_start3A_496 = arith.constant 0 : i32
        %dma_start3A_497 = tpu.memref_slice %arg17[%dma_start3A_495, %dma_start3A_496] : memref<10008x128xf32, #tpu.memory_space<vmem_shared>> -> memref<10008x128xf32, #tpu.memory_space<vmem_shared>>
        tpu.enqueue_indirect_dma source(%arg12 : memref<128x128xf32, #tpu.memory_space<vmem>>) target(%dma_start3A_497 : memref<10008x128xf32, #tpu.memory_space<vmem_shared>>) offsets(%dma_start3A_494 : memref<128xi32, #tpu.memory_space<vmem>>) semaphore(%run_scoped3A_491 : memref<!tpu.dma_semaphore, #tpu.memory_space<semaphore_mem>>) {add = true}
        %dma_wait3A_498 = arith.constant 0 : i32
        %dma_wait3A_499 = tpu.memref_slice %arg10[%run_scoped3A_483, %dma_wait3A_498] : memref<8x128xi32, #tpu.memory_space<vmem>> -> memref<1x128xi32, #tpu.memory_space<vmem>>
        %dma_wait3A_500 = tpu.memref_squeeze %dma_wait3A_499 : memref<1x128xi32, #tpu.memory_space<vmem>> -> memref<128xi32, #tpu.memory_space<vmem>>
        %dma_wait3A_501 = arith.constant 0 : i32
        %dma_wait3A_502 = arith.constant 0 : i32
        %dma_wait3A_503 = tpu.memref_slice %arg17[%dma_wait3A_501, %dma_wait3A_502] : memref<10008x128xf32, #tpu.memory_space<vmem_shared>> -> memref<10008x128xf32, #tpu.memory_space<vmem_shared>>
        tpu.wait_indirect_dma semaphore(%run_scoped3A_491 : memref<!tpu.dma_semaphore, #tpu.memory_space<semaphore_mem>>) src(%arg12 : memref<128x128xf32, #tpu.memory_space<vmem>>) dst(%dma_wait3A_503 : memref<10008x128xf32, #tpu.memory_space<vmem_shared>>)
        tpu.yield
      }) : () -> ()
      %add3A_484 = arith.constant 2 : i32
      %add3A_485 = arith.addi %add3A_190, %add3A_484 : i32
      %lt3A_486 = arith.constant 20 : i32
      %lt3A_487 = arith.cmpi slt, %add3A_485, %lt3A_486 : i32
      %convert_element_type3A_488 = arith.extui %lt3A_487 : i1 to i32
      %cond3A_489 = arith.constant 0 : i32
      %cond3A_490 = arith.cmpi ne, %convert_element_type3A_488, %cond3A_489 : i32
      scf.if %cond3A_490 {
        %dma_start3A_491 = arith.constant 1 : i32
        %dma_start3A_492 = arith.constant 0 : i32
        %dma_start3A_493 = tpu.memref_slice %arg7[%dma_start3A_491, %dma_start3A_492] : memref<8x128xi32, #tpu.memory_space<vmem>> -> memref<1x128xi32, #tpu.memory_space<vmem>>
        %dma_start3A_494 = tpu.memref_squeeze %dma_start3A_493 : memref<1x128xi32, #tpu.memory_space<vmem>> -> memref<128xi32, #tpu.memory_space<vmem>>
        %dma_start3A_495 = arith.constant 0 : i32
        %dma_start3A_496 = arith.constant 0 : i32
        %dma_start3A_497 = tpu.memref_slice %arg2[%dma_start3A_495, %dma_start3A_496] : memref<40000x128xf32, #tpu.memory_space<hbm>> -> memref<40000x128xf32, #tpu.memory_space<hbm>>
        tpu.enqueue_indirect_dma source(%dma_start3A_497 : memref<40000x128xf32, #tpu.memory_space<hbm>>) target(%arg12 : memref<128x128xf32, #tpu.memory_space<vmem>>) offsets(%dma_start3A_494 : memref<128xi32, #tpu.memory_space<vmem>>) semaphore(%arg14 : memref<!tpu.dma_semaphore, #tpu.memory_space<semaphore_mem>>)
      } else {
      }
    }
    %scan3A_173 = arith.constant 10 : i32
    %barrier3A_174 = arith.constant 0 : index
    tpu.barrier barrier_id(%barrier3A_174)
    %lt3A_175 = arith.constant 15 : i32
    %lt3A_176 = arith.cmpi slt, %arg1, %lt3A_175 : i32
    %convert_element_type3A_177 = arith.extui %lt3A_176 : i1 to i32
    %cond3A_178 = arith.constant 0 : i32
    %cond3A_179 = arith.cmpi ne, %convert_element_type3A_177, %cond3A_178 : i32
    scf.if %cond3A_179 {
      %mul3A_186 = arith.constant 632 : i32
      %mul3A_187 = arith.muli %arg1, %mul3A_186 : i32
      %mul3A_188 = arith.constant 10000 : i32
      %mul3A_189 = arith.muli %add3A_89, %mul3A_188 : i32
      %mul3A_190 = arith.constant 632 : i32
      %mul3A_191 = arith.muli %arg1, %mul3A_190 : i32
      %add3A_192 = arith.addi %mul3A_189, %mul3A_191 : i32
      "tpu.region"() ({
        %run_scoped3A = tpu.sem_alloc : memref<!tpu.dma_semaphore, #tpu.memory_space<semaphore_mem>>
        %dma_start3A_193 = arith.constant 0 : i32
        %dma_start3A_194 = tpu.memref_slice %arg6[%add3A_192, %dma_start3A_193] : memref<40000x128xf32, #tpu.memory_space<hbm>> -> memref<632x128xf32, #tpu.memory_space<hbm>>
        %dma_start3A_195 = arith.constant 0 : i32
        %dma_start3A_196 = tpu.memref_slice %arg17[%mul3A_187, %dma_start3A_195] : memref<10008x128xf32, #tpu.memory_space<vmem_shared>> -> memref<632x128xf32, #tpu.memory_space<vmem_shared>>
        tpu.enqueue_dma source(%dma_start3A_196 : memref<632x128xf32, #tpu.memory_space<vmem_shared>>) target(%dma_start3A_194 : memref<632x128xf32, #tpu.memory_space<hbm>>) target_semaphore(%run_scoped3A : memref<!tpu.dma_semaphore, #tpu.memory_space<semaphore_mem>>)
        %dma_wait3A_197 = arith.constant 0 : i32
        %dma_wait3A_198 = tpu.memref_slice %arg6[%add3A_192, %dma_wait3A_197] : memref<40000x128xf32, #tpu.memory_space<hbm>> -> memref<632x128xf32, #tpu.memory_space<hbm>>
        %dma_wait3A_199 = arith.constant 0 : i32
        %dma_wait3A_200 = tpu.memref_slice %arg17[%mul3A_187, %dma_wait3A_199] : memref<10008x128xf32, #tpu.memory_space<vmem_shared>> -> memref<632x128xf32, #tpu.memory_space<vmem_shared>>
        tpu.wait_dma2 semaphore(%run_scoped3A : memref<!tpu.dma_semaphore, #tpu.memory_space<semaphore_mem>>) src(%dma_wait3A_200 : memref<632x128xf32, #tpu.memory_space<vmem_shared>>) dst(%dma_wait3A_198 : memref<632x128xf32, #tpu.memory_space<hbm>>)
        tpu.yield
      }) : () -> ()
    } else {
    }
    %eq3A_180 = arith.constant 15 : i32
    %eq3A_181 = arith.cmpi eq, %arg1, %eq3A_180 : i32
    %convert_element_type3A_182 = arith.extui %eq3A_181 : i1 to i32
    %cond3A_183 = arith.constant 0 : i32
    %cond3A_184 = arith.cmpi ne, %convert_element_type3A_182, %cond3A_183 : i32
    scf.if %cond3A_184 {
      %mul3A_186 = arith.constant 10000 : i32
      %mul3A_187 = arith.muli %add3A_89, %mul3A_186 : i32
      %add3A_188 = arith.constant 9480 : i32
      %add3A_189 = arith.addi %mul3A_187, %add3A_188 : i32
      "tpu.region"() ({
        %run_scoped3A = tpu.sem_alloc : memref<!tpu.dma_semaphore, #tpu.memory_space<semaphore_mem>>
        %dma_start3A_190 = arith.constant 0 : i32
        %dma_start3A_191 = tpu.memref_slice %arg6[%add3A_189, %dma_start3A_190] : memref<40000x128xf32, #tpu.memory_space<hbm>> -> memref<520x128xf32, #tpu.memory_space<hbm>>
        %dma_start3A_192 = arith.constant 9480 : i32
        %dma_start3A_193 = arith.constant 0 : i32
        %dma_start3A_194 = tpu.memref_slice %arg17[%dma_start3A_192, %dma_start3A_193] : memref<10008x128xf32, #tpu.memory_space<vmem_shared>> -> memref<520x128xf32, #tpu.memory_space<vmem_shared>>
        tpu.enqueue_dma source(%dma_start3A_194 : memref<520x128xf32, #tpu.memory_space<vmem_shared>>) target(%dma_start3A_191 : memref<520x128xf32, #tpu.memory_space<hbm>>) target_semaphore(%run_scoped3A : memref<!tpu.dma_semaphore, #tpu.memory_space<semaphore_mem>>)
        %dma_wait3A_195 = arith.constant 0 : i32
        %dma_wait3A_196 = tpu.memref_slice %arg6[%add3A_189, %dma_wait3A_195] : memref<40000x128xf32, #tpu.memory_space<hbm>> -> memref<520x128xf32, #tpu.memory_space<hbm>>
        %dma_wait3A_197 = arith.constant 9480 : i32
        %dma_wait3A_198 = arith.constant 0 : i32
        %dma_wait3A_199 = tpu.memref_slice %arg17[%dma_wait3A_197, %dma_wait3A_198] : memref<10008x128xf32, #tpu.memory_space<vmem_shared>> -> memref<520x128xf32, #tpu.memory_space<vmem_shared>>
        tpu.wait_dma2 semaphore(%run_scoped3A : memref<!tpu.dma_semaphore, #tpu.memory_space<semaphore_mem>>) src(%dma_wait3A_199 : memref<520x128xf32, #tpu.memory_space<vmem_shared>>) dst(%dma_wait3A_196 : memref<520x128xf32, #tpu.memory_space<hbm>>)
        tpu.yield
      }) : () -> ()
    } else {
    }
    %barrier3A_185 = arith.constant 0 : index
    tpu.barrier barrier_id(%barrier3A_185)
    return
  }
}

module attributes {stable_mosaic.version = 14 : i64} {
  func.func @_combine_body(%arg0: i32, %arg1: memref<2000x128xf32, #tpu.memory_space<vmem>>, %arg2: memref<2000x128xf32, #tpu.memory_space<vmem>>, %arg3: memref<128x128xf32, #tpu.memory_space<vmem>>, %arg4: memref<128x128xf32, #tpu.memory_space<vmem>>, %arg5: memref<1x128xf32, #tpu.memory_space<vmem>>, %arg6: memref<2000x128xf32, #tpu.memory_space<vmem>>) attributes {dimension_semantics = [#tpu.dimension_semantics<arbitrary>], iteration_bounds = array<i64: 20>, scalar_prefetch = 0 : i64, scratch_operands = 0 : i64, tpu.core_type = #tpu.core_type<tc>, window_params = [{transform_indices = @transform_0, window_bounds = array<i64: 2000, 128>}, {transform_indices = @transform_1, window_bounds = array<i64: 2000, 128>}, {pipeline_mode = #tpu.pipeline_mode<synchronous>, transform_indices = @transform_2, window_bounds = array<i64: 128, 128>}, {pipeline_mode = #tpu.pipeline_mode<synchronous>, transform_indices = @transform_3, window_bounds = array<i64: 128, 128>}, {pipeline_mode = #tpu.pipeline_mode<synchronous>, transform_indices = @transform_4, window_bounds = array<i64: 1, 128>}, {transform_indices = @transform_5, window_bounds = array<i64: 2000, 128>}]} {
    %get3A = arith.constant 0 : index
    %get3A_0 = arith.constant 0 : index
    %get3A_1 = vector.load %arg1[%get3A, %get3A_0] : memref<2000x128xf32, #tpu.memory_space<vmem>>, vector<2000x128xf32>
    %get3A_2 = arith.constant 0 : index
    %get3A_3 = arith.constant 0 : index
    %get3A_4 = vector.load %arg3[%get3A_2, %get3A_3] : memref<128x128xf32, #tpu.memory_space<vmem>>, vector<128x128xf32>
    %dot_general3A = arith.constant dense<0.000000e+00> : vector<2000x128xf32>
    %dot_general3A_5 = tpu.matmul %get3A_1, %get3A_4, %dot_general3A {dimension_numbers = #tpu.dot_dimension_numbers<[1], [0], [0], [1], [0, 0, 1, 1], [], []>, transpose_lhs_hint = false} : vector<2000x128xf32>, vector<128x128xf32>, vector<2000x128xf32> -> vector<2000x128xf32>
    %get3A_6 = arith.constant 0 : index
    %get3A_7 = arith.constant 0 : index
    %get3A_8 = vector.load %arg2[%get3A_6, %get3A_7] : memref<2000x128xf32, #tpu.memory_space<vmem>>, vector<2000x128xf32>
    %get3A_9 = arith.constant 0 : index
    %get3A_10 = arith.constant 0 : index
    %get3A_11 = vector.load %arg4[%get3A_9, %get3A_10] : memref<128x128xf32, #tpu.memory_space<vmem>>, vector<128x128xf32>
    %dot_general3A_12 = arith.constant dense<0.000000e+00> : vector<2000x128xf32>
    %dot_general3A_13 = tpu.matmul %get3A_8, %get3A_11, %dot_general3A_12 {dimension_numbers = #tpu.dot_dimension_numbers<[1], [0], [0], [1], [0, 0, 1, 1], [], []>, transpose_lhs_hint = false} : vector<2000x128xf32>, vector<128x128xf32>, vector<2000x128xf32> -> vector<2000x128xf32>
    %add3A = arith.addf %dot_general3A_5, %dot_general3A_13 : vector<2000x128xf32>
    %get3A_14 = arith.constant 0 : index
    %get3A_15 = arith.constant 0 : index
    %get3A_16 = vector.load %arg5[%get3A_14, %get3A_15] : memref<1x128xf32, #tpu.memory_space<vmem>>, vector<1x128xf32>
    %add3A_17 = vector.broadcast %get3A_16 : vector<1x128xf32> to vector<2000x128xf32>
    %add3A_18 = arith.addf %add3A, %add3A_17 : vector<2000x128xf32>
    %max3A = arith.constant 0.000000e+00 : f32
    %max3A_19 = vector.broadcast %max3A : f32 to vector<2000x128xf32>
    %max3A_20 = arith.maximumf %add3A_18, %max3A_19 : vector<2000x128xf32>
    %swap3A = arith.constant 0 : index
    %swap3A_21 = arith.constant 0 : index
    %swap3A_22 = vector.load %arg6[%swap3A, %swap3A_21] : memref<2000x128xf32, #tpu.memory_space<vmem>>, vector<2000x128xf32>
    tpu.vector_store %arg6[%swap3A, %swap3A_21], %max3A_20 {strides = array<i32>} : memref<2000x128xf32, #tpu.memory_space<vmem>>, vector<2000x128xf32>,
    return
  }
  func.func @transform_0(%arg0: i32) -> (i32, i32) {
    %c0_i32 = arith.constant 0 : i32
    %c0_i32_0 = arith.constant 0 : i32
    return %arg0, %c0_i32 : i32, i32
  }
  func.func @transform_1(%arg0: i32) -> (i32, i32) {
    %c0_i32 = arith.constant 0 : i32
    %c0_i32_0 = arith.constant 0 : i32
    return %arg0, %c0_i32 : i32, i32
  }
  func.func @transform_2(%arg0: i32) -> (i32, i32) {
    %c0_i32 = arith.constant 0 : i32
    %c0_i32_0 = arith.constant 0 : i32
    %c0_i32_1 = arith.constant 0 : i32
    return %c0_i32, %c0_i32_0 : i32, i32
  }
  func.func @transform_3(%arg0: i32) -> (i32, i32) {
    %c0_i32 = arith.constant 0 : i32
    %c0_i32_0 = arith.constant 0 : i32
    %c0_i32_1 = arith.constant 0 : i32
    return %c0_i32, %c0_i32_0 : i32, i32
  }
  func.func @transform_4(%arg0: i32) -> (i32, i32) {
    %c0_i32 = arith.constant 0 : i32
    %c0_i32_0 = arith.constant 0 : i32
    %c0_i32_1 = arith.constant 0 : i32
    return %c0_i32, %c0_i32_0 : i32, i32
  }
  func.func @transform_5(%arg0: i32) -> (i32, i32) {
    %c0_i32 = arith.constant 0 : i32
    %c0_i32_0 = arith.constant 0 : i32
    return %arg0, %c0_i32 : i32, i32
  }
}

</mosaic_0001>

<sc_bundles>
// kernel: kernel.4.cloned.1.call-start
scs
__scs_entry_jumppad:
0x0: {  	(pc) =	sbr.rel $0x88, $3  }
0x1: {  	(tag) =	ssettag $0x0;
	lr =	simm.s32 $0x1  }
0x2: {  	[smem:$0x3F9B] =	sst lr;
	_ =	strace $0xD0000000  }
0x3: {  	_ = 	snop  }
0x4: {  	_ = 	snop  }
0x5: {  	_ = 	snop  }
0x6: {  	_ = 	snop  }
0x7: {  	_ = 	snop  }
__scs_overlays_trampoline_lowered:
0x8: {  	[smem:$0x3FAA] =	sst s0  }
0x9: {  	[smem:$0x3FAB] =	sst s1  }
0xa: {  	[smem:$0x3FAC] =	sst s2  }
0xb: {  	[smem:$0x3FAD] =	sst s3  }
0xc: {  	[smem:$0x3FAE] =	sst s4  }
0xd: {  	[smem:$0x3FAF] =	sst s5  }
0xe: {  	[smem:$0x3FB0] =	sst s6  }
0xf: {  	[smem:$0x3FB1] =	sst s7  }
0x10: {  	[smem:$0x3FB2] =	sst s8  }
0x11: {  	[smem:$0x3FB3] =	sst s9;
	s0 =	simm.s32 @!p0 $0x0  }
0x12: {  	s1 =	sld [smem:$0x3F99];
	s0 =	simm.s32 @p0 $0x1  }
0x13: {  	[smem:$0x3FB4] =	sst s0;
	s0 =	simm.s32 @!p1 $0x0  }
0x14: {  	s2 =	sld [smem:$0x3F98];
	s0 =	simm.s32 @p1 $0x1  }
0x15: {  	[smem:$0x3FB5] =	sst s0;
	s0 =	simm.s32 @!p2 $0x0  }
0x16: {  	s3 =	sld [smem:$0x3FDB];
	s0 =	simm.s32 @p2 $0x1  }
0x17: {  	s4 =	simm.s32 $0x1BF5;
	[smem:$0x3FB7] =	sst s0  }
0x18: {  	s0 =	sld [smem:$0x3F9A];
	_ =	swait.ge [sflag:s4], $0x0  }
0x19: {  	s7 =	sld [smem:$0x3F9B]  }
0x1a: {  	s8 =	sadd.s32 $0xFFFFE003, lr  }
0x1b: {  	s9 =	sadd.s32 $0xFFFFFEF7, lr;
	s5 =	simm.s32 $0xFFFFFFFF;
	p2 =	slt.u32 s8, $0xFFFFF086  }
0x1c: {  	p1 =	slt.u32 s9, $0xF7A;
	s5 =	simm.s32 @!p2 $0x0  }
0x1d: {  	s5 =	simm.s32 @p1 $0x1;
	p0 =	seq.s32 s7, s2  }
0x1e: {  	s7 =	smul.u32 @!p0 $0xF7A, s2;
	p2 =	seq.s32 @!p0 s5, $0x0  }
0x1f: {  	s9 =	smul.u32 $0xF7A, s1;
	s8 =	simm.s32 @!p0 $0x1BF5;
	p2 =	por !p2, p0  }
0x20: {  	[sflag:s8] =	ssyncset.s32 @!p0 $0xFFFFF086;
	s6 =	sadd.s32 @!p0 s3, s7;
	s7 =	simm.s32 @!p0 $0x108  }
0x21: {  	s3 =	sadd.s32 s3, s9;
	s6 =	sadd.s32 @!p0 $0x88, s6;
	s7 =	simm.s32 @p2 $0x1082  }
0x22: {  	[simem:s7], [sflag:s8] =	dma.local @!p0 [hbm:s6], $0xF7A  }
0x23: {  	s9 =	sor.u32 $0xD0000000, s2;
	s6 =	simm.s32 $0x108;
	_ =	swait.ge @!p0 [sflag:s8], $0x0  }
0x24: {  	s3 =	sadd.s32 $0x88, s3;
	s6 =	simm.s32 @!p1 $0x1082;
	[sflag:s4] =	ssyncset.s32 $0xFFFFF086  }
0x25: {  	[simem:s6], [sflag:s4] =	dma.local [hbm:s3], $0xF7A  }
0x26: {  	[smem:$0x3F9B] =	sst s1;
	(tag) =	ssettag s2;
	_ =	strace s9  }
0x27: {  	s1 =	sld [smem:$0x3FAB]  }
0x28: {  	s2 =	sld [smem:$0x3FAC]  }
0x29: {  	s4 =	sld [smem:$0x3FAE]  }
0x2a: {  	p0 =	seq.s32 s5, $0x0;
	s5 =	sld [smem:$0x3FAF]  }
0x2b: {  	s6 =	sld [smem:$0x3FB0]  }
0x2c: {  	s7 =	sld [smem:$0x3FB1]  }
0x2d: {  	s3 =	simm.s32 $0x108;
	s8 =	sld [smem:$0x3FB2]  }
0x2e: {  	s3 =	simm.s32 @!p0 $0x1082;
	s9 =	sld [smem:$0x3FB3]  }
0x2f: {  	lr =	sadd.s32 s0, s3;
	s0 =	sld [smem:$0x3FAA]  }
0x30: {  	s3 =	sld [smem:$0x3FAD]  }
0x31: {  	[smem:$0x3FB6] =	sst s10  }
0x32: {  	s10 =	sld [smem:$0x3FB4];
	_ =	sdelay $0x3  }
0x33: {  	p0 =	seq.s32 s10, $0x1;
	s10 =	sld [smem:$0x3FB6];
	_ =	sdelay $0x3  }
0x34: {  	[smem:$0x3FB6] =	sst s10  }
0x35: {  	s10 =	sld [smem:$0x3FB5];
	_ =	sdelay $0x3  }
0x36: {  	p1 =	seq.s32 s10, $0x1;
	s10 =	sld [smem:$0x3FB6];
	_ =	sdelay $0x3  }
0x37: {  	[smem:$0x3FB6] =	sst s10  }
0x38: {  	s10 =	sld [smem:$0x3FB7]  }
0x39: {  	_ = 	snop;
	(pc) =	sbr.ind lr, $3  }
0x3a: {  	_ = 	snop  }
0x3b: {  	_ = 	snop  }
0x3c: {  	p2 =	seq.s32 s10, $0x1;
	s10 =	sld [smem:$0x3FB6]  }
0x3d: {  	_ =	shalt  }
0x3e: {  	_ =	shalt  }
0x3f: {  	_ =	shalt  }
0x40: {  	_ =	shalt  }
0x41: {  	_ =	shalt  }
0x42: {  	_ =	shalt  }
0x43: {  	_ =	shalt  }
0x44: {  	_ =	shalt  }
0x45: {  	_ =	shalt  }
0x46: {  	_ =	shalt  }
0x47: {  	_ =	shalt  }
0x48: {  	_ =	shalt  }
0x49: {  	_ =	shalt  }
0x4a: {  	_ =	shalt  }
0x4b: {  	_ =	shalt  }
0x4c: {  	_ =	shalt  }
0x4d: {  	_ =	shalt  }
0x4e: {  	_ =	shalt  }
0x4f: {  	_ =	shalt  }
0x50: {  	_ =	shalt  }
0x51: {  	_ =	shalt  }
0x52: {  	_ =	shalt  }
0x53: {  	_ =	shalt  }
0x54: {  	_ =	shalt  }
0x55: {  	_ =	shalt  }
0x56: {  	_ =	shalt  }
0x57: {  	_ =	shalt  }
0x58: {  	_ =	shalt  }
0x59: {  	_ =	shalt  }
0x5a: {  	_ =	shalt  }
0x5b: {  	_ =	shalt  }
0x5c: {  	_ =	shalt  }
0x5d: {  	_ =	shalt  }
0x5e: {  	_ =	shalt  }
0x5f: {  	_ =	shalt  }
0x60: {  	_ =	shalt  }
0x61: {  	_ =	shalt  }
0x62: {  	_ =	shalt  }
0x63: {  	_ =	shalt  }
0x64: {  	_ =	shalt  }
0x65: {  	_ =	shalt  }
0x66: {  	_ =	shalt  }
0x67: {  	_ =	shalt  }
0x68: {  	_ =	shalt  }
0x69: {  	_ =	shalt  }
0x6a: {  	_ =	shalt  }
0x6b: {  	_ =	shalt  }
0x6c: {  	_ =	shalt  }
0x6d: {  	_ =	shalt  }
0x6e: {  	_ =	shalt  }
0x6f: {  	_ =	shalt  }
0x70: {  	_ =	shalt  }
0x71: {  	_ =	shalt  }
0x72: {  	_ =	shalt  }
0x73: {  	_ =	shalt  }
0x74: {  	_ =	shalt  }
0x75: {  	_ =	shalt  }
0x76: {  	_ =	shalt  }
0x77: {  	_ =	shalt  }
0x78: {  	_ =	shalt  }
0x79: {  	_ =	shalt  }
0x7a: {  	_ =	shalt  }
0x7b: {  	_ =	shalt  }
0x7c: {  	_ =	shalt  }
0x7d: {  	_ =	shalt  }
0x7e: {  	_ =	shalt  }
0x7f: {  	_ =	shalt  }
0x80: {  	_ =	shalt  }
0x81: {  	_ =	shalt  }
0x82: {  	_ =	shalt  }
0x83: {  	_ =	shalt  }
0x84: {  	_ =	shalt  }
0x85: {  	_ =	shalt  }
0x86: {  	_ =	shalt  }
0x87: {  	_ =	shalt  }
.Lfunc_end0:
.L_simem_size_0:
called_computation_lowered:
.L_overlay_start_0:
0x88: {  	s2 =	sld [smem:$0x3FD9]  }
0x89: {  	s3 =	sld [smem:$0x3FFE];
	_ =	sdelay $0x1  }
0x8a: {  	s1 =	srdreg.scid  }
0x8b: {  	s0 =	sand.u32 $0x1, s1  }
0x8c: {  	s17 =	sshll.u32 s0, $0xA;
	s2 =	sadd.s32 s3, s2  }
0x8d: {  	s2 =	sadd.s32 s2, s17  }
0x8e: {  	[smem:$0x3FC2] =	sst s2  }
0x8f: {  	_ = 	snop  }
0x90: {  	s2 =	sld [smem:$0x3FC9]  }
0x91: {  	s18 =	sld [smem:$0x3FD0];
	(tm) =	ssettm $0x1  }
0x92: {  	s4 =	sld [smem:$0x3FFB];
	_ =	sdelay $0x3  }
0x93: {  	_ =	strace s4  }
0x94: {  	s4 =	sld [smem:$0x3FFC];
	_ =	sdelay $0x3  }
0x95: {  	_ =	strace s4  }
0x96: {  	s4 =	sld [smem:$0x3FFD];
	_ =	sdelay $0x3  }
0x97: {  	_ =	strace s4  }
0x98: {  	_ =	strace $0x8FFFFFFF  }
0x99: {  	s19 =	sld [smem:$0x3FDB];
	_ =	sdelay $0x1  }
0x9a: {  	s5 =	simm.s32 $_scs_section_size  }
0x9b: {  	s6 =	simm.s32 $_size__tile_overlayer_lowered;
	s7 =	simm.s32 $_tile_overlayer_lowered  }
0x9c: {  	s22 =	simm.s32 $0x1BFF;
	s21 =	sshll.u32 s7, $0x1;
	s4 =	sadd.s32 s5, s19  }
0x9d: {  	s8 =	simm.s32 $0x0;
	s20 =	sshll.u32 s6, $0x1;
	s6 =	sadd.s32 s21, s4  }
0x9e: {  	[timem:s8], [sflag:s22] =	dma.local [hbm:s6], s20  }
0x9f: {  	_ =	swait.ge [sflag:s22], s20  }
0xa0: {  	s5 =	ssub.s32 $0x0, s20;
	[sflag:s22] =	ssyncset.done $0x0  }
0xa1: {  	[sflag:s22] =	ssyncadd.s32 s5;
	_ =	sdelay $0x1  }
0xa2: {  	s23 =	simm.s32 $0x1B8B  }
0xa3: {  	_ =	swait.ge [sflag:s23], $0x1  }
0xa4: {  	[sflag:s23] =	ssyncset.done $0x0  }
0xa5: {  	s25 =	simm.s32 $0x1B8E;
	s24 =	sld [smem:$0x3FFE];
	[sflag:s23] =	ssyncadd.s32 $0xFFFFFFFF  }
0xa6: {  	s26 =	simm.s32 $execute0_lowered;
	[smem:$0x3FD2] =	sst s25  }
0xa7: {  	s6 =	sshll.u32 s26, $0x1;
	_ =	strace $0x80000046;
	[dreg:$0x1] =	wrdreg $0xFFFFFFFF  }
0xa8: {  	s28 =	simm.s32 $_size_execute0_lowered;
	s4 =	sadd.s32 s4, s6;
	[dreg:$0x0] =	wrdreg $0x0  }
0xa9: {  	s6 =	sshll.u32 s28, $0x1;
	[dreg:$0x2] =	wrdreg s4  }
0xaa: {  	[dreg:$0x3] =	wrdreg s6  }
0xab: {  	[dreg:$0x4] =	wrdreg $0xC0  }
0xac: {  	_ =	task [dreg:s8], $0x5FFFF  }
0xad: {  	[dreg:$0x1] =	wrdreg $0xFFFFFFFF  }
0xae: {  	[dreg:$0x0] =	wrdreg $0x60  }
0xaf: {  	[dreg:$0x2] =	wrdreg s2  }
0xb0: {  	[dreg:$0x3] =	wrdreg s18  }
0xb1: {  	[dreg:$0x4] =	wrdreg s24  }
0xb2: {  	[dreg:$0x5] =	wrdreg $0x90000  }
0xb3: {  	[dreg:$0x6] =	wrdreg $0x9  }
0xb4: {  	_ =	task.clear_ibuf [dreg:s8], $0x7FFFF;
	_ =	strace $0x90000046  }
0xb5: {  	s29 =	simm.s32 $0x9;
	_ =	strace $0x80000048  }
0xb6: {  	_ =	swait.ge [sflag:s29], $0x1  }
0xb7: {  	[sflag:s29] =	ssyncadd.s32 $0xFFFFFFFF  }
0xb8: {  	_ =	strace $0x90000048  }
0xb9: {  	_ =	sfence  }
0xba: {  	s30 =	sld [smem:$0x0];
	_ =	sdelay $0x2  }
0xbb: {  	s31 =	sshll.u32 s1, $0xD;
	s1 =	sshrl.u32 s1, $0x2  }
0xbc: {  	s3 =	sand.u32 $0x4000, s31;
	s1 =	sadd.s32 s1, s30  }
0xbd: {  	s0 =	sor.u32 s3, s0;
	s1 =	sshll.u32 s1, $0x11  }
0xbe: {  	s0 =	sor.u32 s1, s0  }
0xbf: {  	s0 =	sadd.s32 $0x8F2B, s0  }
0xc0: {  	[sflag:s0] =	ssyncadd.remote.s32 $0x1  }
0xc1: {  	_ =	sfence.sel $0xFFFF  }
0xc2: {  	[dreg:$0x0] =	wrdreg $0xFFFFFFFF;
	(pc) =	sbr.abs _section_cstart, $3  }
0xc3: {  	[dreg:$0x1] =	wrdreg $0xFFFFFFFF  }
0xc4: {  	_ =	task.clear_ibuf [dreg:s8], $0x2FFFF;
	_ =	strace $0x9FFFFFFF  }
0xc5: {  	(tm) =	ssettm $0x7FFFFFFF  }
tec
execute0_lowered:
.L_overlay_start_1:
0x0: {  	(tag) =	ssettag $0x1  }
0x1: {  	s1 =	rddreg [dreg:$0x0]  }
0x2: {  	s0 =	rddreg [dreg:$0x1]  }
0x3: {  	s2 =	rddreg [dreg:$0x2]  }
0x4: {  	s3 =	rddreg [dreg:$0x3];
	s4 =	simm.s32 $0x0;
	s16 =	stileid.u32  }
0x5: {  	s5 =	srdreg.scid;
	s28 =	simm.s32 $0x1;
	s29 =	simm.s32 $0x5  }
0x6: {  	s31 =	simm.s32 $0x2;
	s30 =	simm.s32 $0x980;
	s6 =	smul.u32 $0xA00, s16  }
0x7: {  	[smem:$0x7FF] =	sst s4;
	s5 =	sand.u32 $0x1, s5;
	s8 =	smul.u32 $0x14, s16  }
0x8: {  	s9 =	sadd.s32 $0xBA00, s2;
	s11 =	smul.u32 $0x4F000, s16;
	s26 =	sadd.s32 $0x128400, s3  }
0x9: {  	s13 =	smul.u32 $0x2780, s16;
	p0 =	seq.s32 s16, $0xF;
	_ =	strace $0x80000047  }
0xa: {  	s7 =	sshll.u32 s5, $0x4;
	[dreg:$0x5] =	wrdreg s9;
	s22 =	smul.u32 $0x27100, s5  }
0xb: {  	s21 =	ssub.s32 $0x2, s5;
	s12 =	sor.u32 $0x2, s5;
	s14 =	smul.u32 $0x138800, s5  }
0xc: {  	[dreg:$0x8] =	wrdreg s26;
	s5 =	smul.u32 $0x140, s5;
	s6 =	sadd.s32 s6, s2  }
0xd: {  	s7 =	sor.u32 s16, s7;
	s2 =	sadd.s32 $0xE200, s2;
	s17 =	smul.u32 $0x138800, s12  }
0xe: {  	s10 =	sshrl.u32 s21, $0x1;
	s23 =	sshll.u32 s12, $0x4;
	s19 =	smul.u32 $0x27100, s12  }
0xf: {  	s11 =	sshrl.u32 s11, $0x2;
	s12 =	simm.s32 $0xF00;
	s7 =	smul.u32 $0xA00, s7  }
0x10: {  	s9 =	ssub.s32 s21, s10;
	s15 =	sor.u32 s16, s23;
	s24 =	sadd.s32 s11, s3  }
0x11: {  	s10 =	sadd.s32 s13, s22;
	s5 =	sadd.s32 s8, s5;
	s8 =	simm.s32 $0xA80  }
0x12: {  	[dreg:$0x7] =	wrdreg s24;
	s25 =	smul.u32 $0xA00, s15;
	s15 =	sshrl.u32 s14, $0x3  }
0x13: {  	s10 =	sadd.s32 s2, s10;
	s20 =	sshrl.u32 s17, $0x3;
	s21 =	sadd.s32 s13, s19  }
0x14: {  	s5 =	sshll.u32 s5, $0x7;
	s23 =	smax.u32 s9, $0x1;
	s19 =	simm.s32 $0xC80  }
0x15: {  	s9 =	simm.s32 $0xB00;
	s13 =	simm.s32 $0xF80;
	s14 =	simm.s32 $0x0  }
0x16: {  	s7 =	sadd.s32 s0, s7;
	s11 =	sadd.s32 s2, s15;
	[dreg:$0x9] =	wrdreg s10  }
0x17: {  	[dreg:$0xe] =	wrdreg s23;
	s23 =	simm.s32 $0x1000;
	s15 =	simm.s32 $0x4  }
0x18: {  	s10 =	simm.s32 $0xE80;
	[dreg:$0x6] =	wrdreg s7;
	s18 =	sadd.s32 $0x25080, s11  }
0x19: {  	s7 =	sadd.s32 $0x1A00, s6;
	s6 =	sadd.s32 s0, s25;
	[dreg:$0xa] =	wrdreg s18  }
0x1a: {  	s0 =	sadd.s32 s5, s0;
	s11 =	simm.s32 $0xB80;
	[dreg:$0xb] =	wrdreg s6  }
0x1b: {  	s6 =	sadd.s32 s2, s20;
	s2 =	sadd.s32 s2, s21;
	s24 =	sadd.s32 $0x80, s0  }
0x1c: {  	s25 =	sadd.s32 $0x100, s0;
	s26 =	sadd.s32 $0x14080, s0;
	[dreg:$0xc] =	wrdreg s2  }
0x1d: {  	s0 =	sadd.s32 $0x14100, s0;
	s21 =	simm.s32 $0x3;
	[dreg:$0xf] =	wrdreg s24  }
.Ltmp0:
0x1e: {  	s18 =	simm.s32 $0x900;
	[dreg:$0x10] =	wrdreg s25;
	(pc) =	sbr.rel .LBB2_1-.Ltmp0, $4  }
0x1f: {  	s20 =	simm.s32 $0xE00;
	s22 =	sadd.s32 $0x25080, s6;
	[dreg:$0x11] =	wrdreg s26  }
0x20: {  	[dreg:$0x12] =	wrdreg s0;
	s24 =	simm.s32 $0x5000;
	s25 =	simm.s32 $0x800  }
0x21: {  	s26 =	simm.s32 $0xC00;
	s0 =	simm.s32 $0xD00;
	s2 =	simm.s32 $0xA00  }
0x22: {  	s6 =	simm.s32 $0xD80;
	[dreg:$0xd] =	wrdreg s22;
	s22 =	simm.s32 $0x80  }
.LBB2_7:
0x23: {  	_ =	swait.ge [sflag:s31], $0x4000  }
0x24: {  	[sflag:s31] =	ssyncset.done $0x0  }
0x25: {  	[sflag:s31] =	ssyncadd.s32 $0xFFFFC000  }
0x26: {  	[spmem:s3] =	stream.indirect.scatter.add.f32 [tilespmem:s24], [sflag:$0x5], $0x80, s13, s22, $0xb8;
	[tilespmem:$0x1C8C0] =	vst v63  }
0x27: {  	_ =	swait.ge [sflag:s29], $0x4000  }
0x28: {  	[sflag:s29] =	ssyncset.done $0x0  }
0x29: {  	[sflag:s29] =	ssyncadd.s32 $0xFFFFC000  }
0x2a: {  	[bflag:$0x0] =	sbarrier.arrive $0xFFFF  }
0x2b: {  	s14 =	rddreg [dreg:$0xd]  }
0x2c: {  	s5 =	simm.s32 @p0 $0x1FC5;
	s16 =	rddreg [dreg:$0x14]  }
0x2d: {  	[hbm:s14], [sflag:s5] =	dma.local @p0 [spmem:s16], $0x2080  }
0x2e: {  	s5 =	simm.s32 @p0 $0x5  }
0x2f: {  	_ =	swait.ge @p0 [sflag:s5], $0x2080  }
0x30: {  	s14 =	rddreg [dreg:$0x15]  }
0x31: {  	[sflag:s5] =	ssyncset.done @p0 $0x0;
	s16 =	rddreg [dreg:$0x16]  }
0x32: {  	[sflag:s5] =	ssyncadd.s32 @p0 $0xFFFFDF80;
	s5 =	rddreg [dreg:$0xc]  }
0x33: {  	[hbm:s5], [sflag:s14] =	dma.local @!p0 [spmem:s16], $0x2780  }
0x34: {  	s5 =	simm.s32 @!p0 $0x5  }
0x35: {  	_ =	swait.ge @!p0 [sflag:s5], $0x2780  }
0x36: {  	s16 =	rddreg [dreg:$0x13]  }
0x37: {  	s17 =	rddreg [dreg:$0xe];
	s14 =	sadd.s32 $0x1, s16  }
0x38: {  	p1 =	sne.s32 s14, s17  }
.Ltmp1:
0x39: {  	_ = 	snop;
	(pc) =	sbr.rel @!p1 .LBB2_8-.Ltmp1, $3  }
0x3a: {  	[sflag:s5] =	ssyncset.done @!p0 $0x0  }
0x3b: {  	[sflag:s5] =	ssyncadd.s32 @!p0 $0xFFFFD880  }
0x3c: {  	[bflag:$0x0] =	sbarrier.arrive $0xFFFF;
	_ =	sdelay $0x1  }
.LBB2_1:
0x3d: {  	s5 =	rddreg [dreg:$0x6]  }
0x3e: {  	[tilespmem:s4], [sflag:$0x3] =	stream.linear.gather [hbm4b:s5+s4], $0x400, $0x38;
	[tilespmem:$0x1C8C0] =	vst v63  }
0x3f: {  	[dreg:$0x13] =	wrdreg s14;
	s17 =	simm.s32 $0x400  }
0x40: {  	[tilespmem:s17], [sflag:$0x3] =	stream.linear.gather [hbm4b:s7+s4], $0x400, $0x38;
	[tilespmem:$0x1C8C0] =	vst v63  }
0x41: {  	_ =	swait.ge [sflag:s21], $0x400  }
0x42: {  	[sflag:s21] =	ssyncset.done $0x0  }
0x43: {  	[sflag:s21] =	ssyncadd.s32 $0xFFFFFC00  }
0x44: {  	_ =	swait.ge [sflag:s21], $0x400  }
0x45: {  	[sflag:s21] =	ssyncset.done $0x0;
	s5 =	rddreg [dreg:$0x8]  }
0x46: {  	s16 =	rddreg [dreg:$0x5];
	[sflag:s21] =	ssyncadd.s32 $0xFFFFFC00;
	s5 =	sshrl.u32 @p0 s5, $0x3  }
0x47: {  	[tilespmem:s23], [sflag:$0x1] =	stream.indirect.gather [hbm4b:s1+s22], $0x80, s4, s22, $0xb8;
	[tilespmem:$0x1C8C0] =	vst v63  }
0x48: {  	s14 =	simm.s32 @p0 $0x1FC5;
	[dreg:$0x14] =	wrdreg s5  }
0x49: {  	[tilespmem:s24], [sflag:$0x2] =	stream.indirect.gather [hbm4b:s1+s22], $0x80, s22, s22, $0xb8;
	[tilespmem:$0x1C8C0] =	vst v63  }
0x4a: {  	[spmem:s5], [sflag:s14] =	dma.local @p0 [hbm:s16], $0x2100  }
0x4b: {  	s14 =	simm.s32 @p0 $0x5  }
0x4c: {  	s5 =	stileid.u32;
	_ =	swait.ge @p0 [sflag:s14], $0x2100  }
0x4d: {  	s5 =	sshll.u32 @!p0 s5, $0x6;
	[sflag:s14] =	ssyncset.done @p0 $0x0  }
0x4e: {  	[sflag:s14] =	ssyncadd.s32 @p0 $0xFFFFDF00;
	s14 =	sor.u32 @!p0 $0x1C05, s5;
	s5 =	rddreg [dreg:$0x7]  }
0x4f: {  	s5 =	sshrl.u32 @!p0 s5, $0x3;
	[dreg:$0x15] =	wrdreg s14  }
0x50: {  	[dreg:$0x16] =	wrdreg s5  }
0x51: {  	[spmem:s5], [sflag:s14] =	dma.local @!p0 [hbm:s16], $0x2780  }
0x52: {  	s5 =	simm.s32 @!p0 $0x5  }
0x53: {  	_ =	swait.ge @!p0 [sflag:s5], $0x2780  }
0x54: {  	[sflag:s5] =	ssyncset.done @!p0 $0x0  }
0x55: {  	[sflag:s5] =	ssyncadd.s32 @!p0 $0xFFFFD880  }
0x56: {  	s14 =	simm.s32 $0x0;
	[bflag:$0x0] =	sbarrier.arrive $0xFFFF  }
.LBB2_2:
0x57: {  	s5 =	rddreg [dreg:$0xf]  }
0x58: {  	s16 =	sadd.s32 s14, s7;
	s5 =	sadd.s32 s14, s5  }
0x59: {  	[tilespmem:s25], [sflag:$0x4] =	stream.linear.gather [hbm4b:s5+s4], $0x400, $0x38;
	[tilespmem:$0x1C8C0] =	vst v63  }
0x5a: {  	s5 =	sadd.s32 $0x80, s16  }
0x5b: {  	[tilespmem:s26], [sflag:$0x4] =	stream.linear.gather [hbm4b:s5+s4], $0x400, $0x38;
	[tilespmem:$0x1C8C0] =	vst v63  }
0x5c: {  	_ =	swait.ge [sflag:s28], $0x4000  }
0x5d: {  	[sflag:s28] =	ssyncset.done $0x0  }
0x5e: {  	s17 =	simm.s32 $0x400;
	[sflag:s28] =	ssyncadd.s32 $0xFFFFC000  }
0x5f: {  	[spmem:s3] =	stream.indirect.scatter.add.f32 [tilespmem:s23], [sflag:$0x5], $0x80, s17, s22, $0xb8;
	[tilespmem:$0x1C8C0] =	vst v63  }
0x60: {  	_ =	swait.ge [sflag:s29], $0x4000  }
0x61: {  	[sflag:s29] =	ssyncset.done $0x0  }
0x62: {  	s16 =	simm.s32 $0x100;
	[sflag:s29] =	ssyncadd.s32 $0xFFFFC000  }
0x63: {  	[tilespmem:s23], [sflag:$0x1] =	stream.indirect.gather [hbm4b:s1+s22], $0x80, s16, s22, $0xb8;
	[tilespmem:$0x1C8C0] =	vst v63  }
0x64: {  	_ =	swait.ge [sflag:s31], $0x4000  }
0x65: {  	[sflag:s31] =	ssyncset.done $0x0  }
0x66: {  	s17 =	simm.s32 $0x480;
	[sflag:s31] =	ssyncadd.s32 $0xFFFFC000  }
0x67: {  	[spmem:s3] =	stream.indirect.scatter.add.f32 [tilespmem:s24], [sflag:$0x5], $0x80, s17, s22, $0xb8;
	[tilespmem:$0x1C8C0] =	vst v63  }
0x68: {  	_ =	swait.ge [sflag:s29], $0x4000  }
0x69: {  	[sflag:s29] =	ssyncset.done $0x0  }
0x6a: {  	s16 =	simm.s32 $0x180;
	[sflag:s29] =	ssyncadd.s32 $0xFFFFC000  }
0x6b: {  	[tilespmem:s24], [sflag:$0x2] =	stream.indirect.gather [hbm4b:s1+s22], $0x80, s16, s22, $0xb8;
	[tilespmem:$0x1C8C0] =	vst v63  }
0x6c: {  	_ =	swait.ge [sflag:s28], $0x4000  }
0x6d: {  	[sflag:s28] =	ssyncset.done $0x0  }
0x6e: {  	s17 =	simm.s32 $0x500;
	[sflag:s28] =	ssyncadd.s32 $0xFFFFC000  }
0x6f: {  	[spmem:s3] =	stream.indirect.scatter.add.f32 [tilespmem:s23], [sflag:$0x5], $0x80, s17, s22, $0xb8;
	[tilespmem:$0x1C8C0] =	vst v63  }
0x70: {  	_ =	swait.ge [sflag:s29], $0x4000  }
0x71: {  	[sflag:s29] =	ssyncset.done $0x0  }
0x72: {  	s16 =	simm.s32 $0x200;
	[sflag:s29] =	ssyncadd.s32 $0xFFFFC000  }
0x73: {  	[tilespmem:s23], [sflag:$0x1] =	stream.indirect.gather [hbm4b:s1+s22], $0x80, s16, s22, $0xb8;
	[tilespmem:$0x1C8C0] =	vst v63  }
0x74: {  	_ =	swait.ge [sflag:s31], $0x4000  }
0x75: {  	[sflag:s31] =	ssyncset.done $0x0  }
0x76: {  	s17 =	simm.s32 $0x580;
	[sflag:s31] =	ssyncadd.s32 $0xFFFFC000  }
0x77: {  	[spmem:s3] =	stream.indirect.scatter.add.f32 [tilespmem:s24], [sflag:$0x5], $0x80, s17, s22, $0xb8;
	[tilespmem:$0x1C8C0] =	vst v63  }
0x78: {  	_ =	swait.ge [sflag:s29], $0x4000  }
0x79: {  	[sflag:s29] =	ssyncset.done $0x0  }
0x7a: {  	s16 =	simm.s32 $0x280;
	[sflag:s29] =	ssyncadd.s32 $0xFFFFC000  }
0x7b: {  	[tilespmem:s24], [sflag:$0x2] =	stream.indirect.gather [hbm4b:s1+s22], $0x80, s16, s22, $0xb8;
	[tilespmem:$0x1C8C0] =	vst v63  }
0x7c: {  	_ =	swait.ge [sflag:s28], $0x4000  }
0x7d: {  	[sflag:s28] =	ssyncset.done $0x0  }
0x7e: {  	s17 =	simm.s32 $0x600;
	[sflag:s28] =	ssyncadd.s32 $0xFFFFC000  }
0x7f: {  	[spmem:s3] =	stream.indirect.scatter.add.f32 [tilespmem:s23], [sflag:$0x5], $0x80, s17, s22, $0xb8;
	[tilespmem:$0x1C8C0] =	vst v63  }
0x80: {  	_ =	swait.ge [sflag:s29], $0x4000  }
0x81: {  	[sflag:s29] =	ssyncset.done $0x0  }
0x82: {  	s16 =	simm.s32 $0x300;
	[sflag:s29] =	ssyncadd.s32 $0xFFFFC000  }
0x83: {  	[tilespmem:s23], [sflag:$0x1] =	stream.indirect.gather [hbm4b:s1+s22], $0x80, s16, s22, $0xb8;
	[tilespmem:$0x1C8C0] =	vst v63  }
0x84: {  	_ =	swait.ge [sflag:s31], $0x4000  }
0x85: {  	[sflag:s31] =	ssyncset.done $0x0  }
0x86: {  	s17 =	simm.s32 $0x680;
	[sflag:s31] =	ssyncadd.s32 $0xFFFFC000  }
0x87: {  	[spmem:s3] =	stream.indirect.scatter.add.f32 [tilespmem:s24], [sflag:$0x5], $0x80, s17, s22, $0xb8;
	[tilespmem:$0x1C8C0] =	vst v63  }
0x88: {  	_ =	swait.ge [sflag:s29], $0x4000  }
0x89: {  	[sflag:s29] =	ssyncset.done $0x0  }
0x8a: {  	s16 =	simm.s32 $0x380;
	[sflag:s29] =	ssyncadd.s32 $0xFFFFC000  }
0x8b: {  	[tilespmem:s24], [sflag:$0x2] =	stream.indirect.gather [hbm4b:s1+s22], $0x80, s16, s22, $0xb8;
	[tilespmem:$0x1C8C0] =	vst v63  }
0x8c: {  	_ =	swait.ge [sflag:s15], $0x400  }
0x8d: {  	[sflag:s15] =	ssyncset.done $0x0  }
0x8e: {  	[sflag:s15] =	ssyncadd.s32 $0xFFFFFC00  }
0x8f: {  	_ =	swait.ge [sflag:s15], $0x400  }
0x90: {  	[sflag:s15] =	ssyncset.done $0x0  }
0x91: {  	[sflag:s15] =	ssyncadd.s32 $0xFFFFFC00  }
0x92: {  	_ =	swait.ge [sflag:s28], $0x4000  }
0x93: {  	[sflag:s28] =	ssyncset.done $0x0  }
0x94: {  	s17 =	simm.s32 $0x700;
	[sflag:s28] =	ssyncadd.s32 $0xFFFFC000  }
0x95: {  	[spmem:s3] =	stream.indirect.scatter.add.f32 [tilespmem:s23], [sflag:$0x5], $0x80, s17, s22, $0xb8;
	[tilespmem:$0x1C8C0] =	vst v63  }
0x96: {  	_ =	swait.ge [sflag:s29], $0x4000  }
0x97: {  	[sflag:s29] =	ssyncset.done $0x0  }
0x98: {  	[sflag:s29] =	ssyncadd.s32 $0xFFFFC000  }
0x99: {  	[tilespmem:s23], [sflag:$0x1] =	stream.indirect.gather [hbm4b:s1+s22], $0x80, s25, s22, $0xb8;
	[tilespmem:$0x1C8C0] =	vst v63  }
0x9a: {  	_ =	swait.ge [sflag:s31], $0x4000  }
0x9b: {  	[sflag:s31] =	ssyncset.done $0x0  }
0x9c: {  	s16 =	simm.s32 $0x780;
	[sflag:s31] =	ssyncadd.s32 $0xFFFFC000  }
0x9d: {  	[spmem:s3] =	stream.indirect.scatter.add.f32 [tilespmem:s24], [sflag:$0x5], $0x80, s16, s22, $0xb8;
	[tilespmem:$0x1C8C0] =	vst v63  }
0x9e: {  	_ =	swait.ge [sflag:s29], $0x4000  }
0x9f: {  	p1 =	seq.s32 s14, $0x900;
	[sflag:s29] =	ssyncset.done $0x0  }
0xa0: {  	s17 =	simm.s32 $0x880;
	s5 =	rddreg [dreg:$0x10];
	[sflag:s29] =	ssyncadd.s32 $0xFFFFC000  }
0xa1: {  	[tilespmem:s24], [sflag:$0x2] =	stream.indirect.gather [hbm4b:s1+s22], $0x80, s17, s22, $0xb8;
	[tilespmem:$0x1C8C0] =	vst v63  }
0xa2: {  	s16 =	simm.s32 @!p1 $0x0;
	s5 =	sadd.s32 @!p1 s14, s5  }
0xa3: {  	[tilespmem:s16], [sflag:$0x3] =	stream.linear.gather @!p1 [hbm4b:s5+s16], $0x400, $0x38;
	[tilespmem:$0x1C8C0] =	vst v63  }
0xa4: {  	s5 =	sadd.s32 @!p1 s14, s7  }
0xa5: {  	s17 =	simm.s32 @!p1 $0x400;
	s5 =	sadd.s32 @!p1 $0x100, s5  }
0xa6: {  	[tilespmem:s17], [sflag:$0x3] =	stream.linear.gather @!p1 [hbm4b:s5+s16], $0x400, $0x38;
	[tilespmem:$0x1C8C0] =	vst v63  }
0xa7: {  	_ =	swait.ge [sflag:s28], $0x4000  }
0xa8: {  	[sflag:s28] =	ssyncset.done $0x0  }
0xa9: {  	[sflag:s28] =	ssyncadd.s32 $0xFFFFC000  }
0xaa: {  	[spmem:s3] =	stream.indirect.scatter.add.f32 [tilespmem:s23], [sflag:$0x5], $0x80, s26, s22, $0xb8;
	[tilespmem:$0x1C8C0] =	vst v63  }
0xab: {  	_ =	swait.ge [sflag:s29], $0x4000  }
0xac: {  	[sflag:s29] =	ssyncset.done $0x0  }
0xad: {  	[sflag:s29] =	ssyncadd.s32 $0xFFFFC000  }
0xae: {  	[tilespmem:s23], [sflag:$0x1] =	stream.indirect.gather [hbm4b:s1+s22], $0x80, s18, s22, $0xb8;
	[tilespmem:$0x1C8C0] =	vst v63  }
0xaf: {  	_ =	swait.ge [sflag:s31], $0x4000  }
0xb0: {  	[sflag:s31] =	ssyncset.done $0x0  }
0xb1: {  	[sflag:s31] =	ssyncadd.s32 $0xFFFFC000  }
0xb2: {  	[spmem:s3] =	stream.indirect.scatter.add.f32 [tilespmem:s24], [sflag:$0x5], $0x80, s19, s22, $0xb8;
	[tilespmem:$0x1C8C0] =	vst v63  }
0xb3: {  	_ =	swait.ge [sflag:s29], $0x4000  }
0xb4: {  	[sflag:s29] =	ssyncset.done $0x0  }
0xb5: {  	[sflag:s29] =	ssyncadd.s32 $0xFFFFC000  }
0xb6: {  	[tilespmem:s24], [sflag:$0x2] =	stream.indirect.gather [hbm4b:s1+s22], $0x80, s30, s22, $0xb8;
	[tilespmem:$0x1C8C0] =	vst v63  }
0xb7: {  	_ =	swait.ge [sflag:s28], $0x4000  }
0xb8: {  	[sflag:s28] =	ssyncset.done $0x0  }
0xb9: {  	[sflag:s28] =	ssyncadd.s32 $0xFFFFC000  }
0xba: {  	[spmem:s3] =	stream.indirect.scatter.add.f32 [tilespmem:s23], [sflag:$0x5], $0x80, s0, s22, $0xb8;
	[tilespmem:$0x1C8C0] =	vst v63  }
0xbb: {  	_ =	swait.ge [sflag:s29], $0x4000  }
0xbc: {  	[sflag:s29] =	ssyncset.done $0x0  }
0xbd: {  	[sflag:s29] =	ssyncadd.s32 $0xFFFFC000  }
0xbe: {  	[tilespmem:s23], [sflag:$0x1] =	stream.indirect.gather [hbm4b:s1+s22], $0x80, s2, s22, $0xb8;
	[tilespmem:$0x1C8C0] =	vst v63  }
0xbf: {  	_ =	swait.ge [sflag:s31], $0x4000  }
0xc0: {  	[sflag:s31] =	ssyncset.done $0x0  }
0xc1: {  	[sflag:s31] =	ssyncadd.s32 $0xFFFFC000  }
0xc2: {  	[spmem:s3] =	stream.indirect.scatter.add.f32 [tilespmem:s24], [sflag:$0x5], $0x80, s6, s22, $0xb8;
	[tilespmem:$0x1C8C0] =	vst v63  }
0xc3: {  	_ =	swait.ge [sflag:s29], $0x4000  }
0xc4: {  	[sflag:s29] =	ssyncset.done $0x0  }
0xc5: {  	[sflag:s29] =	ssyncadd.s32 $0xFFFFC000  }
0xc6: {  	[tilespmem:s24], [sflag:$0x2] =	stream.indirect.gather [hbm4b:s1+s22], $0x80, s8, s22, $0xb8;
	[tilespmem:$0x1C8C0] =	vst v63  }
0xc7: {  	_ =	swait.ge [sflag:s28], $0x4000  }
0xc8: {  	[sflag:s28] =	ssyncset.done $0x0  }
0xc9: {  	[sflag:s28] =	ssyncadd.s32 $0xFFFFC000  }
0xca: {  	[spmem:s3] =	stream.indirect.scatter.add.f32 [tilespmem:s23], [sflag:$0x5], $0x80, s20, s22, $0xb8;
	[tilespmem:$0x1C8C0] =	vst v63  }
0xcb: {  	_ =	swait.ge [sflag:s29], $0x4000  }
0xcc: {  	[sflag:s29] =	ssyncset.done $0x0  }
0xcd: {  	[sflag:s29] =	ssyncadd.s32 $0xFFFFC000  }
0xce: {  	[tilespmem:s23], [sflag:$0x1] =	stream.indirect.gather [hbm4b:s1+s22], $0x80, s9, s22, $0xb8;
	[tilespmem:$0x1C8C0] =	vst v63  }
0xcf: {  	_ =	swait.ge [sflag:s31], $0x4000  }
0xd0: {  	[sflag:s31] =	ssyncset.done $0x0  }
0xd1: {  	[sflag:s31] =	ssyncadd.s32 $0xFFFFC000  }
0xd2: {  	[spmem:s3] =	stream.indirect.scatter.add.f32 [tilespmem:s24], [sflag:$0x5], $0x80, s10, s22, $0xb8;
	[tilespmem:$0x1C8C0] =	vst v63  }
0xd3: {  	_ =	swait.ge [sflag:s29], $0x4000  }
0xd4: {  	[sflag:s29] =	ssyncset.done $0x0  }
0xd5: {  	[sflag:s29] =	ssyncadd.s32 $0xFFFFC000  }
0xd6: {  	[tilespmem:s24], [sflag:$0x2] =	stream.indirect.gather [hbm4b:s1+s22], $0x80, s11, s22, $0xb8;
	[tilespmem:$0x1C8C0] =	vst v63  }
0xd7: {  	_ =	swait.ge [sflag:s28], $0x4000  }
0xd8: {  	[sflag:s28] =	ssyncset.done $0x0  }
.Ltmp2:
0xd9: {  	[sflag:s28] =	ssyncadd.s32 $0xFFFFC000;
	(pc) =	sbr.rel @p1 .LBB2_4-.Ltmp2, $4  }
0xda: {  	[spmem:s3] =	stream.indirect.scatter.add.f32 [tilespmem:s23], [sflag:$0x5], $0x80, s12, s22, $0xb8;
	[tilespmem:$0x1C8C0] =	vst v63  }
0xdb: {  	_ =	swait.ge [sflag:s29], $0x4000  }
0xdc: {  	[sflag:s29] =	ssyncset.done $0x0  }
0xdd: {  	[sflag:s29] =	ssyncadd.s32 $0xFFFFC000  }
0xde: {  	_ =	swait.ge [sflag:s21], $0x400  }
0xdf: {  	[sflag:s21] =	ssyncset.done $0x0  }
0xe0: {  	[sflag:s21] =	ssyncadd.s32 $0xFFFFFC00  }
0xe1: {  	_ =	swait.ge [sflag:s21], $0x400  }
0xe2: {  	[sflag:s21] =	ssyncset.done $0x0  }
0xe3: {  	[sflag:s21] =	ssyncadd.s32 $0xFFFFFC00  }
0xe4: {  	[tilespmem:s23], [sflag:$0x1] =	stream.indirect.gather [hbm4b:s1+s22], $0x80, s4, s22, $0xb8;
	[tilespmem:$0x1C8C0] =	vst v63  }
0xe5: {  	_ =	swait.ge [sflag:s31], $0x4000  }
0xe6: {  	[sflag:s31] =	ssyncset.done $0x0  }
0xe7: {  	[sflag:s31] =	ssyncadd.s32 $0xFFFFC000  }
0xe8: {  	[spmem:s3] =	stream.indirect.scatter.add.f32 [tilespmem:s24], [sflag:$0x5], $0x80, s13, s22, $0xb8;
	[tilespmem:$0x1C8C0] =	vst v63  }
.Ltmp3:
0xe9: {  	_ = 	snop;
	(pc) =	sbr.rel .LBB2_2-.Ltmp3, $4  }
0xea: {  	_ =	swait.ge [sflag:s29], $0x4000  }
0xeb: {  	[sflag:s29] =	ssyncset.done $0x0  }
0xec: {  	s14 =	sadd.s32 $0x100, s14;
	[sflag:s29] =	ssyncadd.s32 $0xFFFFC000  }
0xed: {  	[tilespmem:s24], [sflag:$0x2] =	stream.indirect.gather [hbm4b:s1+s22], $0x80, s22, s22, $0xb8;
	[tilespmem:$0x1C8C0] =	vst v63  }
.LBB2_4:
0xee: {  	_ =	swait.ge [sflag:s31], $0x4000  }
0xef: {  	[sflag:s31] =	ssyncset.done $0x0  }
0xf0: {  	[sflag:s31] =	ssyncadd.s32 $0xFFFFC000  }
0xf1: {  	[spmem:s3] =	stream.indirect.scatter.add.f32 [tilespmem:s24], [sflag:$0x5], $0x80, s13, s22, $0xb8;
	[tilespmem:$0x1C8C0] =	vst v63  }
0xf2: {  	_ =	swait.ge [sflag:s29], $0x4000  }
0xf3: {  	[sflag:s29] =	ssyncset.done $0x0  }
0xf4: {  	[sflag:s29] =	ssyncadd.s32 $0xFFFFC000  }
0xf5: {  	[bflag:$0x0] =	sbarrier.arrive $0xFFFF  }
0xf6: {  	s14 =	rddreg [dreg:$0xa]  }
0xf7: {  	s5 =	simm.s32 @p0 $0x1FC5;
	s16 =	rddreg [dreg:$0x14]  }
0xf8: {  	[hbm:s14], [sflag:s5] =	dma.local @p0 [spmem:s16], $0x2080  }
0xf9: {  	s14 =	simm.s32 @p0 $0x5  }
0xfa: {  	_ =	swait.ge @p0 [sflag:s14], $0x2080  }
0xfb: {  	s16 =	rddreg [dreg:$0x9]  }
0xfc: {  	[sflag:s14] =	ssyncset.done @p0 $0x0;
	s5 =	rddreg [dreg:$0x15]  }
0xfd: {  	s17 =	rddreg [dreg:$0x16];
	[sflag:s14] =	ssyncadd.s32 @p0 $0xFFFFDF80  }
0xfe: {  	[hbm:s16], [sflag:s5] =	dma.local @!p0 [spmem:s17], $0x2780  }
0xff: {  	s16 =	simm.s32 @!p0 $0x5  }
0x100: {  	_ =	swait.ge @!p0 [sflag:s16], $0x2780  }
0x101: {  	[sflag:s16] =	ssyncset.done @!p0 $0x0  }
0x102: {  	[sflag:s16] =	ssyncadd.s32 @!p0 $0xFFFFD880  }
0x103: {  	[bflag:$0x0] =	sbarrier.arrive $0xFFFF  }
0x104: {  	s5 =	rddreg [dreg:$0xb]  }
0x105: {  	[tilespmem:s4], [sflag:$0x3] =	stream.linear.gather [hbm4b:s5+s4], $0x400, $0x38;
	[tilespmem:$0x1C8C0] =	vst v63  }
0x106: {  	s18 =	simm.s32 $0x400  }
0x107: {  	[tilespmem:s18], [sflag:$0x3] =	stream.linear.gather [hbm4b:s7+s4], $0x400, $0x38;
	[tilespmem:$0x1C8C0] =	vst v63  }
0x108: {  	_ =	swait.ge [sflag:s21], $0x400  }
0x109: {  	[sflag:s21] =	ssyncset.done $0x0  }
0x10a: {  	[sflag:s21] =	ssyncadd.s32 $0xFFFFFC00  }
0x10b: {  	_ =	swait.ge [sflag:s21], $0x400  }
0x10c: {  	[sflag:s21] =	ssyncset.done $0x0  }
0x10d: {  	s17 =	rddreg [dreg:$0x5];
	[sflag:s21] =	ssyncadd.s32 $0xFFFFFC00  }
0x10e: {  	[tilespmem:s23], [sflag:$0x1] =	stream.indirect.gather [hbm4b:s1+s22], $0x80, s4, s22, $0xb8;
	[tilespmem:$0x1C8C0] =	vst v63  }
0x10f: {  	s18 =	simm.s32 @p0 $0x1FC5;
	s5 =	rddreg [dreg:$0x14]  }
0x110: {  	[tilespmem:s24], [sflag:$0x2] =	stream.indirect.gather [hbm4b:s1+s22], $0x80, s22, s22, $0xb8;
	[tilespmem:$0x1C8C0] =	vst v63  }
0x111: {  	[spmem:s5], [sflag:s18] =	dma.local @p0 [hbm:s17], $0x2100  }
0x112: {  	_ =	swait.ge @p0 [sflag:s14], $0x2100  }
0x113: {  	[sflag:s14] =	ssyncset.done @p0 $0x0;
	s5 =	rddreg [dreg:$0x15]  }
0x114: {  	[sflag:s14] =	ssyncadd.s32 @p0 $0xFFFFDF00;
	s14 =	rddreg [dreg:$0x16]  }
0x115: {  	[spmem:s14], [sflag:s5] =	dma.local @!p0 [hbm:s17], $0x2780  }
0x116: {  	_ =	swait.ge @!p0 [sflag:s16], $0x2780  }
0x117: {  	[sflag:s16] =	ssyncset.done @!p0 $0x0  }
0x118: {  	[sflag:s16] =	ssyncadd.s32 @!p0 $0xFFFFD880  }
0x119: {  	s18 =	simm.s32 $0x900;
	s14 =	simm.s32 $0x0;
	[bflag:$0x0] =	sbarrier.arrive $0xFFFF  }
.LBB2_5:
0x11a: {  	s5 =	rddreg [dreg:$0x11]  }
0x11b: {  	s16 =	sadd.s32 s14, s7;
	s5 =	sadd.s32 s14, s5  }
0x11c: {  	[tilespmem:s25], [sflag:$0x4] =	stream.linear.gather [hbm4b:s5+s4], $0x400, $0x38;
	[tilespmem:$0x1C8C0] =	vst v63  }
0x11d: {  	s5 =	sadd.s32 $0x80, s16  }
0x11e: {  	[tilespmem:s26], [sflag:$0x4] =	stream.linear.gather [hbm4b:s5+s4], $0x400, $0x38;
	[tilespmem:$0x1C8C0] =	vst v63  }
0x11f: {  	_ =	swait.ge [sflag:s28], $0x4000  }
0x120: {  	[sflag:s28] =	ssyncset.done $0x0  }
0x121: {  	s17 =	simm.s32 $0x400;
	[sflag:s28] =	ssyncadd.s32 $0xFFFFC000  }
0x122: {  	[spmem:s3] =	stream.indirect.scatter.add.f32 [tilespmem:s23], [sflag:$0x5], $0x80, s17, s22, $0xb8;
	[tilespmem:$0x1C8C0] =	vst v63  }
0x123: {  	_ =	swait.ge [sflag:s29], $0x4000  }
0x124: {  	[sflag:s29] =	ssyncset.done $0x0  }
0x125: {  	s16 =	simm.s32 $0x100;
	[sflag:s29] =	ssyncadd.s32 $0xFFFFC000  }
0x126: {  	[tilespmem:s23], [sflag:$0x1] =	stream.indirect.gather [hbm4b:s1+s22], $0x80, s16, s22, $0xb8;
	[tilespmem:$0x1C8C0] =	vst v63  }
0x127: {  	_ =	swait.ge [sflag:s31], $0x4000  }
0x128: {  	[sflag:s31] =	ssyncset.done $0x0  }
0x129: {  	s17 =	simm.s32 $0x480;
	[sflag:s31] =	ssyncadd.s32 $0xFFFFC000  }
0x12a: {  	[spmem:s3] =	stream.indirect.scatter.add.f32 [tilespmem:s24], [sflag:$0x5], $0x80, s17, s22, $0xb8;
	[tilespmem:$0x1C8C0] =	vst v63  }
0x12b: {  	_ =	swait.ge [sflag:s29], $0x4000  }
0x12c: {  	[sflag:s29] =	ssyncset.done $0x0  }
0x12d: {  	s16 =	simm.s32 $0x180;
	[sflag:s29] =	ssyncadd.s32 $0xFFFFC000  }
0x12e: {  	[tilespmem:s24], [sflag:$0x2] =	stream.indirect.gather [hbm4b:s1+s22], $0x80, s16, s22, $0xb8;
	[tilespmem:$0x1C8C0] =	vst v63  }
0x12f: {  	_ =	swait.ge [sflag:s28], $0x4000  }
0x130: {  	[sflag:s28] =	ssyncset.done $0x0  }
0x131: {  	s17 =	simm.s32 $0x500;
	[sflag:s28] =	ssyncadd.s32 $0xFFFFC000  }
0x132: {  	[spmem:s3] =	stream.indirect.scatter.add.f32 [tilespmem:s23], [sflag:$0x5], $0x80, s17, s22, $0xb8;
	[tilespmem:$0x1C8C0] =	vst v63  }
0x133: {  	_ =	swait.ge [sflag:s29], $0x4000  }
0x134: {  	[sflag:s29] =	ssyncset.done $0x0  }
0x135: {  	s16 =	simm.s32 $0x200;
	[sflag:s29] =	ssyncadd.s32 $0xFFFFC000  }
0x136: {  	[tilespmem:s23], [sflag:$0x1] =	stream.indirect.gather [hbm4b:s1+s22], $0x80, s16, s22, $0xb8;
	[tilespmem:$0x1C8C0] =	vst v63  }
0x137: {  	_ =	swait.ge [sflag:s31], $0x4000  }
0x138: {  	[sflag:s31] =	ssyncset.done $0x0  }
0x139: {  	s17 =	simm.s32 $0x580;
	[sflag:s31] =	ssyncadd.s32 $0xFFFFC000  }
0x13a: {  	[spmem:s3] =	stream.indirect.scatter.add.f32 [tilespmem:s24], [sflag:$0x5], $0x80, s17, s22, $0xb8;
	[tilespmem:$0x1C8C0] =	vst v63  }
0x13b: {  	_ =	swait.ge [sflag:s29], $0x4000  }
0x13c: {  	[sflag:s29] =	ssyncset.done $0x0  }
0x13d: {  	s16 =	simm.s32 $0x280;
	[sflag:s29] =	ssyncadd.s32 $0xFFFFC000  }
0x13e: {  	[tilespmem:s24], [sflag:$0x2] =	stream.indirect.gather [hbm4b:s1+s22], $0x80, s16, s22, $0xb8;
	[tilespmem:$0x1C8C0] =	vst v63  }
0x13f: {  	_ =	swait.ge [sflag:s28], $0x4000  }
0x140: {  	[sflag:s28] =	ssyncset.done $0x0  }
0x141: {  	s17 =	simm.s32 $0x600;
	[sflag:s28] =	ssyncadd.s32 $0xFFFFC000  }
0x142: {  	[spmem:s3] =	stream.indirect.scatter.add.f32 [tilespmem:s23], [sflag:$0x5], $0x80, s17, s22, $0xb8;
	[tilespmem:$0x1C8C0] =	vst v63  }
0x143: {  	_ =	swait.ge [sflag:s29], $0x4000  }
0x144: {  	[sflag:s29] =	ssyncset.done $0x0  }
0x145: {  	s16 =	simm.s32 $0x300;
	[sflag:s29] =	ssyncadd.s32 $0xFFFFC000  }
0x146: {  	[tilespmem:s23], [sflag:$0x1] =	stream.indirect.gather [hbm4b:s1+s22], $0x80, s16, s22, $0xb8;
	[tilespmem:$0x1C8C0] =	vst v63  }
0x147: {  	_ =	swait.ge [sflag:s31], $0x4000  }
0x148: {  	[sflag:s31] =	ssyncset.done $0x0  }
0x149: {  	s17 =	simm.s32 $0x680;
	[sflag:s31] =	ssyncadd.s32 $0xFFFFC000  }
0x14a: {  	[spmem:s3] =	stream.indirect.scatter.add.f32 [tilespmem:s24], [sflag:$0x5], $0x80, s17, s22, $0xb8;
	[tilespmem:$0x1C8C0] =	vst v63  }
0x14b: {  	_ =	swait.ge [sflag:s29], $0x4000  }
0x14c: {  	[sflag:s29] =	ssyncset.done $0x0  }
0x14d: {  	s16 =	simm.s32 $0x380;
	[sflag:s29] =	ssyncadd.s32 $0xFFFFC000  }
0x14e: {  	[tilespmem:s24], [sflag:$0x2] =	stream.indirect.gather [hbm4b:s1+s22], $0x80, s16, s22, $0xb8;
	[tilespmem:$0x1C8C0] =	vst v63  }
0x14f: {  	_ =	swait.ge [sflag:s15], $0x400  }
0x150: {  	[sflag:s15] =	ssyncset.done $0x0  }
0x151: {  	[sflag:s15] =	ssyncadd.s32 $0xFFFFFC00  }
0x152: {  	_ =	swait.ge [sflag:s15], $0x400  }
0x153: {  	[sflag:s15] =	ssyncset.done $0x0  }
0x154: {  	[sflag:s15] =	ssyncadd.s32 $0xFFFFFC00  }
0x155: {  	_ =	swait.ge [sflag:s28], $0x4000  }
0x156: {  	[sflag:s28] =	ssyncset.done $0x0  }
0x157: {  	s17 =	simm.s32 $0x700;
	[sflag:s28] =	ssyncadd.s32 $0xFFFFC000  }
0x158: {  	[spmem:s3] =	stream.indirect.scatter.add.f32 [tilespmem:s23], [sflag:$0x5], $0x80, s17, s22, $0xb8;
	[tilespmem:$0x1C8C0] =	vst v63  }
0x159: {  	_ =	swait.ge [sflag:s29], $0x4000  }
0x15a: {  	[sflag:s29] =	ssyncset.done $0x0  }
0x15b: {  	[sflag:s29] =	ssyncadd.s32 $0xFFFFC000  }
0x15c: {  	[tilespmem:s23], [sflag:$0x1] =	stream.indirect.gather [hbm4b:s1+s22], $0x80, s25, s22, $0xb8;
	[tilespmem:$0x1C8C0] =	vst v63  }
0x15d: {  	_ =	swait.ge [sflag:s31], $0x4000  }
0x15e: {  	[sflag:s31] =	ssyncset.done $0x0  }
0x15f: {  	s16 =	simm.s32 $0x780;
	[sflag:s31] =	ssyncadd.s32 $0xFFFFC000  }
0x160: {  	[spmem:s3] =	stream.indirect.scatter.add.f32 [tilespmem:s24], [sflag:$0x5], $0x80, s16, s22, $0xb8;
	[tilespmem:$0x1C8C0] =	vst v63  }
0x161: {  	_ =	swait.ge [sflag:s29], $0x4000  }
0x162: {  	p1 =	seq.s32 s14, $0x900;
	[sflag:s29] =	ssyncset.done $0x0  }
0x163: {  	s17 =	simm.s32 $0x880;
	s5 =	rddreg [dreg:$0x12];
	[sflag:s29] =	ssyncadd.s32 $0xFFFFC000  }
0x164: {  	[tilespmem:s24], [sflag:$0x2] =	stream.indirect.gather [hbm4b:s1+s22], $0x80, s17, s22, $0xb8;
	[tilespmem:$0x1C8C0] =	vst v63  }
0x165: {  	s16 =	simm.s32 @!p1 $0x0;
	s5 =	sadd.s32 @!p1 s14, s5  }
0x166: {  	[tilespmem:s16], [sflag:$0x3] =	stream.linear.gather @!p1 [hbm4b:s5+s16], $0x400, $0x38;
	[tilespmem:$0x1C8C0] =	vst v63  }
0x167: {  	s5 =	sadd.s32 @!p1 s14, s7  }
0x168: {  	s17 =	simm.s32 @!p1 $0x400;
	s5 =	sadd.s32 @!p1 $0x100, s5  }
0x169: {  	[tilespmem:s17], [sflag:$0x3] =	stream.linear.gather @!p1 [hbm4b:s5+s16], $0x400, $0x38;
	[tilespmem:$0x1C8C0] =	vst v63  }
0x16a: {  	_ =	swait.ge [sflag:s28], $0x4000  }
0x16b: {  	[sflag:s28] =	ssyncset.done $0x0  }
0x16c: {  	[sflag:s28] =	ssyncadd.s32 $0xFFFFC000  }
0x16d: {  	[spmem:s3] =	stream.indirect.scatter.add.f32 [tilespmem:s23], [sflag:$0x5], $0x80, s26, s22, $0xb8;
	[tilespmem:$0x1C8C0] =	vst v63  }
0x16e: {  	_ =	swait.ge [sflag:s29], $0x4000  }
0x16f: {  	[sflag:s29] =	ssyncset.done $0x0  }
0x170: {  	[sflag:s29] =	ssyncadd.s32 $0xFFFFC000  }
0x171: {  	[tilespmem:s23], [sflag:$0x1] =	stream.indirect.gather [hbm4b:s1+s22], $0x80, s18, s22, $0xb8;
	[tilespmem:$0x1C8C0] =	vst v63  }
0x172: {  	_ =	swait.ge [sflag:s31], $0x4000  }
0x173: {  	[sflag:s31] =	ssyncset.done $0x0  }
0x174: {  	[sflag:s31] =	ssyncadd.s32 $0xFFFFC000  }
0x175: {  	[spmem:s3] =	stream.indirect.scatter.add.f32 [tilespmem:s24], [sflag:$0x5], $0x80, s19, s22, $0xb8;
	[tilespmem:$0x1C8C0] =	vst v63  }
0x176: {  	_ =	swait.ge [sflag:s29], $0x4000  }
0x177: {  	[sflag:s29] =	ssyncset.done $0x0  }
0x178: {  	[sflag:s29] =	ssyncadd.s32 $0xFFFFC000  }
0x179: {  	[tilespmem:s24], [sflag:$0x2] =	stream.indirect.gather [hbm4b:s1+s22], $0x80, s30, s22, $0xb8;
	[tilespmem:$0x1C8C0] =	vst v63  }
0x17a: {  	_ =	swait.ge [sflag:s28], $0x4000  }
0x17b: {  	[sflag:s28] =	ssyncset.done $0x0  }
0x17c: {  	[sflag:s28] =	ssyncadd.s32 $0xFFFFC000  }
0x17d: {  	[spmem:s3] =	stream.indirect.scatter.add.f32 [tilespmem:s23], [sflag:$0x5], $0x80, s0, s22, $0xb8;
	[tilespmem:$0x1C8C0] =	vst v63  }
0x17e: {  	_ =	swait.ge [sflag:s29], $0x4000  }
0x17f: {  	[sflag:s29] =	ssyncset.done $0x0  }
0x180: {  	[sflag:s29] =	ssyncadd.s32 $0xFFFFC000  }
0x181: {  	[tilespmem:s23], [sflag:$0x1] =	stream.indirect.gather [hbm4b:s1+s22], $0x80, s2, s22, $0xb8;
	[tilespmem:$0x1C8C0] =	vst v63  }
0x182: {  	_ =	swait.ge [sflag:s31], $0x4000  }
0x183: {  	[sflag:s31] =	ssyncset.done $0x0  }
0x184: {  	[sflag:s31] =	ssyncadd.s32 $0xFFFFC000  }
0x185: {  	[spmem:s3] =	stream.indirect.scatter.add.f32 [tilespmem:s24], [sflag:$0x5], $0x80, s6, s22, $0xb8;
	[tilespmem:$0x1C8C0] =	vst v63  }
0x186: {  	_ =	swait.ge [sflag:s29], $0x4000  }
0x187: {  	[sflag:s29] =	ssyncset.done $0x0  }
0x188: {  	[sflag:s29] =	ssyncadd.s32 $0xFFFFC000  }
0x189: {  	[tilespmem:s24], [sflag:$0x2] =	stream.indirect.gather [hbm4b:s1+s22], $0x80, s8, s22, $0xb8;
	[tilespmem:$0x1C8C0] =	vst v63  }
0x18a: {  	_ =	swait.ge [sflag:s28], $0x4000  }
0x18b: {  	[sflag:s28] =	ssyncset.done $0x0  }
0x18c: {  	[sflag:s28] =	ssyncadd.s32 $0xFFFFC000  }
0x18d: {  	[spmem:s3] =	stream.indirect.scatter.add.f32 [tilespmem:s23], [sflag:$0x5], $0x80, s20, s22, $0xb8;
	[tilespmem:$0x1C8C0] =	vst v63  }
0x18e: {  	_ =	swait.ge [sflag:s29], $0x4000  }
0x18f: {  	[sflag:s29] =	ssyncset.done $0x0  }
0x190: {  	[sflag:s29] =	ssyncadd.s32 $0xFFFFC000  }
0x191: {  	[tilespmem:s23], [sflag:$0x1] =	stream.indirect.gather [hbm4b:s1+s22], $0x80, s9, s22, $0xb8;
	[tilespmem:$0x1C8C0] =	vst v63  }
0x192: {  	_ =	swait.ge [sflag:s31], $0x4000  }
0x193: {  	[sflag:s31] =	ssyncset.done $0x0  }
0x194: {  	[sflag:s31] =	ssyncadd.s32 $0xFFFFC000  }
0x195: {  	[spmem:s3] =	stream.indirect.scatter.add.f32 [tilespmem:s24], [sflag:$0x5], $0x80, s10, s22, $0xb8;
	[tilespmem:$0x1C8C0] =	vst v63  }
0x196: {  	_ =	swait.ge [sflag:s29], $0x4000  }
0x197: {  	[sflag:s29] =	ssyncset.done $0x0  }
0x198: {  	[sflag:s29] =	ssyncadd.s32 $0xFFFFC000  }
0x199: {  	[tilespmem:s24], [sflag:$0x2] =	stream.indirect.gather [hbm4b:s1+s22], $0x80, s11, s22, $0xb8;
	[tilespmem:$0x1C8C0] =	vst v63  }
0x19a: {  	_ =	swait.ge [sflag:s28], $0x4000  }
0x19b: {  	[sflag:s28] =	ssyncset.done $0x0  }
.Ltmp4:
0x19c: {  	[sflag:s28] =	ssyncadd.s32 $0xFFFFC000;
	(pc) =	sbr.rel @p1 .LBB2_7-.Ltmp4, $4  }
0x19d: {  	[spmem:s3] =	stream.indirect.scatter.add.f32 [tilespmem:s23], [sflag:$0x5], $0x80, s12, s22, $0xb8;
	[tilespmem:$0x1C8C0] =	vst v63  }
0x19e: {  	_ =	swait.ge [sflag:s29], $0x4000  }
0x19f: {  	[sflag:s29] =	ssyncset.done $0x0  }
0x1a0: {  	[sflag:s29] =	ssyncadd.s32 $0xFFFFC000  }
0x1a1: {  	_ =	swait.ge [sflag:s21], $0x400  }
0x1a2: {  	[sflag:s21] =	ssyncset.done $0x0  }
0x1a3: {  	[sflag:s21] =	ssyncadd.s32 $0xFFFFFC00  }
0x1a4: {  	_ =	swait.ge [sflag:s21], $0x400  }
0x1a5: {  	[sflag:s21] =	ssyncset.done $0x0  }
0x1a6: {  	[sflag:s21] =	ssyncadd.s32 $0xFFFFFC00  }
0x1a7: {  	[tilespmem:s23], [sflag:$0x1] =	stream.indirect.gather [hbm4b:s1+s22], $0x80, s4, s22, $0xb8;
	[tilespmem:$0x1C8C0] =	vst v63  }
0x1a8: {  	_ =	swait.ge [sflag:s31], $0x4000  }
0x1a9: {  	[sflag:s31] =	ssyncset.done $0x0  }
0x1aa: {  	[sflag:s31] =	ssyncadd.s32 $0xFFFFC000  }
0x1ab: {  	[spmem:s3] =	stream.indirect.scatter.add.f32 [tilespmem:s24], [sflag:$0x5], $0x80, s13, s22, $0xb8;
	[tilespmem:$0x1C8C0] =	vst v63  }
.Ltmp5:
0x1ac: {  	_ = 	snop;
	(pc) =	sbr.rel .LBB2_5-.Ltmp5, $4  }
0x1ad: {  	_ =	swait.ge [sflag:s29], $0x4000  }
0x1ae: {  	[sflag:s29] =	ssyncset.done $0x0  }
0x1af: {  	s14 =	sadd.s32 $0x100, s14;
	[sflag:s29] =	ssyncadd.s32 $0xFFFFC000  }
0x1b0: {  	[tilespmem:s24], [sflag:$0x2] =	stream.indirect.gather [hbm4b:s1+s22], $0x80, s22, s22, $0xb8;
	[tilespmem:$0x1C8C0] =	vst v63  }
.LBB2_8:
0x1b1: {  	_ =	sfence.sel $0x180000  }
0x1b2: {  	[bflag:$0x0] =	sbarrier.arrive $0xFFFF  }
0x1b3: {  	_ =	strace $0x90000047  }
0x1b4: {  	s0 =	stileid.u32;
	[bflag:$0x2] =	sbarrier.arrive $0xFFFF  }
0x1b5: {  	p0 =	sne.s32 s0, $0x0;
	s0 =	rddreg [dreg:$0x4]  }
0x1b6: {  	s0 =	sadd.s32 @!p0 $0x100000, s0  }
0x1b7: {  	[sflag:s0] =	ssyncadd.tile.s32 @!p0 $0x1;
	_ =	shalt  }
.Lfunc_end2:
_tile_overlayer_lowered:
.L_overlay_start_2:
0x1b8: {  	(tag) =	ssettag $0x2  }
0x1b9: {  	s0 =	rddreg [dreg:$0x0];
	s2 =	stileid.u32  }
0x1ba: {  	s1 =	rddreg [dreg:$0x1];
	p0 =	sne.s32 s2, $0x0  }
0x1bb: {  	s3 =	rddreg [dreg:$0x2];
	[bflag:$0x3] =	sbarrier.arrive $0xFFFF;
	s2 =	simm.s32 @!p0 $0x1C05  }
0x1bc: {  	[timem:s3], [sflag:s2] =	dma.local @!p0 [hbm:s0], s1  }
0x1bd: {  	s0 =	simm.s32 @!p0 $0x5  }
0x1be: {  	_ =	swait.ge @!p0 [sflag:s0], s1  }
0x1bf: {  	s1 =	ssub.s32 @!p0 $0x0, s1;
	[sflag:s0] =	ssyncset.done @!p0 $0x0  }
0x1c0: {  	[sflag:s0] =	ssyncadd.s32 @!p0 s1  }
0x1c1: {  	[bflag:$0x3] =	sbarrier.arrive $0xFFFF  }
0x1c2: {  	_ =	shalt  }

</sc_bundles>
